<compile_context>
chip_gen: v7x
topology: tpu7x:2x2x1
jax: 0.10.2.dev20260603
libtpu: 0.0.44.dev20260713+nightly
codegen_flags: <defaults>
</compile_context>

<pallas_src>
import functools

import jax
import jax.numpy as jnp
from jax import lax
from jax.experimental import pallas as pl
from jax.experimental.pallas import tpu as pltpu
from jax.experimental.pallas import tpu_sc as plsc

N_NODES = 100000
IN_C = 8
HID = 32

NC = 2
NS = 16
NW = NC * NS

CHUNK = 256
N_PAD = 100096
STRIPE = N_PAD // NS
NP16 = N_PAD // 16
TCG = 17
RB = NP16 // TCG

E = 3200000
DROW = E // CHUNK
ROWS_PT = 392
SB2 = 4
SB1 = 4

_mesh = plsc.VectorSubcoreMesh(core_axis_name="c", subcore_axis_name="s")
_no_tc_tiling = pltpu.CompilerParams(use_tc_tiling_on_sc=False)


@functools.partial(
    pl.kernel,
    out_type=jax.ShapeDtypeStruct((NC * N_PAD,), jnp.float32),
    mesh=_mesh,
    scratch_types=[
        pltpu.VMEM((SB1, CHUNK), jnp.int32),
        pltpu.VMEM((SB1, CHUNK), jnp.int32),
        pltpu.VMEM((CHUNK,), jnp.float32),
        pltpu.VMEM((STRIPE,), jnp.float32),
        pltpu.SemaphoreType.DMA,
        pltpu.SemaphoreType.DMA,
        pltpu.SemaphoreType.DMA,
        pltpu.VMEM_SHARED((N_PAD,), jnp.float32),
    ],
    compiler_params=_no_tc_tiling,
)
def _count_kernel(ei2_hbm, z1_hbm, ones_hbm, cnt_hbm, diA, diB, ones,
                  stage, semA, semB, semS, cnt_sh):
    c = lax.axis_index("c")
    s = lax.axis_index("s")
    w = s * NC + c
    row0 = DROW + w * ROWS_PT
    nblk = jnp.minimum(ROWS_PT, DROW - w * ROWS_PT) // SB1
    pltpu.sync_copy(z1_hbm, stage)
    pltpu.sync_copy(stage, cnt_sh.at[pl.ds(s * STRIPE, STRIPE)])
    pltpu.sync_copy(ones_hbm, ones)
    plsc.subcore_barrier()

    def fetch(blk, di, sem):
        pltpu.async_copy(ei2_hbm.at[pl.ds(row0 + blk * SB1, SB1), :], di, sem)

    def process(blk, di, sem):
        pltpu.make_async_copy(ei2_hbm.at[pl.ds(0, SB1), :], di, sem).wait()
        scat = [pltpu.async_copy(ones, cnt_sh.at[di.at[k]], semS, add=True)
                for k in range(SB1)]
        for d in scat:
            d.wait()

        @pl.when(blk + 2 < nblk)
        def _():
            fetch(blk + 2, di, sem)

    fetch(0, diA, semA)
    fetch(1, diB, semB)

    def body(i, carry):
        process(2 * i, diA, semA)
        process(2 * i + 1, diB, semB)
        return carry

    lax.fori_loop(0, nblk // 2, body, 0)

    @pl.when(nblk % 2 == 1)
    def _():
        process(nblk - 1, diA, semA)

    plsc.subcore_barrier()
    pltpu.sync_copy(cnt_sh.at[pl.ds(s * STRIPE, STRIPE)], stage)
    pltpu.sync_copy(stage, cnt_hbm.at[pl.ds(c * N_PAD + s * STRIPE, STRIPE)])


@functools.partial(
    pl.kernel,
    out_type=jax.ShapeDtypeStruct((NC, N_PAD, IN_C), jnp.float32),
    mesh=_mesh,
    scratch_types=[
        pltpu.VMEM((SB2, CHUNK), jnp.int32),
        pltpu.VMEM((SB2, CHUNK), jnp.int32),
        pltpu.VMEM((SB2, CHUNK, IN_C), jnp.float32),
        pltpu.VMEM((SB2, CHUNK), jnp.int32),
        pltpu.VMEM((SB2, CHUNK), jnp.int32),
        pltpu.VMEM((SB2, CHUNK, IN_C), jnp.float32),
        pltpu.VMEM((STRIPE, IN_C), jnp.float32),
        pltpu.SemaphoreType.DMA,
        pltpu.SemaphoreType.DMA,
        pltpu.SemaphoreType.DMA,
        pltpu.SemaphoreType.DMA,
        pltpu.VMEM_SHARED((N_PAD, IN_C), jnp.float32),
    ],
    compiler_params=_no_tc_tiling,
)
def _agg_kernel(ei2_hbm, xs_hbm, z2_hbm, out_hbm, siA, diA, rA, siB, diB,
                rB, stage, semA, semB, semG, semS, acc):
    c = lax.axis_index("c")
    s = lax.axis_index("s")
    w = s * NC + c
    row0 = w * ROWS_PT
    nblk = jnp.minimum(ROWS_PT, DROW - w * ROWS_PT) // SB2
    pltpu.sync_copy(z2_hbm, stage)
    pltpu.sync_copy(stage, acc.at[pl.ds(s * STRIPE, STRIPE), :])
    plsc.subcore_barrier()

    def fetch(blk, si, di, sem):
        pltpu.async_copy(ei2_hbm.at[pl.ds(row0 + blk * SB2, SB2), :], si, sem)
        pltpu.async_copy(ei2_hbm.at[pl.ds(DROW + row0 + blk * SB2, SB2), :],
                         di, sem)

    def process(blk, si, di, rr, sem):
        pltpu.make_async_copy(ei2_hbm.at[pl.ds(0, SB2), :], si, sem).wait()
        pltpu.make_async_copy(ei2_hbm.at[pl.ds(0, SB2), :], di, sem).wait()
        gat = [pltpu.async_copy(xs_hbm.at[si.at[k]], rr.at[k], semG)
               for k in range(SB2)]
        scat = []
        for k in range(SB2):
            gat[k].wait()
            scat.append(pltpu.async_copy(rr.at[k], acc.at[di.at[k]], semS,
                                         add=True))
        for d in scat:
            d.wait()

        @pl.when(blk + 2 < nblk)
        def _():
            fetch(blk + 2, si, di, sem)

    fetch(0, siA, diA, semA)
    fetch(1, siB, diB, semB)

    def body(i, carry):
        process(2 * i, siA, diA, rA, semA)
        process(2 * i + 1, siB, diB, rB, semB)
        return carry

    lax.fori_loop(0, nblk // 2, body, 0)

    @pl.when(nblk % 2 == 1)
    def _():
        process(nblk - 1, siA, diA, rA, semA)

    plsc.subcore_barrier()
    pltpu.sync_copy(acc.at[pl.ds(s * STRIPE, STRIPE), :], stage)
    pltpu.sync_copy(stage, out_hbm.at[c, pl.ds(s * STRIPE, STRIPE), :])


def _tail_body(tpk_ref, xs_ref, dinv_ref, w1_ref, c1_ref, w2_ref, b_ref,
               out_ref):
    s = dinv_ref[...] * (tpk_ref[0] + tpk_ref[1] + xs_ref[...])
    g = jnp.dot(s, w1_ref[...], preferred_element_type=jnp.float32,
                precision=lax.Precision.HIGHEST) + c1_ref[...]
    y = (1.0 - jax.nn.sigmoid(g[:, :512])) * jnp.tanh(g[:, 512:])
    out_ref[...] = jnp.dot(y, w2_ref[...], preferred_element_type=jnp.float32,
                           precision=lax.Precision.HIGHEST) + b_ref[...]


def kernel(x, edge_index, Wz, bz, Wr, br, Wh, bh, lzW, lzb, lrW, lrb, lhW,
           lhb, linW, linb):
    n = x.shape[0]
    assert n == N_NODES and edge_index.shape[1] == E

    Az = lzW[:, :HID].T
    Ah = lhW[:, :HID].T
    Mz = Wz @ Az
    Mh = Wh @ Ah
    cz = bz @ Az + lzb
    ch = bh @ Ah + lhb
    eye16 = jnp.eye(16, dtype=jnp.float32)
    W1 = jnp.concatenate([jnp.kron(eye16, Mz), jnp.kron(eye16, Mh)], axis=1)
    c1 = jnp.concatenate([jnp.tile(cz, 16), jnp.tile(ch, 16)]).reshape(1, 1024)
    W2 = jnp.kron(eye16, linW.reshape(HID, 1))
    bs = jnp.full((1, 16), linb[0], jnp.float32)

    x_flat = jnp.pad(x.reshape(-1), (0, (N_PAD - n) * IN_C))
    z1 = jnp.zeros((STRIPE,), jnp.float32)
    z2 = jnp.zeros((STRIPE, IN_C), jnp.float32)
    ones = jnp.ones((CHUNK,), jnp.float32)

    ei2 = edge_index.reshape(2 * DROW, CHUNK)

    cnt2 = _count_kernel(ei2, z1, ones)

    dinv = lax.rsqrt(cnt2[:N_PAD] + cnt2[N_PAD:] + 1.0)
    K = jnp.kron(jnp.eye(16, dtype=jnp.float32), jnp.ones((1, IN_C), jnp.float32))
    dexp_pk = jnp.dot(dinv.reshape(NP16, 16), K,
                      precision=lax.Precision.HIGHEST)
    dexp = dexp_pk.reshape(-1)
    xs_flat = x_flat * dexp

    t2 = _agg_kernel(ei2, xs_flat.reshape(N_PAD, IN_C), z2)

    out = pl.pallas_call(
        _tail_body,
        grid=(TCG,),
        in_specs=[
            pl.BlockSpec((NC, RB, 128), lambda i: (0, i, 0)),
            pl.BlockSpec((RB, 128), lambda i: (i, 0)),
            pl.BlockSpec((RB, 128), lambda i: (i, 0)),
            pl.BlockSpec((128, 1024), lambda i: (0, 0)),
            pl.BlockSpec((1, 1024), lambda i: (0, 0)),
            pl.BlockSpec((512, 16), lambda i: (0, 0)),
            pl.BlockSpec((1, 16), lambda i: (0, 0)),
        ],
        out_specs=pl.BlockSpec((RB, 16), lambda i: (i, 0)),
        out_shape=jax.ShapeDtypeStruct((NP16, 16), jnp.float32),
    )(t2.reshape(NC, NP16, 128), xs_flat.reshape(NP16, 128),
      dexp.reshape(NP16, 128), W1, c1, W2, bs)

    return out.reshape(N_PAD)[:n]

# --- scband reference (transcript-rebuilt; emitter-appended) ---
"""Pipeline reference for scband-tgcnmodel-22874995818524 (READ-ONLY COPY).

The authoritative reference and input builder live on the scoring server;
editing this copy changes nothing except your own understanding.
"""

import jax, jax.numpy as jnp
import numpy as np

N = 100000
E = 3200000
IN_C = 8
HID = 32


def setup_inputs(seed: int = 0) -> dict:
    key = jax.random.key(seed)
    ks = jax.random.split(key, 20)
    inp = {}
    inp["x"] = jax.random.normal(ks[0], (N, IN_C), dtype=jnp.float32)
    inp["edge_index"] = jax.random.randint(ks[1], (2, E), 0, N, dtype=jnp.int32)
    # GCNConv weights for the three gates (z, r, h): W [IN_C, HID], b [HID]
    inp["Wz"] = jax.random.normal(ks[2], (IN_C, HID), dtype=jnp.float32) * 0.1
    inp["bz"] = jnp.zeros((HID,), dtype=jnp.float32)
    inp["Wr"] = jax.random.normal(ks[3], (IN_C, HID), dtype=jnp.float32) * 0.1
    inp["br"] = jnp.zeros((HID,), dtype=jnp.float32)
    inp["Wh"] = jax.random.normal(ks[4], (IN_C, HID), dtype=jnp.float32) * 0.1
    inp["bh"] = jnp.zeros((HID,), dtype=jnp.float32)
    # Gate linear layers: Linear(2*HID, HID), torch-style weight [HID, 2*HID]
    inp["lzW"] = jax.random.normal(ks[5], (HID, 2 * HID), dtype=jnp.float32) * 0.1
    inp["lzb"] = jnp.zeros((HID,), dtype=jnp.float32)
    inp["lrW"] = jax.random.normal(ks[6], (HID, 2 * HID), dtype=jnp.float32) * 0.1
    inp["lrb"] = jnp.zeros((HID,), dtype=jnp.float32)
    inp["lhW"] = jax.random.normal(ks[7], (HID, 2 * HID), dtype=jnp.float32) * 0.1
    inp["lhb"] = jnp.zeros((HID,), dtype=jnp.float32)
    # Final readout: Linear(HID, 1)
    inp["linW"] = jax.random.normal(ks[8], (1, HID), dtype=jnp.float32) * 0.1
    inp["linb"] = jnp.zeros((1,), dtype=jnp.float32)
    return inp


def _gcn_conv(x, edge_index, W, b):
    # PyG GCNConv with add_self_loops=True, symmetric normalization
    n = x.shape[0]
    loop = jnp.arange(n, dtype=edge_index.dtype)
    src = jnp.concatenate([edge_index[0], loop])
    dst = jnp.concatenate([edge_index[1], loop])
    deg = jnp.zeros((n,), dtype=x.dtype).at[dst].add(1.0)
    dinv = jnp.where(deg > 0, 1.0 / jnp.sqrt(deg), 0.0)
    norm = dinv[src] * dinv[dst]
    xw = x @ W
    msg = jnp.take(xw, src, axis=0) * norm[:, None]
    out = jnp.zeros((n, W.shape[1]), dtype=x.dtype).at[dst].add(msg)
    return out + b


def _tgcn_forward(x, edge_index, Wz, bz, Wr, br, Wh, bh, lzW, lzb, lrW, lrb, lhW, lhb, linW, linb):
    n = x.shape[0]
    H = jnp.zeros((n, HID), dtype=x.dtype)
    # update gate
    Z = jnp.concatenate([_gcn_conv(x, edge_index, Wz, bz), H], axis=1)
    Z = jax.nn.sigmoid(Z @ lzW.T + lzb)
    # reset gate
    R = jnp.concatenate([_gcn_conv(x, edge_index, Wr, br), H], axis=1)
    R = jax.nn.sigmoid(R @ lrW.T + lrb)
    # candidate state
    Ht = jnp.concatenate([_gcn_conv(x, edge_index, Wh, bh), H * R], axis=1)
    Ht = jnp.tanh(Ht @ lhW.T + lhb)
    H = Z * H + (1.0 - Z) * Ht
    out = H @ linW.T + linb
    return jnp.squeeze(out, axis=-1)


def reference(x, edge_index, Wz, bz, Wr, br, Wh, bh, lzW, lzb, lrW, lrb, lhW, lhb, linW, linb):
    return _tgcn_forward(x, edge_index, Wz, bz, Wr, br, Wh, bh, lzW, lzb, lrW, lrb, lhW, lhb, linW, linb)

if __name__ == "__main__":
    import jax
    _d = setup_inputs()
    print(jax.jit(kernel)(*tuple(_d.values())))

</pallas_src>

<mosaic_0001>
#map = affine_map<(d0, d1) -> (0, 0)>
#map1 = affine_map<(d0, d1) -> (0, 0, 0)>
module attributes {stable_mosaic.version = 14 : i64} {
  func.func @_agg_kernel(%arg0: i32, %arg1: i32, %arg2: memref<25000x256xi32, #tpu.memory_space<hbm>>, %arg3: memref<100096x8xf32, #tpu.memory_space<hbm>>, %arg4: memref<6256x8xf32, #tpu.memory_space<hbm>>, %arg5: memref<2x100096x8xf32, #tpu.memory_space<hbm>>, %arg6: memref<4x256xi32, #tpu.memory_space<vmem>>, %arg7: memref<4x256xi32, #tpu.memory_space<vmem>>, %arg8: memref<4x256x8xf32, #tpu.memory_space<vmem>>, %arg9: memref<4x256xi32, #tpu.memory_space<vmem>>, %arg10: memref<4x256xi32, #tpu.memory_space<vmem>>, %arg11: memref<4x256x8xf32, #tpu.memory_space<vmem>>, %arg12: memref<6256x8xf32, #tpu.memory_space<vmem>>, %arg13: memref<!tpu.dma_semaphore, #tpu.memory_space<semaphore_mem>>, %arg14: memref<!tpu.dma_semaphore, #tpu.memory_space<semaphore_mem>>, %arg15: memref<!tpu.dma_semaphore, #tpu.memory_space<semaphore_mem>>, %arg16: memref<!tpu.dma_semaphore, #tpu.memory_space<semaphore_mem>>, %arg17: memref<100096x8xf32, #tpu.memory_space<vmem_shared>>) attributes {dimension_semantics = [#tpu.dimension_semantics<core_parallel>, #tpu.dimension_semantics<subcore_parallel>], iteration_bounds = array<i64: 2, 16>, scalar_prefetch = 0 : i64, scratch_operands = 12 : i64, tpu.core_type = #tpu.core_type<sc_vector_subcore>, window_params = [{transform_indices = #map}, {transform_indices = #map}, {transform_indices = #map}, {transform_indices = #map1}]} {
    %mul3A = arith.constant 2 : i32
    %mul3A_0 = arith.muli %arg1, %mul3A : i32
    %add3A = arith.addi %mul3A_0, %arg0 : i32
    %mul3A_1 = arith.constant 392 : i32
    %mul3A_2 = arith.muli %add3A, %mul3A_1 : i32
    %mul3A_3 = arith.constant 392 : i32
    %mul3A_4 = arith.muli %add3A, %mul3A_3 : i32
    %sub3A = arith.constant 12500 : i32
    %sub3A_5 = arith.subi %sub3A, %mul3A_4 : i32
    %min3A = arith.constant 392 : i32
    %min3A_6 = arith.minsi %min3A, %sub3A_5 : i32
    %jit3A = arith.constant 4 : i32
    %div3A = arith.divsi %min3A_6, %jit3A : i32
    %sign3A = arith.constant 0 : i32
    %sign3A_7 = arith.cmpi sgt, %min3A_6, %sign3A : i32
    %sign3A_8 = arith.extui %sign3A_7 : i1 to i32
    %sign3A_9 = arith.constant 0 : i32
    %sign3A_10 = arith.cmpi slt, %min3A_6, %sign3A_9 : i32
    %sign3A_11 = arith.extui %sign3A_10 : i1 to i32
    %sign3A_12 = arith.subi %sign3A_8, %sign3A_11 : i32
    %sign3A_13 = arith.constant 0 : i32
    %sign3A_14 = arith.cmpi sgt, %jit3A, %sign3A_13 : i32
    %sign3A_15 = arith.extui %sign3A_14 : i1 to i32
    %sign3A_16 = arith.constant 0 : i32
    %sign3A_17 = arith.cmpi slt, %jit3A, %sign3A_16 : i32
    %sign3A_18 = arith.extui %sign3A_17 : i1 to i32
    %sign3A_19 = arith.subi %sign3A_15, %sign3A_18 : i32
    %ne3A = arith.cmpi ne, %sign3A_12, %sign3A_19 : i32
    %rem3A = arith.remsi %min3A_6, %jit3A : i32
    %ne3A_20 = arith.constant 0 : i32
    %ne3A_21 = arith.cmpi ne, %rem3A, %ne3A_20 : i32
    %and3A = arith.andi %ne3A, %ne3A_21 : i1
    %sub3A_22 = arith.constant 1 : i32
    %sub3A_23 = arith.subi %div3A, %sub3A_22 : i32
    %select_n3A = arith.select %and3A, %sub3A_23, %div3A : i32
    "tpu.region"() ({
      %run_scoped3A = tpu.sem_alloc : memref<!tpu.dma_semaphore, #tpu.memory_space<semaphore_mem>>
      tpu.enqueue_dma source(%arg4 : memref<6256x8xf32, #tpu.memory_space<hbm>>) target(%arg12 : memref<6256x8xf32, #tpu.memory_space<vmem>>) target_semaphore(%run_scoped3A : memref<!tpu.dma_semaphore, #tpu.memory_space<semaphore_mem>>)
      tpu.wait_dma2 semaphore(%run_scoped3A : memref<!tpu.dma_semaphore, #tpu.memory_space<semaphore_mem>>) src(%arg4 : memref<6256x8xf32, #tpu.memory_space<hbm>>) dst(%arg12 : memref<6256x8xf32, #tpu.memory_space<vmem>>)
      tpu.yield
    }) : () -> ()
    %mul3A_24 = arith.constant 6256 : i32
    %mul3A_25 = arith.muli %arg1, %mul3A_24 : i32
    "tpu.region"() ({
      %run_scoped3A = tpu.sem_alloc : memref<!tpu.dma_semaphore, #tpu.memory_space<semaphore_mem>>
      %dma_start3A_108 = arith.constant 0 : i32
      %dma_start3A_109 = tpu.memref_slice %arg17[%mul3A_25, %dma_start3A_108] : memref<100096x8xf32, #tpu.memory_space<vmem_shared>> -> memref<6256x8xf32, #tpu.memory_space<vmem_shared>>
      %dma_start3A_110 = arith.constant 0 : i32
      %dma_start3A_111 = tpu.memref_slice %arg17[%mul3A_25, %dma_start3A_110] : memref<100096x8xf32, #tpu.memory_space<vmem_shared>> -> memref<6256x8xf32, #tpu.memory_space<vmem_shared>>
      tpu.enqueue_dma source(%arg12 : memref<6256x8xf32, #tpu.memory_space<vmem>>) target(%dma_start3A_111 : memref<6256x8xf32, #tpu.memory_space<vmem_shared>>) target_semaphore(%run_scoped3A : memref<!tpu.dma_semaphore, #tpu.memory_space<semaphore_mem>>)
      %dma_wait3A = arith.constant 0 : i32
      %dma_wait3A_112 = tpu.memref_slice %arg17[%mul3A_25, %dma_wait3A] : memref<100096x8xf32, #tpu.memory_space<vmem_shared>> -> memref<6256x8xf32, #tpu.memory_space<vmem_shared>>
      %dma_wait3A_113 = arith.constant 0 : i32
      %dma_wait3A_114 = tpu.memref_slice %arg17[%mul3A_25, %dma_wait3A_113] : memref<100096x8xf32, #tpu.memory_space<vmem_shared>> -> memref<6256x8xf32, #tpu.memory_space<vmem_shared>>
      tpu.wait_dma2 semaphore(%run_scoped3A : memref<!tpu.dma_semaphore, #tpu.memory_space<semaphore_mem>>) src(%arg12 : memref<6256x8xf32, #tpu.memory_space<vmem>>) dst(%dma_wait3A_114 : memref<6256x8xf32, #tpu.memory_space<vmem_shared>>)
      tpu.yield
    }) : () -> ()
    %barrier3A = arith.constant 0 : index
    tpu.barrier barrier_id(%barrier3A)
    %add3A_26 = arith.constant 0 : i32
    %add3A_27 = arith.addi %mul3A_2, %add3A_26 : i32
    %dma_start3A = arith.constant 0 : i32
    %dma_start3A_28 = tpu.memref_slice %arg2[%add3A_27, %dma_start3A] : memref<25000x256xi32, #tpu.memory_space<hbm>> -> memref<4x256xi32, #tpu.memory_space<hbm>>
    %dma_start3A_29 = arith.constant 0 : i32
    %dma_start3A_30 = tpu.memref_slice %arg2[%add3A_27, %dma_start3A_29] : memref<25000x256xi32, #tpu.memory_space<hbm>> -> memref<4x256xi32, #tpu.memory_space<hbm>>
    tpu.enqueue_dma source(%dma_start3A_30 : memref<4x256xi32, #tpu.memory_space<hbm>>) target(%arg6 : memref<4x256xi32, #tpu.memory_space<vmem>>) target_semaphore(%arg13 : memref<!tpu.dma_semaphore, #tpu.memory_space<semaphore_mem>>)
    %add3A_31 = arith.constant 12500 : i32
    %add3A_32 = arith.addi %add3A_31, %mul3A_2 : i32
    %add3A_33 = arith.constant 0 : i32
    %add3A_34 = arith.addi %add3A_32, %add3A_33 : i32
    %dma_start3A_35 = arith.constant 0 : i32
    %dma_start3A_36 = tpu.memref_slice %arg2[%add3A_34, %dma_start3A_35] : memref<25000x256xi32, #tpu.memory_space<hbm>> -> memref<4x256xi32, #tpu.memory_space<hbm>>
    %dma_start3A_37 = arith.constant 0 : i32
    %dma_start3A_38 = tpu.memref_slice %arg2[%add3A_34, %dma_start3A_37] : memref<25000x256xi32, #tpu.memory_space<hbm>> -> memref<4x256xi32, #tpu.memory_space<hbm>>
    tpu.enqueue_dma source(%dma_start3A_38 : memref<4x256xi32, #tpu.memory_space<hbm>>) target(%arg7 : memref<4x256xi32, #tpu.memory_space<vmem>>) target_semaphore(%arg13 : memref<!tpu.dma_semaphore, #tpu.memory_space<semaphore_mem>>)
    %add3A_39 = arith.constant 4 : i32
    %add3A_40 = arith.addi %mul3A_2, %add3A_39 : i32
    %dma_start3A_41 = arith.constant 0 : i32
    %dma_start3A_42 = tpu.memref_slice %arg2[%add3A_40, %dma_start3A_41] : memref<25000x256xi32, #tpu.memory_space<hbm>> -> memref<4x256xi32, #tpu.memory_space<hbm>>
    %dma_start3A_43 = arith.constant 0 : i32
    %dma_start3A_44 = tpu.memref_slice %arg2[%add3A_40, %dma_start3A_43] : memref<25000x256xi32, #tpu.memory_space<hbm>> -> memref<4x256xi32, #tpu.memory_space<hbm>>
    tpu.enqueue_dma source(%dma_start3A_44 : memref<4x256xi32, #tpu.memory_space<hbm>>) target(%arg9 : memref<4x256xi32, #tpu.memory_space<vmem>>) target_semaphore(%arg14 : memref<!tpu.dma_semaphore, #tpu.memory_space<semaphore_mem>>)
    %add3A_45 = arith.constant 12500 : i32
    %add3A_46 = arith.addi %add3A_45, %mul3A_2 : i32
    %add3A_47 = arith.constant 4 : i32
    %add3A_48 = arith.addi %add3A_46, %add3A_47 : i32
    %dma_start3A_49 = arith.constant 0 : i32
    %dma_start3A_50 = tpu.memref_slice %arg2[%add3A_48, %dma_start3A_49] : memref<25000x256xi32, #tpu.memory_space<hbm>> -> memref<4x256xi32, #tpu.memory_space<hbm>>
    %dma_start3A_51 = arith.constant 0 : i32
    %dma_start3A_52 = tpu.memref_slice %arg2[%add3A_48, %dma_start3A_51] : memref<25000x256xi32, #tpu.memory_space<hbm>> -> memref<4x256xi32, #tpu.memory_space<hbm>>
    tpu.enqueue_dma source(%dma_start3A_52 : memref<4x256xi32, #tpu.memory_space<hbm>>) target(%arg10 : memref<4x256xi32, #tpu.memory_space<vmem>>) target_semaphore(%arg14 : memref<!tpu.dma_semaphore, #tpu.memory_space<semaphore_mem>>)
    %jit3A_53 = arith.constant 2 : i32
    %div3A_54 = arith.divsi %select_n3A, %jit3A_53 : i32
    %sign3A_55 = arith.constant 0 : i32
    %sign3A_56 = arith.cmpi sgt, %select_n3A, %sign3A_55 : i32
    %sign3A_57 = arith.extui %sign3A_56 : i1 to i32
    %sign3A_58 = arith.constant 0 : i32
    %sign3A_59 = arith.cmpi slt, %select_n3A, %sign3A_58 : i32
    %sign3A_60 = arith.extui %sign3A_59 : i1 to i32
    %sign3A_61 = arith.subi %sign3A_57, %sign3A_60 : i32
    %sign3A_62 = arith.constant 0 : i32
    %sign3A_63 = arith.cmpi sgt, %jit3A_53, %sign3A_62 : i32
    %sign3A_64 = arith.extui %sign3A_63 : i1 to i32
    %sign3A_65 = arith.constant 0 : i32
    %sign3A_66 = arith.cmpi slt, %jit3A_53, %sign3A_65 : i32
    %sign3A_67 = arith.extui %sign3A_66 : i1 to i32
    %sign3A_68 = arith.subi %sign3A_64, %sign3A_67 : i32
    %ne3A_69 = arith.cmpi ne, %sign3A_61, %sign3A_68 : i32
    %rem3A_70 = arith.remsi %select_n3A, %jit3A_53 : i32
    %ne3A_71 = arith.constant 0 : i32
    %ne3A_72 = arith.cmpi ne, %rem3A_70, %ne3A_71 : i32
    %and3A_73 = arith.andi %ne3A_69, %ne3A_72 : i1
    %sub3A_74 = arith.constant 1 : i32
    %sub3A_75 = arith.subi %div3A_54, %sub3A_74 : i32
    %select_n3A_76 = arith.select %and3A_73, %sub3A_75, %div3A_54 : i32
    %while3A = arith.constant 0 : i32
    %while3A_77 = arith.constant 0 : i32
    %while3A_78 = arith.subi %select_n3A_76, %while3A_77 : i32
    %while3A_79 = arith.addi %while3A_77, %while3A_78 : i32
    %while3A_80 = arith.constant 1 : i32
    %while3A_81 = arith.divsi %while3A_78, %while3A_80 : i32
    %while3A_82 = arith.muli %while3A_81, %while3A_80 : i32
    %while3A_83 = arith.addi %while3A_77, %while3A_82 : i32
    %while3A_84 = arith.constant 1 : i32
    scf.for %while3A_108 = %while3A_77 to %while3A_83 step %while3A_84  : i32 {
      %mul3A_109 = arith.constant 2 : i32
      %mul3A_110 = arith.muli %mul3A_109, %while3A_108 : i32
      %dma_wait3A = arith.constant 0 : i32
      %dma_wait3A_111 = arith.constant 0 : i32
      %dma_wait3A_112 = tpu.memref_slice %arg2[%dma_wait3A, %dma_wait3A_111] : memref<25000x256xi32, #tpu.memory_space<hbm>> -> memref<4x256xi32, #tpu.memory_space<hbm>>
      %dma_wait3A_113 = arith.constant 0 : i32
      %dma_wait3A_114 = arith.constant 0 : i32
      %dma_wait3A_115 = tpu.memref_slice %arg2[%dma_wait3A_113, %dma_wait3A_114] : memref<25000x256xi32, #tpu.memory_space<hbm>> -> memref<4x256xi32, #tpu.memory_space<hbm>>
      tpu.wait_dma2 semaphore(%arg13 : memref<!tpu.dma_semaphore, #tpu.memory_space<semaphore_mem>>) src(%dma_wait3A_115 : memref<4x256xi32, #tpu.memory_space<hbm>>) dst(%arg6 : memref<4x256xi32, #tpu.memory_space<vmem>>)
      %dma_wait3A_116 = arith.constant 0 : i32
      %dma_wait3A_117 = arith.constant 0 : i32
      %dma_wait3A_118 = tpu.memref_slice %arg2[%dma_wait3A_116, %dma_wait3A_117] : memref<25000x256xi32, #tpu.memory_space<hbm>> -> memref<4x256xi32, #tpu.memory_space<hbm>>
      %dma_wait3A_119 = arith.constant 0 : i32
      %dma_wait3A_120 = arith.constant 0 : i32
      %dma_wait3A_121 = tpu.memref_slice %arg2[%dma_wait3A_119, %dma_wait3A_120] : memref<25000x256xi32, #tpu.memory_space<hbm>> -> memref<4x256xi32, #tpu.memory_space<hbm>>
      tpu.wait_dma2 semaphore(%arg13 : memref<!tpu.dma_semaphore, #tpu.memory_space<semaphore_mem>>) src(%dma_wait3A_121 : memref<4x256xi32, #tpu.memory_space<hbm>>) dst(%arg7 : memref<4x256xi32, #tpu.memory_space<vmem>>)
      %dma_start3A_122 = arith.constant 0 : i32
      %dma_start3A_123 = arith.constant 0 : i32
      %dma_start3A_124 = arith.constant 0 : i32
      %dma_start3A_125 = arith.constant 0 : i32
      %dma_start3A_126 = tpu.memref_slice %arg8[%dma_start3A_123, %dma_start3A_124, %dma_start3A_125] : memref<4x256x8xf32, #tpu.memory_space<vmem>> -> memref<1x256x8xf32, #tpu.memory_space<vmem>>
      %dma_start3A_127 = tpu.memref_squeeze %dma_start3A_126 : memref<1x256x8xf32, #tpu.memory_space<vmem>> -> memref<256x8xf32, #tpu.memory_space<vmem>>
      %dma_start3A_128 = arith.constant 0 : i32
      %dma_start3A_129 = tpu.memref_slice %arg6[%dma_start3A_122, %dma_start3A_128] : memref<4x256xi32, #tpu.memory_space<vmem>> -> memref<1x256xi32, #tpu.memory_space<vmem>>
      %dma_start3A_130 = tpu.memref_squeeze %dma_start3A_129 : memref<1x256xi32, #tpu.memory_space<vmem>> -> memref<256xi32, #tpu.memory_space<vmem>>
      %dma_start3A_131 = arith.constant 0 : i32
      %dma_start3A_132 = arith.constant 0 : i32
      %dma_start3A_133 = tpu.memref_slice %arg3[%dma_start3A_131, %dma_start3A_132] : memref<100096x8xf32, #tpu.memory_space<hbm>> -> memref<100096x8xf32, #tpu.memory_space<hbm>>
      tpu.enqueue_indirect_dma source(%dma_start3A_133 : memref<100096x8xf32, #tpu.memory_space<hbm>>) target(%dma_start3A_127 : memref<256x8xf32, #tpu.memory_space<vmem>>) offsets(%dma_start3A_130 : memref<256xi32, #tpu.memory_space<vmem>>) semaphore(%arg15 : memref<!tpu.dma_semaphore, #tpu.memory_space<semaphore_mem>>)
      %dma_start3A_134 = arith.constant 1 : i32
      %dma_start3A_135 = arith.constant 1 : i32
      %dma_start3A_136 = arith.constant 0 : i32
      %dma_start3A_137 = arith.constant 0 : i32
      %dma_start3A_138 = tpu.memref_slice %arg8[%dma_start3A_135, %dma_start3A_136, %dma_start3A_137] : memref<4x256x8xf32, #tpu.memory_space<vmem>> -> memref<1x256x8xf32, #tpu.memory_space<vmem>>
      %dma_start3A_139 = tpu.memref_squeeze %dma_start3A_138 : memref<1x256x8xf32, #tpu.memory_space<vmem>> -> memref<256x8xf32, #tpu.memory_space<vmem>>
      %dma_start3A_140 = arith.constant 0 : i32
      %dma_start3A_141 = tpu.memref_slice %arg6[%dma_start3A_134, %dma_start3A_140] : memref<4x256xi32, #tpu.memory_space<vmem>> -> memref<1x256xi32, #tpu.memory_space<vmem>>
      %dma_start3A_142 = tpu.memref_squeeze %dma_start3A_141 : memref<1x256xi32, #tpu.memory_space<vmem>> -> memref<256xi32, #tpu.memory_space<vmem>>
      %dma_start3A_143 = arith.constant 0 : i32
      %dma_start3A_144 = arith.constant 0 : i32
      %dma_start3A_145 = tpu.memref_slice %arg3[%dma_start3A_143, %dma_start3A_144] : memref<100096x8xf32, #tpu.memory_space<hbm>> -> memref<100096x8xf32, #tpu.memory_space<hbm>>
      tpu.enqueue_indirect_dma source(%dma_start3A_145 : memref<100096x8xf32, #tpu.memory_space<hbm>>) target(%dma_start3A_139 : memref<256x8xf32, #tpu.memory_space<vmem>>) offsets(%dma_start3A_142 : memref<256xi32, #tpu.memory_space<vmem>>) semaphore(%arg15 : memref<!tpu.dma_semaphore, #tpu.memory_space<semaphore_mem>>)
      %dma_start3A_146 = arith.constant 2 : i32
      %dma_start3A_147 = arith.constant 2 : i32
      %dma_start3A_148 = arith.constant 0 : i32
      %dma_start3A_149 = arith.constant 0 : i32
      %dma_start3A_150 = tpu.memref_slice %arg8[%dma_start3A_147, %dma_start3A_148, %dma_start3A_149] : memref<4x256x8xf32, #tpu.memory_space<vmem>> -> memref<1x256x8xf32, #tpu.memory_space<vmem>>
      %dma_start3A_151 = tpu.memref_squeeze %dma_start3A_150 : memref<1x256x8xf32, #tpu.memory_space<vmem>> -> memref<256x8xf32, #tpu.memory_space<vmem>>
      %dma_start3A_152 = arith.constant 0 : i32
      %dma_start3A_153 = tpu.memref_slice %arg6[%dma_start3A_146, %dma_start3A_152] : memref<4x256xi32, #tpu.memory_space<vmem>> -> memref<1x256xi32, #tpu.memory_space<vmem>>
      %dma_start3A_154 = tpu.memref_squeeze %dma_start3A_153 : memref<1x256xi32, #tpu.memory_space<vmem>> -> memref<256xi32, #tpu.memory_space<vmem>>
      %dma_start3A_155 = arith.constant 0 : i32
      %dma_start3A_156 = arith.constant 0 : i32
      %dma_start3A_157 = tpu.memref_slice %arg3[%dma_start3A_155, %dma_start3A_156] : memref<100096x8xf32, #tpu.memory_space<hbm>> -> memref<100096x8xf32, #tpu.memory_space<hbm>>
      tpu.enqueue_indirect_dma source(%dma_start3A_157 : memref<100096x8xf32, #tpu.memory_space<hbm>>) target(%dma_start3A_151 : memref<256x8xf32, #tpu.memory_space<vmem>>) offsets(%dma_start3A_154 : memref<256xi32, #tpu.memory_space<vmem>>) semaphore(%arg15 : memref<!tpu.dma_semaphore, #tpu.memory_space<semaphore_mem>>)
      %dma_start3A_158 = arith.constant 3 : i32
      %dma_start3A_159 = arith.constant 3 : i32
      %dma_start3A_160 = arith.constant 0 : i32
      %dma_start3A_161 = arith.constant 0 : i32
      %dma_start3A_162 = tpu.memref_slice %arg8[%dma_start3A_159, %dma_start3A_160, %dma_start3A_161] : memref<4x256x8xf32, #tpu.memory_space<vmem>> -> memref<1x256x8xf32, #tpu.memory_space<vmem>>
      %dma_start3A_163 = tpu.memref_squeeze %dma_start3A_162 : memref<1x256x8xf32, #tpu.memory_space<vmem>> -> memref<256x8xf32, #tpu.memory_space<vmem>>
      %dma_start3A_164 = arith.constant 0 : i32
      %dma_start3A_165 = tpu.memref_slice %arg6[%dma_start3A_158, %dma_start3A_164] : memref<4x256xi32, #tpu.memory_space<vmem>> -> memref<1x256xi32, #tpu.memory_space<vmem>>
      %dma_start3A_166 = tpu.memref_squeeze %dma_start3A_165 : memref<1x256xi32, #tpu.memory_space<vmem>> -> memref<256xi32, #tpu.memory_space<vmem>>
      %dma_start3A_167 = arith.constant 0 : i32
      %dma_start3A_168 = arith.constant 0 : i32
      %dma_start3A_169 = tpu.memref_slice %arg3[%dma_start3A_167, %dma_start3A_168] : memref<100096x8xf32, #tpu.memory_space<hbm>> -> memref<100096x8xf32, #tpu.memory_space<hbm>>
      tpu.enqueue_indirect_dma source(%dma_start3A_169 : memref<100096x8xf32, #tpu.memory_space<hbm>>) target(%dma_start3A_163 : memref<256x8xf32, #tpu.memory_space<vmem>>) offsets(%dma_start3A_166 : memref<256xi32, #tpu.memory_space<vmem>>) semaphore(%arg15 : memref<!tpu.dma_semaphore, #tpu.memory_space<semaphore_mem>>)
      %dma_wait3A_170 = arith.constant 0 : i32
      %dma_wait3A_171 = arith.constant 0 : i32
      %dma_wait3A_172 = arith.constant 0 : i32
      %dma_wait3A_173 = arith.constant 0 : i32
      %dma_wait3A_174 = tpu.memref_slice %arg8[%dma_wait3A_171, %dma_wait3A_172, %dma_wait3A_173] : memref<4x256x8xf32, #tpu.memory_space<vmem>> -> memref<1x256x8xf32, #tpu.memory_space<vmem>>
      %dma_wait3A_175 = tpu.memref_squeeze %dma_wait3A_174 : memref<1x256x8xf32, #tpu.memory_space<vmem>> -> memref<256x8xf32, #tpu.memory_space<vmem>>
      %dma_wait3A_176 = arith.constant 0 : i32
      %dma_wait3A_177 = tpu.memref_slice %arg6[%dma_wait3A_170, %dma_wait3A_176] : memref<4x256xi32, #tpu.memory_space<vmem>> -> memref<1x256xi32, #tpu.memory_space<vmem>>
      %dma_wait3A_178 = tpu.memref_squeeze %dma_wait3A_177 : memref<1x256xi32, #tpu.memory_space<vmem>> -> memref<256xi32, #tpu.memory_space<vmem>>
      %dma_wait3A_179 = arith.constant 0 : i32
      %dma_wait3A_180 = arith.constant 0 : i32
      %dma_wait3A_181 = tpu.memref_slice %arg3[%dma_wait3A_179, %dma_wait3A_180] : memref<100096x8xf32, #tpu.memory_space<hbm>> -> memref<100096x8xf32, #tpu.memory_space<hbm>>
      tpu.wait_indirect_dma semaphore(%arg15 : memref<!tpu.dma_semaphore, #tpu.memory_space<semaphore_mem>>) src(%dma_wait3A_181 : memref<100096x8xf32, #tpu.memory_space<hbm>>) dst(%dma_wait3A_175 : memref<256x8xf32, #tpu.memory_space<vmem>>)
      %dma_start3A_182 = arith.constant 0 : i32
      %dma_start3A_183 = arith.constant 0 : i32
      %dma_start3A_184 = arith.constant 0 : i32
      %dma_start3A_185 = arith.constant 0 : i32
      %dma_start3A_186 = tpu.memref_slice %arg8[%dma_start3A_182, %dma_start3A_184, %dma_start3A_185] : memref<4x256x8xf32, #tpu.memory_space<vmem>> -> memref<1x256x8xf32, #tpu.memory_space<vmem>>
      %dma_start3A_187 = tpu.memref_squeeze %dma_start3A_186 : memref<1x256x8xf32, #tpu.memory_space<vmem>> -> memref<256x8xf32, #tpu.memory_space<vmem>>
      %dma_start3A_188 = arith.constant 0 : i32
      %dma_start3A_189 = tpu.memref_slice %arg7[%dma_start3A_183, %dma_start3A_188] : memref<4x256xi32, #tpu.memory_space<vmem>> -> memref<1x256xi32, #tpu.memory_space<vmem>>
      %dma_start3A_190 = tpu.memref_squeeze %dma_start3A_189 : memref<1x256xi32, #tpu.memory_space<vmem>> -> memref<256xi32, #tpu.memory_space<vmem>>
      %dma_start3A_191 = arith.constant 0 : i32
      %dma_start3A_192 = arith.constant 0 : i32
      %dma_start3A_193 = tpu.memref_slice %arg17[%dma_start3A_191, %dma_start3A_192] : memref<100096x8xf32, #tpu.memory_space<vmem_shared>> -> memref<100096x8xf32, #tpu.memory_space<vmem_shared>>
      tpu.enqueue_indirect_dma source(%dma_start3A_187 : memref<256x8xf32, #tpu.memory_space<vmem>>) target(%dma_start3A_193 : memref<100096x8xf32, #tpu.memory_space<vmem_shared>>) offsets(%dma_start3A_190 : memref<256xi32, #tpu.memory_space<vmem>>) semaphore(%arg16 : memref<!tpu.dma_semaphore, #tpu.memory_space<semaphore_mem>>) {add = true}
      %dma_wait3A_194 = arith.constant 1 : i32
      %dma_wait3A_195 = arith.constant 1 : i32
      %dma_wait3A_196 = arith.constant 0 : i32
      %dma_wait3A_197 = arith.constant 0 : i32
      %dma_wait3A_198 = tpu.memref_slice %arg8[%dma_wait3A_195, %dma_wait3A_196, %dma_wait3A_197] : memref<4x256x8xf32, #tpu.memory_space<vmem>> -> memref<1x256x8xf32, #tpu.memory_space<vmem>>
      %dma_wait3A_199 = tpu.memref_squeeze %dma_wait3A_198 : memref<1x256x8xf32, #tpu.memory_space<vmem>> -> memref<256x8xf32, #tpu.memory_space<vmem>>
      %dma_wait3A_200 = arith.constant 0 : i32
      %dma_wait3A_201 = tpu.memref_slice %arg6[%dma_wait3A_194, %dma_wait3A_200] : memref<4x256xi32, #tpu.memory_space<vmem>> -> memref<1x256xi32, #tpu.memory_space<vmem>>
      %dma_wait3A_202 = tpu.memref_squeeze %dma_wait3A_201 : memref<1x256xi32, #tpu.memory_space<vmem>> -> memref<256xi32, #tpu.memory_space<vmem>>
      %dma_wait3A_203 = arith.constant 0 : i32
      %dma_wait3A_204 = arith.constant 0 : i32
      %dma_wait3A_205 = tpu.memref_slice %arg3[%dma_wait3A_203, %dma_wait3A_204] : memref<100096x8xf32, #tpu.memory_space<hbm>> -> memref<100096x8xf32, #tpu.memory_space<hbm>>
      tpu.wait_indirect_dma semaphore(%arg15 : memref<!tpu.dma_semaphore, #tpu.memory_space<semaphore_mem>>) src(%dma_wait3A_205 : memref<100096x8xf32, #tpu.memory_space<hbm>>) dst(%dma_wait3A_199 : memref<256x8xf32, #tpu.memory_space<vmem>>)
      %dma_start3A_206 = arith.constant 1 : i32
      %dma_start3A_207 = arith.constant 1 : i32
      %dma_start3A_208 = arith.constant 0 : i32
      %dma_start3A_209 = arith.constant 0 : i32
      %dma_start3A_210 = tpu.memref_slice %arg8[%dma_start3A_206, %dma_start3A_208, %dma_start3A_209] : memref<4x256x8xf32, #tpu.memory_space<vmem>> -> memref<1x256x8xf32, #tpu.memory_space<vmem>>
      %dma_start3A_211 = tpu.memref_squeeze %dma_start3A_210 : memref<1x256x8xf32, #tpu.memory_space<vmem>> -> memref<256x8xf32, #tpu.memory_space<vmem>>
      %dma_start3A_212 = arith.constant 0 : i32
      %dma_start3A_213 = tpu.memref_slice %arg7[%dma_start3A_207, %dma_start3A_212] : memref<4x256xi32, #tpu.memory_space<vmem>> -> memref<1x256xi32, #tpu.memory_space<vmem>>
      %dma_start3A_214 = tpu.memref_squeeze %dma_start3A_213 : memref<1x256xi32, #tpu.memory_space<vmem>> -> memref<256xi32, #tpu.memory_space<vmem>>
      %dma_start3A_215 = arith.constant 0 : i32
      %dma_start3A_216 = arith.constant 0 : i32
      %dma_start3A_217 = tpu.memref_slice %arg17[%dma_start3A_215, %dma_start3A_216] : memref<100096x8xf32, #tpu.memory_space<vmem_shared>> -> memref<100096x8xf32, #tpu.memory_space<vmem_shared>>
      tpu.enqueue_indirect_dma source(%dma_start3A_211 : memref<256x8xf32, #tpu.memory_space<vmem>>) target(%dma_start3A_217 : memref<100096x8xf32, #tpu.memory_space<vmem_shared>>) offsets(%dma_start3A_214 : memref<256xi32, #tpu.memory_space<vmem>>) semaphore(%arg16 : memref<!tpu.dma_semaphore, #tpu.memory_space<semaphore_mem>>) {add = true}
      %dma_wait3A_218 = arith.constant 2 : i32
      %dma_wait3A_219 = arith.constant 2 : i32
      %dma_wait3A_220 = arith.constant 0 : i32
      %dma_wait3A_221 = arith.constant 0 : i32
      %dma_wait3A_222 = tpu.memref_slice %arg8[%dma_wait3A_219, %dma_wait3A_220, %dma_wait3A_221] : memref<4x256x8xf32, #tpu.memory_space<vmem>> -> memref<1x256x8xf32, #tpu.memory_space<vmem>>
      %dma_wait3A_223 = tpu.memref_squeeze %dma_wait3A_222 : memref<1x256x8xf32, #tpu.memory_space<vmem>> -> memref<256x8xf32, #tpu.memory_space<vmem>>
      %dma_wait3A_224 = arith.constant 0 : i32
      %dma_wait3A_225 = tpu.memref_slice %arg6[%dma_wait3A_218, %dma_wait3A_224] : memref<4x256xi32, #tpu.memory_space<vmem>> -> memref<1x256xi32, #tpu.memory_space<vmem>>
      %dma_wait3A_226 = tpu.memref_squeeze %dma_wait3A_225 : memref<1x256xi32, #tpu.memory_space<vmem>> -> memref<256xi32, #tpu.memory_space<vmem>>
      %dma_wait3A_227 = arith.constant 0 : i32
      %dma_wait3A_228 = arith.constant 0 : i32
      %dma_wait3A_229 = tpu.memref_slice %arg3[%dma_wait3A_227, %dma_wait3A_228] : memref<100096x8xf32, #tpu.memory_space<hbm>> -> memref<100096x8xf32, #tpu.memory_space<hbm>>
      tpu.wait_indirect_dma semaphore(%arg15 : memref<!tpu.dma_semaphore, #tpu.memory_space<semaphore_mem>>) src(%dma_wait3A_229 : memref<100096x8xf32, #tpu.memory_space<hbm>>) dst(%dma_wait3A_223 : memref<256x8xf32, #tpu.memory_space<vmem>>)
      %dma_start3A_230 = arith.constant 2 : i32
      %dma_start3A_231 = arith.constant 2 : i32
      %dma_start3A_232 = arith.constant 0 : i32
      %dma_start3A_233 = arith.constant 0 : i32
      %dma_start3A_234 = tpu.memref_slice %arg8[%dma_start3A_230, %dma_start3A_232, %dma_start3A_233] : memref<4x256x8xf32, #tpu.memory_space<vmem>> -> memref<1x256x8xf32, #tpu.memory_space<vmem>>
      %dma_start3A_235 = tpu.memref_squeeze %dma_start3A_234 : memref<1x256x8xf32, #tpu.memory_space<vmem>> -> memref<256x8xf32, #tpu.memory_space<vmem>>
      %dma_start3A_236 = arith.constant 0 : i32
      %dma_start3A_237 = tpu.memref_slice %arg7[%dma_start3A_231, %dma_start3A_236] : memref<4x256xi32, #tpu.memory_space<vmem>> -> memref<1x256xi32, #tpu.memory_space<vmem>>
      %dma_start3A_238 = tpu.memref_squeeze %dma_start3A_237 : memref<1x256xi32, #tpu.memory_space<vmem>> -> memref<256xi32, #tpu.memory_space<vmem>>
      %dma_start3A_239 = arith.constant 0 : i32
      %dma_start3A_240 = arith.constant 0 : i32
      %dma_start3A_241 = tpu.memref_slice %arg17[%dma_start3A_239, %dma_start3A_240] : memref<100096x8xf32, #tpu.memory_space<vmem_shared>> -> memref<100096x8xf32, #tpu.memory_space<vmem_shared>>
      tpu.enqueue_indirect_dma source(%dma_start3A_235 : memref<256x8xf32, #tpu.memory_space<vmem>>) target(%dma_start3A_241 : memref<100096x8xf32, #tpu.memory_space<vmem_shared>>) offsets(%dma_start3A_238 : memref<256xi32, #tpu.memory_space<vmem>>) semaphore(%arg16 : memref<!tpu.dma_semaphore, #tpu.memory_space<semaphore_mem>>) {add = true}
      %dma_wait3A_242 = arith.constant 3 : i32
      %dma_wait3A_243 = arith.constant 3 : i32
      %dma_wait3A_244 = arith.constant 0 : i32
      %dma_wait3A_245 = arith.constant 0 : i32
      %dma_wait3A_246 = tpu.memref_slice %arg8[%dma_wait3A_243, %dma_wait3A_244, %dma_wait3A_245] : memref<4x256x8xf32, #tpu.memory_space<vmem>> -> memref<1x256x8xf32, #tpu.memory_space<vmem>>
      %dma_wait3A_247 = tpu.memref_squeeze %dma_wait3A_246 : memref<1x256x8xf32, #tpu.memory_space<vmem>> -> memref<256x8xf32, #tpu.memory_space<vmem>>
      %dma_wait3A_248 = arith.constant 0 : i32
      %dma_wait3A_249 = tpu.memref_slice %arg6[%dma_wait3A_242, %dma_wait3A_248] : memref<4x256xi32, #tpu.memory_space<vmem>> -> memref<1x256xi32, #tpu.memory_space<vmem>>
      %dma_wait3A_250 = tpu.memref_squeeze %dma_wait3A_249 : memref<1x256xi32, #tpu.memory_space<vmem>> -> memref<256xi32, #tpu.memory_space<vmem>>
      %dma_wait3A_251 = arith.constant 0 : i32
      %dma_wait3A_252 = arith.constant 0 : i32
      %dma_wait3A_253 = tpu.memref_slice %arg3[%dma_wait3A_251, %dma_wait3A_252] : memref<100096x8xf32, #tpu.memory_space<hbm>> -> memref<100096x8xf32, #tpu.memory_space<hbm>>
      tpu.wait_indirect_dma semaphore(%arg15 : memref<!tpu.dma_semaphore, #tpu.memory_space<semaphore_mem>>) src(%dma_wait3A_253 : memref<100096x8xf32, #tpu.memory_space<hbm>>) dst(%dma_wait3A_247 : memref<256x8xf32, #tpu.memory_space<vmem>>)
      %dma_start3A_254 = arith.constant 3 : i32
      %dma_start3A_255 = arith.constant 3 : i32
      %dma_start3A_256 = arith.constant 0 : i32
      %dma_start3A_257 = arith.constant 0 : i32
      %dma_start3A_258 = tpu.memref_slice %arg8[%dma_start3A_254, %dma_start3A_256, %dma_start3A_257] : memref<4x256x8xf32, #tpu.memory_space<vmem>> -> memref<1x256x8xf32, #tpu.memory_space<vmem>>
      %dma_start3A_259 = tpu.memref_squeeze %dma_start3A_258 : memref<1x256x8xf32, #tpu.memory_space<vmem>> -> memref<256x8xf32, #tpu.memory_space<vmem>>
      %dma_start3A_260 = arith.constant 0 : i32
      %dma_start3A_261 = tpu.memref_slice %arg7[%dma_start3A_255, %dma_start3A_260] : memref<4x256xi32, #tpu.memory_space<vmem>> -> memref<1x256xi32, #tpu.memory_space<vmem>>
      %dma_start3A_262 = tpu.memref_squeeze %dma_start3A_261 : memref<1x256xi32, #tpu.memory_space<vmem>> -> memref<256xi32, #tpu.memory_space<vmem>>
      %dma_start3A_263 = arith.constant 0 : i32
      %dma_start3A_264 = arith.constant 0 : i32
      %dma_start3A_265 = tpu.memref_slice %arg17[%dma_start3A_263, %dma_start3A_264] : memref<100096x8xf32, #tpu.memory_space<vmem_shared>> -> memref<100096x8xf32, #tpu.memory_space<vmem_shared>>
      tpu.enqueue_indirect_dma source(%dma_start3A_259 : memref<256x8xf32, #tpu.memory_space<vmem>>) target(%dma_start3A_265 : memref<100096x8xf32, #tpu.memory_space<vmem_shared>>) offsets(%dma_start3A_262 : memref<256xi32, #tpu.memory_space<vmem>>) semaphore(%arg16 : memref<!tpu.dma_semaphore, #tpu.memory_space<semaphore_mem>>) {add = true}
      %dma_wait3A_266 = arith.constant 0 : i32
      %dma_wait3A_267 = arith.constant 0 : i32
      %dma_wait3A_268 = arith.constant 0 : i32
      %dma_wait3A_269 = arith.constant 0 : i32
      %dma_wait3A_270 = tpu.memref_slice %arg8[%dma_wait3A_266, %dma_wait3A_268, %dma_wait3A_269] : memref<4x256x8xf32, #tpu.memory_space<vmem>> -> memref<1x256x8xf32, #tpu.memory_space<vmem>>
      %dma_wait3A_271 = tpu.memref_squeeze %dma_wait3A_270 : memref<1x256x8xf32, #tpu.memory_space<vmem>> -> memref<256x8xf32, #tpu.memory_space<vmem>>
      %dma_wait3A_272 = arith.constant 0 : i32
      %dma_wait3A_273 = tpu.memref_slice %arg7[%dma_wait3A_267, %dma_wait3A_272] : memref<4x256xi32, #tpu.memory_space<vmem>> -> memref<1x256xi32, #tpu.memory_space<vmem>>
      %dma_wait3A_274 = tpu.memref_squeeze %dma_wait3A_273 : memref<1x256xi32, #tpu.memory_space<vmem>> -> memref<256xi32, #tpu.memory_space<vmem>>
      %dma_wait3A_275 = arith.constant 0 : i32
      %dma_wait3A_276 = arith.constant 0 : i32
      %dma_wait3A_277 = tpu.memref_slice %arg17[%dma_wait3A_275, %dma_wait3A_276] : memref<100096x8xf32, #tpu.memory_space<vmem_shared>> -> memref<100096x8xf32, #tpu.memory_space<vmem_shared>>
      tpu.wait_indirect_dma semaphore(%arg16 : memref<!tpu.dma_semaphore, #tpu.memory_space<semaphore_mem>>) src(%dma_wait3A_271 : memref<256x8xf32, #tpu.memory_space<vmem>>) dst(%dma_wait3A_277 : memref<100096x8xf32, #tpu.memory_space<vmem_shared>>)
      %dma_wait3A_278 = arith.constant 1 : i32
      %dma_wait3A_279 = arith.constant 1 : i32
      %dma_wait3A_280 = arith.constant 0 : i32
      %dma_wait3A_281 = arith.constant 0 : i32
      %dma_wait3A_282 = tpu.memref_slice %arg8[%dma_wait3A_278, %dma_wait3A_280, %dma_wait3A_281] : memref<4x256x8xf32, #tpu.memory_space<vmem>> -> memref<1x256x8xf32, #tpu.memory_space<vmem>>
      %dma_wait3A_283 = tpu.memref_squeeze %dma_wait3A_282 : memref<1x256x8xf32, #tpu.memory_space<vmem>> -> memref<256x8xf32, #tpu.memory_space<vmem>>
      %dma_wait3A_284 = arith.constant 0 : i32
      %dma_wait3A_285 = tpu.memref_slice %arg7[%dma_wait3A_279, %dma_wait3A_284] : memref<4x256xi32, #tpu.memory_space<vmem>> -> memref<1x256xi32, #tpu.memory_space<vmem>>
      %dma_wait3A_286 = tpu.memref_squeeze %dma_wait3A_285 : memref<1x256xi32, #tpu.memory_space<vmem>> -> memref<256xi32, #tpu.memory_space<vmem>>
      %dma_wait3A_287 = arith.constant 0 : i32
      %dma_wait3A_288 = arith.constant 0 : i32
      %dma_wait3A_289 = tpu.memref_slice %arg17[%dma_wait3A_287, %dma_wait3A_288] : memref<100096x8xf32, #tpu.memory_space<vmem_shared>> -> memref<100096x8xf32, #tpu.memory_space<vmem_shared>>
      tpu.wait_indirect_dma semaphore(%arg16 : memref<!tpu.dma_semaphore, #tpu.memory_space<semaphore_mem>>) src(%dma_wait3A_283 : memref<256x8xf32, #tpu.memory_space<vmem>>) dst(%dma_wait3A_289 : memref<100096x8xf32, #tpu.memory_space<vmem_shared>>)
      %dma_wait3A_290 = arith.constant 2 : i32
      %dma_wait3A_291 = arith.constant 2 : i32
      %dma_wait3A_292 = arith.constant 0 : i32
      %dma_wait3A_293 = arith.constant 0 : i32
      %dma_wait3A_294 = tpu.memref_slice %arg8[%dma_wait3A_290, %dma_wait3A_292, %dma_wait3A_293] : memref<4x256x8xf32, #tpu.memory_space<vmem>> -> memref<1x256x8xf32, #tpu.memory_space<vmem>>
      %dma_wait3A_295 = tpu.memref_squeeze %dma_wait3A_294 : memref<1x256x8xf32, #tpu.memory_space<vmem>> -> memref<256x8xf32, #tpu.memory_space<vmem>>
      %dma_wait3A_296 = arith.constant 0 : i32
      %dma_wait3A_297 = tpu.memref_slice %arg7[%dma_wait3A_291, %dma_wait3A_296] : memref<4x256xi32, #tpu.memory_space<vmem>> -> memref<1x256xi32, #tpu.memory_space<vmem>>
      %dma_wait3A_298 = tpu.memref_squeeze %dma_wait3A_297 : memref<1x256xi32, #tpu.memory_space<vmem>> -> memref<256xi32, #tpu.memory_space<vmem>>
      %dma_wait3A_299 = arith.constant 0 : i32
      %dma_wait3A_300 = arith.constant 0 : i32
      %dma_wait3A_301 = tpu.memref_slice %arg17[%dma_wait3A_299, %dma_wait3A_300] : memref<100096x8xf32, #tpu.memory_space<vmem_shared>> -> memref<100096x8xf32, #tpu.memory_space<vmem_shared>>
      tpu.wait_indirect_dma semaphore(%arg16 : memref<!tpu.dma_semaphore, #tpu.memory_space<semaphore_mem>>) src(%dma_wait3A_295 : memref<256x8xf32, #tpu.memory_space<vmem>>) dst(%dma_wait3A_301 : memref<100096x8xf32, #tpu.memory_space<vmem_shared>>)
      %dma_wait3A_302 = arith.constant 3 : i32
      %dma_wait3A_303 = arith.constant 3 : i32
      %dma_wait3A_304 = arith.constant 0 : i32
      %dma_wait3A_305 = arith.constant 0 : i32
      %dma_wait3A_306 = tpu.memref_slice %arg8[%dma_wait3A_302, %dma_wait3A_304, %dma_wait3A_305] : memref<4x256x8xf32, #tpu.memory_space<vmem>> -> memref<1x256x8xf32, #tpu.memory_space<vmem>>
      %dma_wait3A_307 = tpu.memref_squeeze %dma_wait3A_306 : memref<1x256x8xf32, #tpu.memory_space<vmem>> -> memref<256x8xf32, #tpu.memory_space<vmem>>
      %dma_wait3A_308 = arith.constant 0 : i32
      %dma_wait3A_309 = tpu.memref_slice %arg7[%dma_wait3A_303, %dma_wait3A_308] : memref<4x256xi32, #tpu.memory_space<vmem>> -> memref<1x256xi32, #tpu.memory_space<vmem>>
      %dma_wait3A_310 = tpu.memref_squeeze %dma_wait3A_309 : memref<1x256xi32, #tpu.memory_space<vmem>> -> memref<256xi32, #tpu.memory_space<vmem>>
      %dma_wait3A_311 = arith.constant 0 : i32
      %dma_wait3A_312 = arith.constant 0 : i32
      %dma_wait3A_313 = tpu.memref_slice %arg17[%dma_wait3A_311, %dma_wait3A_312] : memref<100096x8xf32, #tpu.memory_space<vmem_shared>> -> memref<100096x8xf32, #tpu.memory_space<vmem_shared>>
      tpu.wait_indirect_dma semaphore(%arg16 : memref<!tpu.dma_semaphore, #tpu.memory_space<semaphore_mem>>) src(%dma_wait3A_307 : memref<256x8xf32, #tpu.memory_space<vmem>>) dst(%dma_wait3A_313 : memref<100096x8xf32, #tpu.memory_space<vmem_shared>>)
      %add3A_314 = arith.constant 2 : i32
      %add3A_315 = arith.addi %mul3A_110, %add3A_314 : i32
      %lt3A_316 = arith.cmpi slt, %add3A_315, %select_n3A : i32
      %convert_element_type3A_317 = arith.extui %lt3A_316 : i1 to i32
      %cond3A_318 = arith.constant 0 : i32
      %cond3A_319 = arith.cmpi ne, %convert_element_type3A_317, %cond3A_318 : i32
      scf.if %cond3A_319 {
        %add3A_534 = arith.constant 2 : i32
        %add3A_535 = arith.addi %mul3A_110, %add3A_534 : i32
        %mul3A_536 = arith.constant 4 : i32
        %mul3A_537 = arith.muli %add3A_535, %mul3A_536 : i32
        %add3A_538 = arith.addi %mul3A_2, %mul3A_537 : i32
        %dma_start3A_539 = arith.constant 0 : i32
        %dma_start3A_540 = tpu.memref_slice %arg2[%add3A_538, %dma_start3A_539] : memref<25000x256xi32, #tpu.memory_space<hbm>> -> memref<4x256xi32, #tpu.memory_space<hbm>>
        %dma_start3A_541 = arith.constant 0 : i32
        %dma_start3A_542 = tpu.memref_slice %arg2[%add3A_538, %dma_start3A_541] : memref<25000x256xi32, #tpu.memory_space<hbm>> -> memref<4x256xi32, #tpu.memory_space<hbm>>
        tpu.enqueue_dma source(%dma_start3A_542 : memref<4x256xi32, #tpu.memory_space<hbm>>) target(%arg6 : memref<4x256xi32, #tpu.memory_space<vmem>>) target_semaphore(%arg13 : memref<!tpu.dma_semaphore, #tpu.memory_space<semaphore_mem>>)
        %add3A_543 = arith.constant 12500 : i32
        %add3A_544 = arith.addi %add3A_543, %mul3A_2 : i32
        %mul3A_545 = arith.constant 4 : i32
        %mul3A_546 = arith.muli %add3A_535, %mul3A_545 : i32
        %add3A_547 = arith.addi %add3A_544, %mul3A_546 : i32
        %dma_start3A_548 = arith.constant 0 : i32
        %dma_start3A_549 = tpu.memref_slice %arg2[%add3A_547, %dma_start3A_548] : memref<25000x256xi32, #tpu.memory_space<hbm>> -> memref<4x256xi32, #tpu.memory_space<hbm>>
        %dma_start3A_550 = arith.constant 0 : i32
        %dma_start3A_551 = tpu.memref_slice %arg2[%add3A_547, %dma_start3A_550] : memref<25000x256xi32, #tpu.memory_space<hbm>> -> memref<4x256xi32, #tpu.memory_space<hbm>>
        tpu.enqueue_dma source(%dma_start3A_551 : memref<4x256xi32, #tpu.memory_space<hbm>>) target(%arg7 : memref<4x256xi32, #tpu.memory_space<vmem>>) target_semaphore(%arg13 : memref<!tpu.dma_semaphore, #tpu.memory_space<semaphore_mem>>)
      } else {
      }
      %mul3A_320 = arith.constant 2 : i32
      %mul3A_321 = arith.muli %mul3A_320, %while3A_108 : i32
      %add3A_322 = arith.constant 1 : i32
      %add3A_323 = arith.addi %mul3A_321, %add3A_322 : i32
      %dma_wait3A_324 = arith.constant 0 : i32
      %dma_wait3A_325 = arith.constant 0 : i32
      %dma_wait3A_326 = tpu.memref_slice %arg2[%dma_wait3A_324, %dma_wait3A_325] : memref<25000x256xi32, #tpu.memory_space<hbm>> -> memref<4x256xi32, #tpu.memory_space<hbm>>
      %dma_wait3A_327 = arith.constant 0 : i32
      %dma_wait3A_328 = arith.constant 0 : i32
      %dma_wait3A_329 = tpu.memref_slice %arg2[%dma_wait3A_327, %dma_wait3A_328] : memref<25000x256xi32, #tpu.memory_space<hbm>> -> memref<4x256xi32, #tpu.memory_space<hbm>>
      tpu.wait_dma2 semaphore(%arg14 : memref<!tpu.dma_semaphore, #tpu.memory_space<semaphore_mem>>) src(%dma_wait3A_329 : memref<4x256xi32, #tpu.memory_space<hbm>>) dst(%arg9 : memref<4x256xi32, #tpu.memory_space<vmem>>)
      %dma_wait3A_330 = arith.constant 0 : i32
      %dma_wait3A_331 = arith.constant 0 : i32
      %dma_wait3A_332 = tpu.memref_slice %arg2[%dma_wait3A_330, %dma_wait3A_331] : memref<25000x256xi32, #tpu.memory_space<hbm>> -> memref<4x256xi32, #tpu.memory_space<hbm>>
      %dma_wait3A_333 = arith.constant 0 : i32
      %dma_wait3A_334 = arith.constant 0 : i32
      %dma_wait3A_335 = tpu.memref_slice %arg2[%dma_wait3A_333, %dma_wait3A_334] : memref<25000x256xi32, #tpu.memory_space<hbm>> -> memref<4x256xi32, #tpu.memory_space<hbm>>
      tpu.wait_dma2 semaphore(%arg14 : memref<!tpu.dma_semaphore, #tpu.memory_space<semaphore_mem>>) src(%dma_wait3A_335 : memref<4x256xi32, #tpu.memory_space<hbm>>) dst(%arg10 : memref<4x256xi32, #tpu.memory_space<vmem>>)
      %dma_start3A_336 = arith.constant 0 : i32
      %dma_start3A_337 = arith.constant 0 : i32
      %dma_start3A_338 = arith.constant 0 : i32
      %dma_start3A_339 = arith.constant 0 : i32
      %dma_start3A_340 = tpu.memref_slice %arg11[%dma_start3A_337, %dma_start3A_338, %dma_start3A_339] : memref<4x256x8xf32, #tpu.memory_space<vmem>> -> memref<1x256x8xf32, #tpu.memory_space<vmem>>
      %dma_start3A_341 = tpu.memref_squeeze %dma_start3A_340 : memref<1x256x8xf32, #tpu.memory_space<vmem>> -> memref<256x8xf32, #tpu.memory_space<vmem>>
      %dma_start3A_342 = arith.constant 0 : i32
      %dma_start3A_343 = tpu.memref_slice %arg9[%dma_start3A_336, %dma_start3A_342] : memref<4x256xi32, #tpu.memory_space<vmem>> -> memref<1x256xi32, #tpu.memory_space<vmem>>
      %dma_start3A_344 = tpu.memref_squeeze %dma_start3A_343 : memref<1x256xi32, #tpu.memory_space<vmem>> -> memref<256xi32, #tpu.memory_space<vmem>>
      %dma_start3A_345 = arith.constant 0 : i32
      %dma_start3A_346 = arith.constant 0 : i32
      %dma_start3A_347 = tpu.memref_slice %arg3[%dma_start3A_345, %dma_start3A_346] : memref<100096x8xf32, #tpu.memory_space<hbm>> -> memref<100096x8xf32, #tpu.memory_space<hbm>>
      tpu.enqueue_indirect_dma source(%dma_start3A_347 : memref<100096x8xf32, #tpu.memory_space<hbm>>) target(%dma_start3A_341 : memref<256x8xf32, #tpu.memory_space<vmem>>) offsets(%dma_start3A_344 : memref<256xi32, #tpu.memory_space<vmem>>) semaphore(%arg15 : memref<!tpu.dma_semaphore, #tpu.memory_space<semaphore_mem>>)
      %dma_start3A_348 = arith.constant 1 : i32
      %dma_start3A_349 = arith.constant 1 : i32
      %dma_start3A_350 = arith.constant 0 : i32
      %dma_start3A_351 = arith.constant 0 : i32
      %dma_start3A_352 = tpu.memref_slice %arg11[%dma_start3A_349, %dma_start3A_350, %dma_start3A_351] : memref<4x256x8xf32, #tpu.memory_space<vmem>> -> memref<1x256x8xf32, #tpu.memory_space<vmem>>
      %dma_start3A_353 = tpu.memref_squeeze %dma_start3A_352 : memref<1x256x8xf32, #tpu.memory_space<vmem>> -> memref<256x8xf32, #tpu.memory_space<vmem>>
      %dma_start3A_354 = arith.constant 0 : i32
      %dma_start3A_355 = tpu.memref_slice %arg9[%dma_start3A_348, %dma_start3A_354] : memref<4x256xi32, #tpu.memory_space<vmem>> -> memref<1x256xi32, #tpu.memory_space<vmem>>
      %dma_start3A_356 = tpu.memref_squeeze %dma_start3A_355 : memref<1x256xi32, #tpu.memory_space<vmem>> -> memref<256xi32, #tpu.memory_space<vmem>>
      %dma_start3A_357 = arith.constant 0 : i32
      %dma_start3A_358 = arith.constant 0 : i32
      %dma_start3A_359 = tpu.memref_slice %arg3[%dma_start3A_357, %dma_start3A_358] : memref<100096x8xf32, #tpu.memory_space<hbm>> -> memref<100096x8xf32, #tpu.memory_space<hbm>>
      tpu.enqueue_indirect_dma source(%dma_start3A_359 : memref<100096x8xf32, #tpu.memory_space<hbm>>) target(%dma_start3A_353 : memref<256x8xf32, #tpu.memory_space<vmem>>) offsets(%dma_start3A_356 : memref<256xi32, #tpu.memory_space<vmem>>) semaphore(%arg15 : memref<!tpu.dma_semaphore, #tpu.memory_space<semaphore_mem>>)
      %dma_start3A_360 = arith.constant 2 : i32
      %dma_start3A_361 = arith.constant 2 : i32
      %dma_start3A_362 = arith.constant 0 : i32
      %dma_start3A_363 = arith.constant 0 : i32
      %dma_start3A_364 = tpu.memref_slice %arg11[%dma_start3A_361, %dma_start3A_362, %dma_start3A_363] : memref<4x256x8xf32, #tpu.memory_space<vmem>> -> memref<1x256x8xf32, #tpu.memory_space<vmem>>
      %dma_start3A_365 = tpu.memref_squeeze %dma_start3A_364 : memref<1x256x8xf32, #tpu.memory_space<vmem>> -> memref<256x8xf32, #tpu.memory_space<vmem>>
      %dma_start3A_366 = arith.constant 0 : i32
      %dma_start3A_367 = tpu.memref_slice %arg9[%dma_start3A_360, %dma_start3A_366] : memref<4x256xi32, #tpu.memory_space<vmem>> -> memref<1x256xi32, #tpu.memory_space<vmem>>
      %dma_start3A_368 = tpu.memref_squeeze %dma_start3A_367 : memref<1x256xi32, #tpu.memory_space<vmem>> -> memref<256xi32, #tpu.memory_space<vmem>>
      %dma_start3A_369 = arith.constant 0 : i32
      %dma_start3A_370 = arith.constant 0 : i32
      %dma_start3A_371 = tpu.memref_slice %arg3[%dma_start3A_369, %dma_start3A_370] : memref<100096x8xf32, #tpu.memory_space<hbm>> -> memref<100096x8xf32, #tpu.memory_space<hbm>>
      tpu.enqueue_indirect_dma source(%dma_start3A_371 : memref<100096x8xf32, #tpu.memory_space<hbm>>) target(%dma_start3A_365 : memref<256x8xf32, #tpu.memory_space<vmem>>) offsets(%dma_start3A_368 : memref<256xi32, #tpu.memory_space<vmem>>) semaphore(%arg15 : memref<!tpu.dma_semaphore, #tpu.memory_space<semaphore_mem>>)
      %dma_start3A_372 = arith.constant 3 : i32
      %dma_start3A_373 = arith.constant 3 : i32
      %dma_start3A_374 = arith.constant 0 : i32
      %dma_start3A_375 = arith.constant 0 : i32
      %dma_start3A_376 = tpu.memref_slice %arg11[%dma_start3A_373, %dma_start3A_374, %dma_start3A_375] : memref<4x256x8xf32, #tpu.memory_space<vmem>> -> memref<1x256x8xf32, #tpu.memory_space<vmem>>
      %dma_start3A_377 = tpu.memref_squeeze %dma_start3A_376 : memref<1x256x8xf32, #tpu.memory_space<vmem>> -> memref<256x8xf32, #tpu.memory_space<vmem>>
      %dma_start3A_378 = arith.constant 0 : i32
      %dma_start3A_379 = tpu.memref_slice %arg9[%dma_start3A_372, %dma_start3A_378] : memref<4x256xi32, #tpu.memory_space<vmem>> -> memref<1x256xi32, #tpu.memory_space<vmem>>
      %dma_start3A_380 = tpu.memref_squeeze %dma_start3A_379 : memref<1x256xi32, #tpu.memory_space<vmem>> -> memref<256xi32, #tpu.memory_space<vmem>>
      %dma_start3A_381 = arith.constant 0 : i32
      %dma_start3A_382 = arith.constant 0 : i32
      %dma_start3A_383 = tpu.memref_slice %arg3[%dma_start3A_381, %dma_start3A_382] : memref<100096x8xf32, #tpu.memory_space<hbm>> -> memref<100096x8xf32, #tpu.memory_space<hbm>>
      tpu.enqueue_indirect_dma source(%dma_start3A_383 : memref<100096x8xf32, #tpu.memory_space<hbm>>) target(%dma_start3A_377 : memref<256x8xf32, #tpu.memory_space<vmem>>) offsets(%dma_start3A_380 : memref<256xi32, #tpu.memory_space<vmem>>) semaphore(%arg15 : memref<!tpu.dma_semaphore, #tpu.memory_space<semaphore_mem>>)
      %dma_wait3A_384 = arith.constant 0 : i32
      %dma_wait3A_385 = arith.constant 0 : i32
      %dma_wait3A_386 = arith.constant 0 : i32
      %dma_wait3A_387 = arith.constant 0 : i32
      %dma_wait3A_388 = tpu.memref_slice %arg11[%dma_wait3A_385, %dma_wait3A_386, %dma_wait3A_387] : memref<4x256x8xf32, #tpu.memory_space<vmem>> -> memref<1x256x8xf32, #tpu.memory_space<vmem>>
      %dma_wait3A_389 = tpu.memref_squeeze %dma_wait3A_388 : memref<1x256x8xf32, #tpu.memory_space<vmem>> -> memref<256x8xf32, #tpu.memory_space<vmem>>
      %dma_wait3A_390 = arith.constant 0 : i32
      %dma_wait3A_391 = tpu.memref_slice %arg9[%dma_wait3A_384, %dma_wait3A_390] : memref<4x256xi32, #tpu.memory_space<vmem>> -> memref<1x256xi32, #tpu.memory_space<vmem>>
      %dma_wait3A_392 = tpu.memref_squeeze %dma_wait3A_391 : memref<1x256xi32, #tpu.memory_space<vmem>> -> memref<256xi32, #tpu.memory_space<vmem>>
      %dma_wait3A_393 = arith.constant 0 : i32
      %dma_wait3A_394 = arith.constant 0 : i32
      %dma_wait3A_395 = tpu.memref_slice %arg3[%dma_wait3A_393, %dma_wait3A_394] : memref<100096x8xf32, #tpu.memory_space<hbm>> -> memref<100096x8xf32, #tpu.memory_space<hbm>>
      tpu.wait_indirect_dma semaphore(%arg15 : memref<!tpu.dma_semaphore, #tpu.memory_space<semaphore_mem>>) src(%dma_wait3A_395 : memref<100096x8xf32, #tpu.memory_space<hbm>>) dst(%dma_wait3A_389 : memref<256x8xf32, #tpu.memory_space<vmem>>)
      %dma_start3A_396 = arith.constant 0 : i32
      %dma_start3A_397 = arith.constant 0 : i32
      %dma_start3A_398 = arith.constant 0 : i32
      %dma_start3A_399 = arith.constant 0 : i32
      %dma_start3A_400 = tpu.memref_slice %arg11[%dma_start3A_396, %dma_start3A_398, %dma_start3A_399] : memref<4x256x8xf32, #tpu.memory_space<vmem>> -> memref<1x256x8xf32, #tpu.memory_space<vmem>>
      %dma_start3A_401 = tpu.memref_squeeze %dma_start3A_400 : memref<1x256x8xf32, #tpu.memory_space<vmem>> -> memref<256x8xf32, #tpu.memory_space<vmem>>
      %dma_start3A_402 = arith.constant 0 : i32
      %dma_start3A_403 = tpu.memref_slice %arg10[%dma_start3A_397, %dma_start3A_402] : memref<4x256xi32, #tpu.memory_space<vmem>> -> memref<1x256xi32, #tpu.memory_space<vmem>>
      %dma_start3A_404 = tpu.memref_squeeze %dma_start3A_403 : memref<1x256xi32, #tpu.memory_space<vmem>> -> memref<256xi32, #tpu.memory_space<vmem>>
      %dma_start3A_405 = arith.constant 0 : i32
      %dma_start3A_406 = arith.constant 0 : i32
      %dma_start3A_407 = tpu.memref_slice %arg17[%dma_start3A_405, %dma_start3A_406] : memref<100096x8xf32, #tpu.memory_space<vmem_shared>> -> memref<100096x8xf32, #tpu.memory_space<vmem_shared>>
      tpu.enqueue_indirect_dma source(%dma_start3A_401 : memref<256x8xf32, #tpu.memory_space<vmem>>) target(%dma_start3A_407 : memref<100096x8xf32, #tpu.memory_space<vmem_shared>>) offsets(%dma_start3A_404 : memref<256xi32, #tpu.memory_space<vmem>>) semaphore(%arg16 : memref<!tpu.dma_semaphore, #tpu.memory_space<semaphore_mem>>) {add = true}
      %dma_wait3A_408 = arith.constant 1 : i32
      %dma_wait3A_409 = arith.constant 1 : i32
      %dma_wait3A_410 = arith.constant 0 : i32
      %dma_wait3A_411 = arith.constant 0 : i32
      %dma_wait3A_412 = tpu.memref_slice %arg11[%dma_wait3A_409, %dma_wait3A_410, %dma_wait3A_411] : memref<4x256x8xf32, #tpu.memory_space<vmem>> -> memref<1x256x8xf32, #tpu.memory_space<vmem>>
      %dma_wait3A_413 = tpu.memref_squeeze %dma_wait3A_412 : memref<1x256x8xf32, #tpu.memory_space<vmem>> -> memref<256x8xf32, #tpu.memory_space<vmem>>
      %dma_wait3A_414 = arith.constant 0 : i32
      %dma_wait3A_415 = tpu.memref_slice %arg9[%dma_wait3A_408, %dma_wait3A_414] : memref<4x256xi32, #tpu.memory_space<vmem>> -> memref<1x256xi32, #tpu.memory_space<vmem>>
      %dma_wait3A_416 = tpu.memref_squeeze %dma_wait3A_415 : memref<1x256xi32, #tpu.memory_space<vmem>> -> memref<256xi32, #tpu.memory_space<vmem>>
      %dma_wait3A_417 = arith.constant 0 : i32
      %dma_wait3A_418 = arith.constant 0 : i32
      %dma_wait3A_419 = tpu.memref_slice %arg3[%dma_wait3A_417, %dma_wait3A_418] : memref<100096x8xf32, #tpu.memory_space<hbm>> -> memref<100096x8xf32, #tpu.memory_space<hbm>>
      tpu.wait_indirect_dma semaphore(%arg15 : memref<!tpu.dma_semaphore, #tpu.memory_space<semaphore_mem>>) src(%dma_wait3A_419 : memref<100096x8xf32, #tpu.memory_space<hbm>>) dst(%dma_wait3A_413 : memref<256x8xf32, #tpu.memory_space<vmem>>)
      %dma_start3A_420 = arith.constant 1 : i32
      %dma_start3A_421 = arith.constant 1 : i32
      %dma_start3A_422 = arith.constant 0 : i32
      %dma_start3A_423 = arith.constant 0 : i32
      %dma_start3A_424 = tpu.memref_slice %arg11[%dma_start3A_420, %dma_start3A_422, %dma_start3A_423] : memref<4x256x8xf32, #tpu.memory_space<vmem>> -> memref<1x256x8xf32, #tpu.memory_space<vmem>>
      %dma_start3A_425 = tpu.memref_squeeze %dma_start3A_424 : memref<1x256x8xf32, #tpu.memory_space<vmem>> -> memref<256x8xf32, #tpu.memory_space<vmem>>
      %dma_start3A_426 = arith.constant 0 : i32
      %dma_start3A_427 = tpu.memref_slice %arg10[%dma_start3A_421, %dma_start3A_426] : memref<4x256xi32, #tpu.memory_space<vmem>> -> memref<1x256xi32, #tpu.memory_space<vmem>>
      %dma_start3A_428 = tpu.memref_squeeze %dma_start3A_427 : memref<1x256xi32, #tpu.memory_space<vmem>> -> memref<256xi32, #tpu.memory_space<vmem>>
      %dma_start3A_429 = arith.constant 0 : i32
      %dma_start3A_430 = arith.constant 0 : i32
      %dma_start3A_431 = tpu.memref_slice %arg17[%dma_start3A_429, %dma_start3A_430] : memref<100096x8xf32, #tpu.memory_space<vmem_shared>> -> memref<100096x8xf32, #tpu.memory_space<vmem_shared>>
      tpu.enqueue_indirect_dma source(%dma_start3A_425 : memref<256x8xf32, #tpu.memory_space<vmem>>) target(%dma_start3A_431 : memref<100096x8xf32, #tpu.memory_space<vmem_shared>>) offsets(%dma_start3A_428 : memref<256xi32, #tpu.memory_space<vmem>>) semaphore(%arg16 : memref<!tpu.dma_semaphore, #tpu.memory_space<semaphore_mem>>) {add = true}
      %dma_wait3A_432 = arith.constant 2 : i32
      %dma_wait3A_433 = arith.constant 2 : i32
      %dma_wait3A_434 = arith.constant 0 : i32
      %dma_wait3A_435 = arith.constant 0 : i32
      %dma_wait3A_436 = tpu.memref_slice %arg11[%dma_wait3A_433, %dma_wait3A_434, %dma_wait3A_435] : memref<4x256x8xf32, #tpu.memory_space<vmem>> -> memref<1x256x8xf32, #tpu.memory_space<vmem>>
      %dma_wait3A_437 = tpu.memref_squeeze %dma_wait3A_436 : memref<1x256x8xf32, #tpu.memory_space<vmem>> -> memref<256x8xf32, #tpu.memory_space<vmem>>
      %dma_wait3A_438 = arith.constant 0 : i32
      %dma_wait3A_439 = tpu.memref_slice %arg9[%dma_wait3A_432, %dma_wait3A_438] : memref<4x256xi32, #tpu.memory_space<vmem>> -> memref<1x256xi32, #tpu.memory_space<vmem>>
      %dma_wait3A_440 = tpu.memref_squeeze %dma_wait3A_439 : memref<1x256xi32, #tpu.memory_space<vmem>> -> memref<256xi32, #tpu.memory_space<vmem>>
      %dma_wait3A_441 = arith.constant 0 : i32
      %dma_wait3A_442 = arith.constant 0 : i32
      %dma_wait3A_443 = tpu.memref_slice %arg3[%dma_wait3A_441, %dma_wait3A_442] : memref<100096x8xf32, #tpu.memory_space<hbm>> -> memref<100096x8xf32, #tpu.memory_space<hbm>>
      tpu.wait_indirect_dma semaphore(%arg15 : memref<!tpu.dma_semaphore, #tpu.memory_space<semaphore_mem>>) src(%dma_wait3A_443 : memref<100096x8xf32, #tpu.memory_space<hbm>>) dst(%dma_wait3A_437 : memref<256x8xf32, #tpu.memory_space<vmem>>)
      %dma_start3A_444 = arith.constant 2 : i32
      %dma_start3A_445 = arith.constant 2 : i32
      %dma_start3A_446 = arith.constant 0 : i32
      %dma_start3A_447 = arith.constant 0 : i32
      %dma_start3A_448 = tpu.memref_slice %arg11[%dma_start3A_444, %dma_start3A_446, %dma_start3A_447] : memref<4x256x8xf32, #tpu.memory_space<vmem>> -> memref<1x256x8xf32, #tpu.memory_space<vmem>>
      %dma_start3A_449 = tpu.memref_squeeze %dma_start3A_448 : memref<1x256x8xf32, #tpu.memory_space<vmem>> -> memref<256x8xf32, #tpu.memory_space<vmem>>
      %dma_start3A_450 = arith.constant 0 : i32
      %dma_start3A_451 = tpu.memref_slice %arg10[%dma_start3A_445, %dma_start3A_450] : memref<4x256xi32, #tpu.memory_space<vmem>> -> memref<1x256xi32, #tpu.memory_space<vmem>>
      %dma_start3A_452 = tpu.memref_squeeze %dma_start3A_451 : memref<1x256xi32, #tpu.memory_space<vmem>> -> memref<256xi32, #tpu.memory_space<vmem>>
      %dma_start3A_453 = arith.constant 0 : i32
      %dma_start3A_454 = arith.constant 0 : i32
      %dma_start3A_455 = tpu.memref_slice %arg17[%dma_start3A_453, %dma_start3A_454] : memref<100096x8xf32, #tpu.memory_space<vmem_shared>> -> memref<100096x8xf32, #tpu.memory_space<vmem_shared>>
      tpu.enqueue_indirect_dma source(%dma_start3A_449 : memref<256x8xf32, #tpu.memory_space<vmem>>) target(%dma_start3A_455 : memref<100096x8xf32, #tpu.memory_space<vmem_shared>>) offsets(%dma_start3A_452 : memref<256xi32, #tpu.memory_space<vmem>>) semaphore(%arg16 : memref<!tpu.dma_semaphore, #tpu.memory_space<semaphore_mem>>) {add = true}
      %dma_wait3A_456 = arith.constant 3 : i32
      %dma_wait3A_457 = arith.constant 3 : i32
      %dma_wait3A_458 = arith.constant 0 : i32
      %dma_wait3A_459 = arith.constant 0 : i32
      %dma_wait3A_460 = tpu.memref_slice %arg11[%dma_wait3A_457, %dma_wait3A_458, %dma_wait3A_459] : memref<4x256x8xf32, #tpu.memory_space<vmem>> -> memref<1x256x8xf32, #tpu.memory_space<vmem>>
      %dma_wait3A_461 = tpu.memref_squeeze %dma_wait3A_460 : memref<1x256x8xf32, #tpu.memory_space<vmem>> -> memref<256x8xf32, #tpu.memory_space<vmem>>
      %dma_wait3A_462 = arith.constant 0 : i32
      %dma_wait3A_463 = tpu.memref_slice %arg9[%dma_wait3A_456, %dma_wait3A_462] : memref<4x256xi32, #tpu.memory_space<vmem>> -> memref<1x256xi32, #tpu.memory_space<vmem>>
      %dma_wait3A_464 = tpu.memref_squeeze %dma_wait3A_463 : memref<1x256xi32, #tpu.memory_space<vmem>> -> memref<256xi32, #tpu.memory_space<vmem>>
      %dma_wait3A_465 = arith.constant 0 : i32
      %dma_wait3A_466 = arith.constant 0 : i32
      %dma_wait3A_467 = tpu.memref_slice %arg3[%dma_wait3A_465, %dma_wait3A_466] : memref<100096x8xf32, #tpu.memory_space<hbm>> -> memref<100096x8xf32, #tpu.memory_space<hbm>>
      tpu.wait_indirect_dma semaphore(%arg15 : memref<!tpu.dma_semaphore, #tpu.memory_space<semaphore_mem>>) src(%dma_wait3A_467 : memref<100096x8xf32, #tpu.memory_space<hbm>>) dst(%dma_wait3A_461 : memref<256x8xf32, #tpu.memory_space<vmem>>)
      %dma_start3A_468 = arith.constant 3 : i32
      %dma_start3A_469 = arith.constant 3 : i32
      %dma_start3A_470 = arith.constant 0 : i32
      %dma_start3A_471 = arith.constant 0 : i32
      %dma_start3A_472 = tpu.memref_slice %arg11[%dma_start3A_468, %dma_start3A_470, %dma_start3A_471] : memref<4x256x8xf32, #tpu.memory_space<vmem>> -> memref<1x256x8xf32, #tpu.memory_space<vmem>>
      %dma_start3A_473 = tpu.memref_squeeze %dma_start3A_472 : memref<1x256x8xf32, #tpu.memory_space<vmem>> -> memref<256x8xf32, #tpu.memory_space<vmem>>
      %dma_start3A_474 = arith.constant 0 : i32
      %dma_start3A_475 = tpu.memref_slice %arg10[%dma_start3A_469, %dma_start3A_474] : memref<4x256xi32, #tpu.memory_space<vmem>> -> memref<1x256xi32, #tpu.memory_space<vmem>>
      %dma_start3A_476 = tpu.memref_squeeze %dma_start3A_475 : memref<1x256xi32, #tpu.memory_space<vmem>> -> memref<256xi32, #tpu.memory_space<vmem>>
      %dma_start3A_477 = arith.constant 0 : i32
      %dma_start3A_478 = arith.constant 0 : i32
      %dma_start3A_479 = tpu.memref_slice %arg17[%dma_start3A_477, %dma_start3A_478] : memref<100096x8xf32, #tpu.memory_space<vmem_shared>> -> memref<100096x8xf32, #tpu.memory_space<vmem_shared>>
      tpu.enqueue_indirect_dma source(%dma_start3A_473 : memref<256x8xf32, #tpu.memory_space<vmem>>) target(%dma_start3A_479 : memref<100096x8xf32, #tpu.memory_space<vmem_shared>>) offsets(%dma_start3A_476 : memref<256xi32, #tpu.memory_space<vmem>>) semaphore(%arg16 : memref<!tpu.dma_semaphore, #tpu.memory_space<semaphore_mem>>) {add = true}
      %dma_wait3A_480 = arith.constant 0 : i32
      %dma_wait3A_481 = arith.constant 0 : i32
      %dma_wait3A_482 = arith.constant 0 : i32
      %dma_wait3A_483 = arith.constant 0 : i32
      %dma_wait3A_484 = tpu.memref_slice %arg11[%dma_wait3A_480, %dma_wait3A_482, %dma_wait3A_483] : memref<4x256x8xf32, #tpu.memory_space<vmem>> -> memref<1x256x8xf32, #tpu.memory_space<vmem>>
      %dma_wait3A_485 = tpu.memref_squeeze %dma_wait3A_484 : memref<1x256x8xf32, #tpu.memory_space<vmem>> -> memref<256x8xf32, #tpu.memory_space<vmem>>
      %dma_wait3A_486 = arith.constant 0 : i32
      %dma_wait3A_487 = tpu.memref_slice %arg10[%dma_wait3A_481, %dma_wait3A_486] : memref<4x256xi32, #tpu.memory_space<vmem>> -> memref<1x256xi32, #tpu.memory_space<vmem>>
      %dma_wait3A_488 = tpu.memref_squeeze %dma_wait3A_487 : memref<1x256xi32, #tpu.memory_space<vmem>> -> memref<256xi32, #tpu.memory_space<vmem>>
      %dma_wait3A_489 = arith.constant 0 : i32
      %dma_wait3A_490 = arith.constant 0 : i32
      %dma_wait3A_491 = tpu.memref_slice %arg17[%dma_wait3A_489, %dma_wait3A_490] : memref<100096x8xf32, #tpu.memory_space<vmem_shared>> -> memref<100096x8xf32, #tpu.memory_space<vmem_shared>>
      tpu.wait_indirect_dma semaphore(%arg16 : memref<!tpu.dma_semaphore, #tpu.memory_space<semaphore_mem>>) src(%dma_wait3A_485 : memref<256x8xf32, #tpu.memory_space<vmem>>) dst(%dma_wait3A_491 : memref<100096x8xf32, #tpu.memory_space<vmem_shared>>)
      %dma_wait3A_492 = arith.constant 1 : i32
      %dma_wait3A_493 = arith.constant 1 : i32
      %dma_wait3A_494 = arith.constant 0 : i32
      %dma_wait3A_495 = arith.constant 0 : i32
      %dma_wait3A_496 = tpu.memref_slice %arg11[%dma_wait3A_492, %dma_wait3A_494, %dma_wait3A_495] : memref<4x256x8xf32, #tpu.memory_space<vmem>> -> memref<1x256x8xf32, #tpu.memory_space<vmem>>
      %dma_wait3A_497 = tpu.memref_squeeze %dma_wait3A_496 : memref<1x256x8xf32, #tpu.memory_space<vmem>> -> memref<256x8xf32, #tpu.memory_space<vmem>>
      %dma_wait3A_498 = arith.constant 0 : i32
      %dma_wait3A_499 = tpu.memref_slice %arg10[%dma_wait3A_493, %dma_wait3A_498] : memref<4x256xi32, #tpu.memory_space<vmem>> -> memref<1x256xi32, #tpu.memory_space<vmem>>
      %dma_wait3A_500 = tpu.memref_squeeze %dma_wait3A_499 : memref<1x256xi32, #tpu.memory_space<vmem>> -> memref<256xi32, #tpu.memory_space<vmem>>
      %dma_wait3A_501 = arith.constant 0 : i32
      %dma_wait3A_502 = arith.constant 0 : i32
      %dma_wait3A_503 = tpu.memref_slice %arg17[%dma_wait3A_501, %dma_wait3A_502] : memref<100096x8xf32, #tpu.memory_space<vmem_shared>> -> memref<100096x8xf32, #tpu.memory_space<vmem_shared>>
      tpu.wait_indirect_dma semaphore(%arg16 : memref<!tpu.dma_semaphore, #tpu.memory_space<semaphore_mem>>) src(%dma_wait3A_497 : memref<256x8xf32, #tpu.memory_space<vmem>>) dst(%dma_wait3A_503 : memref<100096x8xf32, #tpu.memory_space<vmem_shared>>)
      %dma_wait3A_504 = arith.constant 2 : i32
      %dma_wait3A_505 = arith.constant 2 : i32
      %dma_wait3A_506 = arith.constant 0 : i32
      %dma_wait3A_507 = arith.constant 0 : i32
      %dma_wait3A_508 = tpu.memref_slice %arg11[%dma_wait3A_504, %dma_wait3A_506, %dma_wait3A_507] : memref<4x256x8xf32, #tpu.memory_space<vmem>> -> memref<1x256x8xf32, #tpu.memory_space<vmem>>
      %dma_wait3A_509 = tpu.memref_squeeze %dma_wait3A_508 : memref<1x256x8xf32, #tpu.memory_space<vmem>> -> memref<256x8xf32, #tpu.memory_space<vmem>>
      %dma_wait3A_510 = arith.constant 0 : i32
      %dma_wait3A_511 = tpu.memref_slice %arg10[%dma_wait3A_505, %dma_wait3A_510] : memref<4x256xi32, #tpu.memory_space<vmem>> -> memref<1x256xi32, #tpu.memory_space<vmem>>
      %dma_wait3A_512 = tpu.memref_squeeze %dma_wait3A_511 : memref<1x256xi32, #tpu.memory_space<vmem>> -> memref<256xi32, #tpu.memory_space<vmem>>
      %dma_wait3A_513 = arith.constant 0 : i32
      %dma_wait3A_514 = arith.constant 0 : i32
      %dma_wait3A_515 = tpu.memref_slice %arg17[%dma_wait3A_513, %dma_wait3A_514] : memref<100096x8xf32, #tpu.memory_space<vmem_shared>> -> memref<100096x8xf32, #tpu.memory_space<vmem_shared>>
      tpu.wait_indirect_dma semaphore(%arg16 : memref<!tpu.dma_semaphore, #tpu.memory_space<semaphore_mem>>) src(%dma_wait3A_509 : memref<256x8xf32, #tpu.memory_space<vmem>>) dst(%dma_wait3A_515 : memref<100096x8xf32, #tpu.memory_space<vmem_shared>>)
      %dma_wait3A_516 = arith.constant 3 : i32
      %dma_wait3A_517 = arith.constant 3 : i32
      %dma_wait3A_518 = arith.constant 0 : i32
      %dma_wait3A_519 = arith.constant 0 : i32
      %dma_wait3A_520 = tpu.memref_slice %arg11[%dma_wait3A_516, %dma_wait3A_518, %dma_wait3A_519] : memref<4x256x8xf32, #tpu.memory_space<vmem>> -> memref<1x256x8xf32, #tpu.memory_space<vmem>>
      %dma_wait3A_521 = tpu.memref_squeeze %dma_wait3A_520 : memref<1x256x8xf32, #tpu.memory_space<vmem>> -> memref<256x8xf32, #tpu.memory_space<vmem>>
      %dma_wait3A_522 = arith.constant 0 : i32
      %dma_wait3A_523 = tpu.memref_slice %arg10[%dma_wait3A_517, %dma_wait3A_522] : memref<4x256xi32, #tpu.memory_space<vmem>> -> memref<1x256xi32, #tpu.memory_space<vmem>>
      %dma_wait3A_524 = tpu.memref_squeeze %dma_wait3A_523 : memref<1x256xi32, #tpu.memory_space<vmem>> -> memref<256xi32, #tpu.memory_space<vmem>>
      %dma_wait3A_525 = arith.constant 0 : i32
      %dma_wait3A_526 = arith.constant 0 : i32
      %dma_wait3A_527 = tpu.memref_slice %arg17[%dma_wait3A_525, %dma_wait3A_526] : memref<100096x8xf32, #tpu.memory_space<vmem_shared>> -> memref<100096x8xf32, #tpu.memory_space<vmem_shared>>
      tpu.wait_indirect_dma semaphore(%arg16 : memref<!tpu.dma_semaphore, #tpu.memory_space<semaphore_mem>>) src(%dma_wait3A_521 : memref<256x8xf32, #tpu.memory_space<vmem>>) dst(%dma_wait3A_527 : memref<100096x8xf32, #tpu.memory_space<vmem_shared>>)
      %add3A_528 = arith.constant 2 : i32
      %add3A_529 = arith.addi %add3A_323, %add3A_528 : i32
      %lt3A_530 = arith.cmpi slt, %add3A_529, %select_n3A : i32
      %convert_element_type3A_531 = arith.extui %lt3A_530 : i1 to i32
      %cond3A_532 = arith.constant 0 : i32
      %cond3A_533 = arith.cmpi ne, %convert_element_type3A_531, %cond3A_532 : i32
      scf.if %cond3A_533 {
        %add3A_534 = arith.constant 2 : i32
        %add3A_535 = arith.addi %add3A_323, %add3A_534 : i32
        %mul3A_536 = arith.constant 4 : i32
        %mul3A_537 = arith.muli %add3A_535, %mul3A_536 : i32
        %add3A_538 = arith.addi %mul3A_2, %mul3A_537 : i32
        %dma_start3A_539 = arith.constant 0 : i32
        %dma_start3A_540 = tpu.memref_slice %arg2[%add3A_538, %dma_start3A_539] : memref<25000x256xi32, #tpu.memory_space<hbm>> -> memref<4x256xi32, #tpu.memory_space<hbm>>
        %dma_start3A_541 = arith.constant 0 : i32
        %dma_start3A_542 = tpu.memref_slice %arg2[%add3A_538, %dma_start3A_541] : memref<25000x256xi32, #tpu.memory_space<hbm>> -> memref<4x256xi32, #tpu.memory_space<hbm>>
        tpu.enqueue_dma source(%dma_start3A_542 : memref<4x256xi32, #tpu.memory_space<hbm>>) target(%arg9 : memref<4x256xi32, #tpu.memory_space<vmem>>) target_semaphore(%arg14 : memref<!tpu.dma_semaphore, #tpu.memory_space<semaphore_mem>>)
        %add3A_543 = arith.constant 12500 : i32
        %add3A_544 = arith.addi %add3A_543, %mul3A_2 : i32
        %mul3A_545 = arith.constant 4 : i32
        %mul3A_546 = arith.muli %add3A_535, %mul3A_545 : i32
        %add3A_547 = arith.addi %add3A_544, %mul3A_546 : i32
        %dma_start3A_548 = arith.constant 0 : i32
        %dma_start3A_549 = tpu.memref_slice %arg2[%add3A_547, %dma_start3A_548] : memref<25000x256xi32, #tpu.memory_space<hbm>> -> memref<4x256xi32, #tpu.memory_space<hbm>>
        %dma_start3A_550 = arith.constant 0 : i32
        %dma_start3A_551 = tpu.memref_slice %arg2[%add3A_547, %dma_start3A_550] : memref<25000x256xi32, #tpu.memory_space<hbm>> -> memref<4x256xi32, #tpu.memory_space<hbm>>
        tpu.enqueue_dma source(%dma_start3A_551 : memref<4x256xi32, #tpu.memory_space<hbm>>) target(%arg10 : memref<4x256xi32, #tpu.memory_space<vmem>>) target_semaphore(%arg14 : memref<!tpu.dma_semaphore, #tpu.memory_space<semaphore_mem>>)
      } else {
      }
    }
    %while3A_85 = arith.constant 1 : i32
    scf.for %while3A_108 = %while3A_83 to %while3A_79 step %while3A_85  : i32 {
      %mul3A_109 = arith.constant 2 : i32
      %mul3A_110 = arith.muli %mul3A_109, %while3A_108 : i32
      %dma_wait3A = arith.constant 0 : i32
      %dma_wait3A_111 = arith.constant 0 : i32
      %dma_wait3A_112 = tpu.memref_slice %arg2[%dma_wait3A, %dma_wait3A_111] : memref<25000x256xi32, #tpu.memory_space<hbm>> -> memref<4x256xi32, #tpu.memory_space<hbm>>
      %dma_wait3A_113 = arith.constant 0 : i32
      %dma_wait3A_114 = arith.constant 0 : i32
      %dma_wait3A_115 = tpu.memref_slice %arg2[%dma_wait3A_113, %dma_wait3A_114] : memref<25000x256xi32, #tpu.memory_space<hbm>> -> memref<4x256xi32, #tpu.memory_space<hbm>>
      tpu.wait_dma2 semaphore(%arg13 : memref<!tpu.dma_semaphore, #tpu.memory_space<semaphore_mem>>) src(%dma_wait3A_115 : memref<4x256xi32, #tpu.memory_space<hbm>>) dst(%arg6 : memref<4x256xi32, #tpu.memory_space<vmem>>)
      %dma_wait3A_116 = arith.constant 0 : i32
      %dma_wait3A_117 = arith.constant 0 : i32
      %dma_wait3A_118 = tpu.memref_slice %arg2[%dma_wait3A_116, %dma_wait3A_117] : memref<25000x256xi32, #tpu.memory_space<hbm>> -> memref<4x256xi32, #tpu.memory_space<hbm>>
      %dma_wait3A_119 = arith.constant 0 : i32
      %dma_wait3A_120 = arith.constant 0 : i32
      %dma_wait3A_121 = tpu.memref_slice %arg2[%dma_wait3A_119, %dma_wait3A_120] : memref<25000x256xi32, #tpu.memory_space<hbm>> -> memref<4x256xi32, #tpu.memory_space<hbm>>
      tpu.wait_dma2 semaphore(%arg13 : memref<!tpu.dma_semaphore, #tpu.memory_space<semaphore_mem>>) src(%dma_wait3A_121 : memref<4x256xi32, #tpu.memory_space<hbm>>) dst(%arg7 : memref<4x256xi32, #tpu.memory_space<vmem>>)
      %dma_start3A_122 = arith.constant 0 : i32
      %dma_start3A_123 = arith.constant 0 : i32
      %dma_start3A_124 = arith.constant 0 : i32
      %dma_start3A_125 = arith.constant 0 : i32
      %dma_start3A_126 = tpu.memref_slice %arg8[%dma_start3A_123, %dma_start3A_124, %dma_start3A_125] : memref<4x256x8xf32, #tpu.memory_space<vmem>> -> memref<1x256x8xf32, #tpu.memory_space<vmem>>
      %dma_start3A_127 = tpu.memref_squeeze %dma_start3A_126 : memref<1x256x8xf32, #tpu.memory_space<vmem>> -> memref<256x8xf32, #tpu.memory_space<vmem>>
      %dma_start3A_128 = arith.constant 0 : i32
      %dma_start3A_129 = tpu.memref_slice %arg6[%dma_start3A_122, %dma_start3A_128] : memref<4x256xi32, #tpu.memory_space<vmem>> -> memref<1x256xi32, #tpu.memory_space<vmem>>
      %dma_start3A_130 = tpu.memref_squeeze %dma_start3A_129 : memref<1x256xi32, #tpu.memory_space<vmem>> -> memref<256xi32, #tpu.memory_space<vmem>>
      %dma_start3A_131 = arith.constant 0 : i32
      %dma_start3A_132 = arith.constant 0 : i32
      %dma_start3A_133 = tpu.memref_slice %arg3[%dma_start3A_131, %dma_start3A_132] : memref<100096x8xf32, #tpu.memory_space<hbm>> -> memref<100096x8xf32, #tpu.memory_space<hbm>>
      tpu.enqueue_indirect_dma source(%dma_start3A_133 : memref<100096x8xf32, #tpu.memory_space<hbm>>) target(%dma_start3A_127 : memref<256x8xf32, #tpu.memory_space<vmem>>) offsets(%dma_start3A_130 : memref<256xi32, #tpu.memory_space<vmem>>) semaphore(%arg15 : memref<!tpu.dma_semaphore, #tpu.memory_space<semaphore_mem>>)
      %dma_start3A_134 = arith.constant 1 : i32
      %dma_start3A_135 = arith.constant 1 : i32
      %dma_start3A_136 = arith.constant 0 : i32
      %dma_start3A_137 = arith.constant 0 : i32
      %dma_start3A_138 = tpu.memref_slice %arg8[%dma_start3A_135, %dma_start3A_136, %dma_start3A_137] : memref<4x256x8xf32, #tpu.memory_space<vmem>> -> memref<1x256x8xf32, #tpu.memory_space<vmem>>
      %dma_start3A_139 = tpu.memref_squeeze %dma_start3A_138 : memref<1x256x8xf32, #tpu.memory_space<vmem>> -> memref<256x8xf32, #tpu.memory_space<vmem>>
      %dma_start3A_140 = arith.constant 0 : i32
      %dma_start3A_141 = tpu.memref_slice %arg6[%dma_start3A_134, %dma_start3A_140] : memref<4x256xi32, #tpu.memory_space<vmem>> -> memref<1x256xi32, #tpu.memory_space<vmem>>
      %dma_start3A_142 = tpu.memref_squeeze %dma_start3A_141 : memref<1x256xi32, #tpu.memory_space<vmem>> -> memref<256xi32, #tpu.memory_space<vmem>>
      %dma_start3A_143 = arith.constant 0 : i32
      %dma_start3A_144 = arith.constant 0 : i32
      %dma_start3A_145 = tpu.memref_slice %arg3[%dma_start3A_143, %dma_start3A_144] : memref<100096x8xf32, #tpu.memory_space<hbm>> -> memref<100096x8xf32, #tpu.memory_space<hbm>>
      tpu.enqueue_indirect_dma source(%dma_start3A_145 : memref<100096x8xf32, #tpu.memory_space<hbm>>) target(%dma_start3A_139 : memref<256x8xf32, #tpu.memory_space<vmem>>) offsets(%dma_start3A_142 : memref<256xi32, #tpu.memory_space<vmem>>) semaphore(%arg15 : memref<!tpu.dma_semaphore, #tpu.memory_space<semaphore_mem>>)
      %dma_start3A_146 = arith.constant 2 : i32
      %dma_start3A_147 = arith.constant 2 : i32
      %dma_start3A_148 = arith.constant 0 : i32
      %dma_start3A_149 = arith.constant 0 : i32
      %dma_start3A_150 = tpu.memref_slice %arg8[%dma_start3A_147, %dma_start3A_148, %dma_start3A_149] : memref<4x256x8xf32, #tpu.memory_space<vmem>> -> memref<1x256x8xf32, #tpu.memory_space<vmem>>
      %dma_start3A_151 = tpu.memref_squeeze %dma_start3A_150 : memref<1x256x8xf32, #tpu.memory_space<vmem>> -> memref<256x8xf32, #tpu.memory_space<vmem>>
      %dma_start3A_152 = arith.constant 0 : i32
      %dma_start3A_153 = tpu.memref_slice %arg6[%dma_start3A_146, %dma_start3A_152] : memref<4x256xi32, #tpu.memory_space<vmem>> -> memref<1x256xi32, #tpu.memory_space<vmem>>
      %dma_start3A_154 = tpu.memref_squeeze %dma_start3A_153 : memref<1x256xi32, #tpu.memory_space<vmem>> -> memref<256xi32, #tpu.memory_space<vmem>>
      %dma_start3A_155 = arith.constant 0 : i32
      %dma_start3A_156 = arith.constant 0 : i32
      %dma_start3A_157 = tpu.memref_slice %arg3[%dma_start3A_155, %dma_start3A_156] : memref<100096x8xf32, #tpu.memory_space<hbm>> -> memref<100096x8xf32, #tpu.memory_space<hbm>>
      tpu.enqueue_indirect_dma source(%dma_start3A_157 : memref<100096x8xf32, #tpu.memory_space<hbm>>) target(%dma_start3A_151 : memref<256x8xf32, #tpu.memory_space<vmem>>) offsets(%dma_start3A_154 : memref<256xi32, #tpu.memory_space<vmem>>) semaphore(%arg15 : memref<!tpu.dma_semaphore, #tpu.memory_space<semaphore_mem>>)
      %dma_start3A_158 = arith.constant 3 : i32
      %dma_start3A_159 = arith.constant 3 : i32
      %dma_start3A_160 = arith.constant 0 : i32
      %dma_start3A_161 = arith.constant 0 : i32
      %dma_start3A_162 = tpu.memref_slice %arg8[%dma_start3A_159, %dma_start3A_160, %dma_start3A_161] : memref<4x256x8xf32, #tpu.memory_space<vmem>> -> memref<1x256x8xf32, #tpu.memory_space<vmem>>
      %dma_start3A_163 = tpu.memref_squeeze %dma_start3A_162 : memref<1x256x8xf32, #tpu.memory_space<vmem>> -> memref<256x8xf32, #tpu.memory_space<vmem>>
      %dma_start3A_164 = arith.constant 0 : i32
      %dma_start3A_165 = tpu.memref_slice %arg6[%dma_start3A_158, %dma_start3A_164] : memref<4x256xi32, #tpu.memory_space<vmem>> -> memref<1x256xi32, #tpu.memory_space<vmem>>
      %dma_start3A_166 = tpu.memref_squeeze %dma_start3A_165 : memref<1x256xi32, #tpu.memory_space<vmem>> -> memref<256xi32, #tpu.memory_space<vmem>>
      %dma_start3A_167 = arith.constant 0 : i32
      %dma_start3A_168 = arith.constant 0 : i32
      %dma_start3A_169 = tpu.memref_slice %arg3[%dma_start3A_167, %dma_start3A_168] : memref<100096x8xf32, #tpu.memory_space<hbm>> -> memref<100096x8xf32, #tpu.memory_space<hbm>>
      tpu.enqueue_indirect_dma source(%dma_start3A_169 : memref<100096x8xf32, #tpu.memory_space<hbm>>) target(%dma_start3A_163 : memref<256x8xf32, #tpu.memory_space<vmem>>) offsets(%dma_start3A_166 : memref<256xi32, #tpu.memory_space<vmem>>) semaphore(%arg15 : memref<!tpu.dma_semaphore, #tpu.memory_space<semaphore_mem>>)
      %dma_wait3A_170 = arith.constant 0 : i32
      %dma_wait3A_171 = arith.constant 0 : i32
      %dma_wait3A_172 = arith.constant 0 : i32
      %dma_wait3A_173 = arith.constant 0 : i32
      %dma_wait3A_174 = tpu.memref_slice %arg8[%dma_wait3A_171, %dma_wait3A_172, %dma_wait3A_173] : memref<4x256x8xf32, #tpu.memory_space<vmem>> -> memref<1x256x8xf32, #tpu.memory_space<vmem>>
      %dma_wait3A_175 = tpu.memref_squeeze %dma_wait3A_174 : memref<1x256x8xf32, #tpu.memory_space<vmem>> -> memref<256x8xf32, #tpu.memory_space<vmem>>
      %dma_wait3A_176 = arith.constant 0 : i32
      %dma_wait3A_177 = tpu.memref_slice %arg6[%dma_wait3A_170, %dma_wait3A_176] : memref<4x256xi32, #tpu.memory_space<vmem>> -> memref<1x256xi32, #tpu.memory_space<vmem>>
      %dma_wait3A_178 = tpu.memref_squeeze %dma_wait3A_177 : memref<1x256xi32, #tpu.memory_space<vmem>> -> memref<256xi32, #tpu.memory_space<vmem>>
      %dma_wait3A_179 = arith.constant 0 : i32
      %dma_wait3A_180 = arith.constant 0 : i32
      %dma_wait3A_181 = tpu.memref_slice %arg3[%dma_wait3A_179, %dma_wait3A_180] : memref<100096x8xf32, #tpu.memory_space<hbm>> -> memref<100096x8xf32, #tpu.memory_space<hbm>>
      tpu.wait_indirect_dma semaphore(%arg15 : memref<!tpu.dma_semaphore, #tpu.memory_space<semaphore_mem>>) src(%dma_wait3A_181 : memref<100096x8xf32, #tpu.memory_space<hbm>>) dst(%dma_wait3A_175 : memref<256x8xf32, #tpu.memory_space<vmem>>)
      %dma_start3A_182 = arith.constant 0 : i32
      %dma_start3A_183 = arith.constant 0 : i32
      %dma_start3A_184 = arith.constant 0 : i32
      %dma_start3A_185 = arith.constant 0 : i32
      %dma_start3A_186 = tpu.memref_slice %arg8[%dma_start3A_182, %dma_start3A_184, %dma_start3A_185] : memref<4x256x8xf32, #tpu.memory_space<vmem>> -> memref<1x256x8xf32, #tpu.memory_space<vmem>>
      %dma_start3A_187 = tpu.memref_squeeze %dma_start3A_186 : memref<1x256x8xf32, #tpu.memory_space<vmem>> -> memref<256x8xf32, #tpu.memory_space<vmem>>
      %dma_start3A_188 = arith.constant 0 : i32
      %dma_start3A_189 = tpu.memref_slice %arg7[%dma_start3A_183, %dma_start3A_188] : memref<4x256xi32, #tpu.memory_space<vmem>> -> memref<1x256xi32, #tpu.memory_space<vmem>>
      %dma_start3A_190 = tpu.memref_squeeze %dma_start3A_189 : memref<1x256xi32, #tpu.memory_space<vmem>> -> memref<256xi32, #tpu.memory_space<vmem>>
      %dma_start3A_191 = arith.constant 0 : i32
      %dma_start3A_192 = arith.constant 0 : i32
      %dma_start3A_193 = tpu.memref_slice %arg17[%dma_start3A_191, %dma_start3A_192] : memref<100096x8xf32, #tpu.memory_space<vmem_shared>> -> memref<100096x8xf32, #tpu.memory_space<vmem_shared>>
      tpu.enqueue_indirect_dma source(%dma_start3A_187 : memref<256x8xf32, #tpu.memory_space<vmem>>) target(%dma_start3A_193 : memref<100096x8xf32, #tpu.memory_space<vmem_shared>>) offsets(%dma_start3A_190 : memref<256xi32, #tpu.memory_space<vmem>>) semaphore(%arg16 : memref<!tpu.dma_semaphore, #tpu.memory_space<semaphore_mem>>) {add = true}
      %dma_wait3A_194 = arith.constant 1 : i32
      %dma_wait3A_195 = arith.constant 1 : i32
      %dma_wait3A_196 = arith.constant 0 : i32
      %dma_wait3A_197 = arith.constant 0 : i32
      %dma_wait3A_198 = tpu.memref_slice %arg8[%dma_wait3A_195, %dma_wait3A_196, %dma_wait3A_197] : memref<4x256x8xf32, #tpu.memory_space<vmem>> -> memref<1x256x8xf32, #tpu.memory_space<vmem>>
      %dma_wait3A_199 = tpu.memref_squeeze %dma_wait3A_198 : memref<1x256x8xf32, #tpu.memory_space<vmem>> -> memref<256x8xf32, #tpu.memory_space<vmem>>
      %dma_wait3A_200 = arith.constant 0 : i32
      %dma_wait3A_201 = tpu.memref_slice %arg6[%dma_wait3A_194, %dma_wait3A_200] : memref<4x256xi32, #tpu.memory_space<vmem>> -> memref<1x256xi32, #tpu.memory_space<vmem>>
      %dma_wait3A_202 = tpu.memref_squeeze %dma_wait3A_201 : memref<1x256xi32, #tpu.memory_space<vmem>> -> memref<256xi32, #tpu.memory_space<vmem>>
      %dma_wait3A_203 = arith.constant 0 : i32
      %dma_wait3A_204 = arith.constant 0 : i32
      %dma_wait3A_205 = tpu.memref_slice %arg3[%dma_wait3A_203, %dma_wait3A_204] : memref<100096x8xf32, #tpu.memory_space<hbm>> -> memref<100096x8xf32, #tpu.memory_space<hbm>>
      tpu.wait_indirect_dma semaphore(%arg15 : memref<!tpu.dma_semaphore, #tpu.memory_space<semaphore_mem>>) src(%dma_wait3A_205 : memref<100096x8xf32, #tpu.memory_space<hbm>>) dst(%dma_wait3A_199 : memref<256x8xf32, #tpu.memory_space<vmem>>)
      %dma_start3A_206 = arith.constant 1 : i32
      %dma_start3A_207 = arith.constant 1 : i32
      %dma_start3A_208 = arith.constant 0 : i32
      %dma_start3A_209 = arith.constant 0 : i32
      %dma_start3A_210 = tpu.memref_slice %arg8[%dma_start3A_206, %dma_start3A_208, %dma_start3A_209] : memref<4x256x8xf32, #tpu.memory_space<vmem>> -> memref<1x256x8xf32, #tpu.memory_space<vmem>>
      %dma_start3A_211 = tpu.memref_squeeze %dma_start3A_210 : memref<1x256x8xf32, #tpu.memory_space<vmem>> -> memref<256x8xf32, #tpu.memory_space<vmem>>
      %dma_start3A_212 = arith.constant 0 : i32
      %dma_start3A_213 = tpu.memref_slice %arg7[%dma_start3A_207, %dma_start3A_212] : memref<4x256xi32, #tpu.memory_space<vmem>> -> memref<1x256xi32, #tpu.memory_space<vmem>>
      %dma_start3A_214 = tpu.memref_squeeze %dma_start3A_213 : memref<1x256xi32, #tpu.memory_space<vmem>> -> memref<256xi32, #tpu.memory_space<vmem>>
      %dma_start3A_215 = arith.constant 0 : i32
      %dma_start3A_216 = arith.constant 0 : i32
      %dma_start3A_217 = tpu.memref_slice %arg17[%dma_start3A_215, %dma_start3A_216] : memref<100096x8xf32, #tpu.memory_space<vmem_shared>> -> memref<100096x8xf32, #tpu.memory_space<vmem_shared>>
      tpu.enqueue_indirect_dma source(%dma_start3A_211 : memref<256x8xf32, #tpu.memory_space<vmem>>) target(%dma_start3A_217 : memref<100096x8xf32, #tpu.memory_space<vmem_shared>>) offsets(%dma_start3A_214 : memref<256xi32, #tpu.memory_space<vmem>>) semaphore(%arg16 : memref<!tpu.dma_semaphore, #tpu.memory_space<semaphore_mem>>) {add = true}
      %dma_wait3A_218 = arith.constant 2 : i32
      %dma_wait3A_219 = arith.constant 2 : i32
      %dma_wait3A_220 = arith.constant 0 : i32
      %dma_wait3A_221 = arith.constant 0 : i32
      %dma_wait3A_222 = tpu.memref_slice %arg8[%dma_wait3A_219, %dma_wait3A_220, %dma_wait3A_221] : memref<4x256x8xf32, #tpu.memory_space<vmem>> -> memref<1x256x8xf32, #tpu.memory_space<vmem>>
      %dma_wait3A_223 = tpu.memref_squeeze %dma_wait3A_222 : memref<1x256x8xf32, #tpu.memory_space<vmem>> -> memref<256x8xf32, #tpu.memory_space<vmem>>
      %dma_wait3A_224 = arith.constant 0 : i32
      %dma_wait3A_225 = tpu.memref_slice %arg6[%dma_wait3A_218, %dma_wait3A_224] : memref<4x256xi32, #tpu.memory_space<vmem>> -> memref<1x256xi32, #tpu.memory_space<vmem>>
      %dma_wait3A_226 = tpu.memref_squeeze %dma_wait3A_225 : memref<1x256xi32, #tpu.memory_space<vmem>> -> memref<256xi32, #tpu.memory_space<vmem>>
      %dma_wait3A_227 = arith.constant 0 : i32
      %dma_wait3A_228 = arith.constant 0 : i32
      %dma_wait3A_229 = tpu.memref_slice %arg3[%dma_wait3A_227, %dma_wait3A_228] : memref<100096x8xf32, #tpu.memory_space<hbm>> -> memref<100096x8xf32, #tpu.memory_space<hbm>>
      tpu.wait_indirect_dma semaphore(%arg15 : memref<!tpu.dma_semaphore, #tpu.memory_space<semaphore_mem>>) src(%dma_wait3A_229 : memref<100096x8xf32, #tpu.memory_space<hbm>>) dst(%dma_wait3A_223 : memref<256x8xf32, #tpu.memory_space<vmem>>)
      %dma_start3A_230 = arith.constant 2 : i32
      %dma_start3A_231 = arith.constant 2 : i32
      %dma_start3A_232 = arith.constant 0 : i32
      %dma_start3A_233 = arith.constant 0 : i32
      %dma_start3A_234 = tpu.memref_slice %arg8[%dma_start3A_230, %dma_start3A_232, %dma_start3A_233] : memref<4x256x8xf32, #tpu.memory_space<vmem>> -> memref<1x256x8xf32, #tpu.memory_space<vmem>>
      %dma_start3A_235 = tpu.memref_squeeze %dma_start3A_234 : memref<1x256x8xf32, #tpu.memory_space<vmem>> -> memref<256x8xf32, #tpu.memory_space<vmem>>
      %dma_start3A_236 = arith.constant 0 : i32
      %dma_start3A_237 = tpu.memref_slice %arg7[%dma_start3A_231, %dma_start3A_236] : memref<4x256xi32, #tpu.memory_space<vmem>> -> memref<1x256xi32, #tpu.memory_space<vmem>>
      %dma_start3A_238 = tpu.memref_squeeze %dma_start3A_237 : memref<1x256xi32, #tpu.memory_space<vmem>> -> memref<256xi32, #tpu.memory_space<vmem>>
      %dma_start3A_239 = arith.constant 0 : i32
      %dma_start3A_240 = arith.constant 0 : i32
      %dma_start3A_241 = tpu.memref_slice %arg17[%dma_start3A_239, %dma_start3A_240] : memref<100096x8xf32, #tpu.memory_space<vmem_shared>> -> memref<100096x8xf32, #tpu.memory_space<vmem_shared>>
      tpu.enqueue_indirect_dma source(%dma_start3A_235 : memref<256x8xf32, #tpu.memory_space<vmem>>) target(%dma_start3A_241 : memref<100096x8xf32, #tpu.memory_space<vmem_shared>>) offsets(%dma_start3A_238 : memref<256xi32, #tpu.memory_space<vmem>>) semaphore(%arg16 : memref<!tpu.dma_semaphore, #tpu.memory_space<semaphore_mem>>) {add = true}
      %dma_wait3A_242 = arith.constant 3 : i32
      %dma_wait3A_243 = arith.constant 3 : i32
      %dma_wait3A_244 = arith.constant 0 : i32
      %dma_wait3A_245 = arith.constant 0 : i32
      %dma_wait3A_246 = tpu.memref_slice %arg8[%dma_wait3A_243, %dma_wait3A_244, %dma_wait3A_245] : memref<4x256x8xf32, #tpu.memory_space<vmem>> -> memref<1x256x8xf32, #tpu.memory_space<vmem>>
      %dma_wait3A_247 = tpu.memref_squeeze %dma_wait3A_246 : memref<1x256x8xf32, #tpu.memory_space<vmem>> -> memref<256x8xf32, #tpu.memory_space<vmem>>
      %dma_wait3A_248 = arith.constant 0 : i32
      %dma_wait3A_249 = tpu.memref_slice %arg6[%dma_wait3A_242, %dma_wait3A_248] : memref<4x256xi32, #tpu.memory_space<vmem>> -> memref<1x256xi32, #tpu.memory_space<vmem>>
      %dma_wait3A_250 = tpu.memref_squeeze %dma_wait3A_249 : memref<1x256xi32, #tpu.memory_space<vmem>> -> memref<256xi32, #tpu.memory_space<vmem>>
      %dma_wait3A_251 = arith.constant 0 : i32
      %dma_wait3A_252 = arith.constant 0 : i32
      %dma_wait3A_253 = tpu.memref_slice %arg3[%dma_wait3A_251, %dma_wait3A_252] : memref<100096x8xf32, #tpu.memory_space<hbm>> -> memref<100096x8xf32, #tpu.memory_space<hbm>>
      tpu.wait_indirect_dma semaphore(%arg15 : memref<!tpu.dma_semaphore, #tpu.memory_space<semaphore_mem>>) src(%dma_wait3A_253 : memref<100096x8xf32, #tpu.memory_space<hbm>>) dst(%dma_wait3A_247 : memref<256x8xf32, #tpu.memory_space<vmem>>)
      %dma_start3A_254 = arith.constant 3 : i32
      %dma_start3A_255 = arith.constant 3 : i32
      %dma_start3A_256 = arith.constant 0 : i32
      %dma_start3A_257 = arith.constant 0 : i32
      %dma_start3A_258 = tpu.memref_slice %arg8[%dma_start3A_254, %dma_start3A_256, %dma_start3A_257] : memref<4x256x8xf32, #tpu.memory_space<vmem>> -> memref<1x256x8xf32, #tpu.memory_space<vmem>>
      %dma_start3A_259 = tpu.memref_squeeze %dma_start3A_258 : memref<1x256x8xf32, #tpu.memory_space<vmem>> -> memref<256x8xf32, #tpu.memory_space<vmem>>
      %dma_start3A_260 = arith.constant 0 : i32
      %dma_start3A_261 = tpu.memref_slice %arg7[%dma_start3A_255, %dma_start3A_260] : memref<4x256xi32, #tpu.memory_space<vmem>> -> memref<1x256xi32, #tpu.memory_space<vmem>>
      %dma_start3A_262 = tpu.memref_squeeze %dma_start3A_261 : memref<1x256xi32, #tpu.memory_space<vmem>> -> memref<256xi32, #tpu.memory_space<vmem>>
      %dma_start3A_263 = arith.constant 0 : i32
      %dma_start3A_264 = arith.constant 0 : i32
      %dma_start3A_265 = tpu.memref_slice %arg17[%dma_start3A_263, %dma_start3A_264] : memref<100096x8xf32, #tpu.memory_space<vmem_shared>> -> memref<100096x8xf32, #tpu.memory_space<vmem_shared>>
      tpu.enqueue_indirect_dma source(%dma_start3A_259 : memref<256x8xf32, #tpu.memory_space<vmem>>) target(%dma_start3A_265 : memref<100096x8xf32, #tpu.memory_space<vmem_shared>>) offsets(%dma_start3A_262 : memref<256xi32, #tpu.memory_space<vmem>>) semaphore(%arg16 : memref<!tpu.dma_semaphore, #tpu.memory_space<semaphore_mem>>) {add = true}
      %dma_wait3A_266 = arith.constant 0 : i32
      %dma_wait3A_267 = arith.constant 0 : i32
      %dma_wait3A_268 = arith.constant 0 : i32
      %dma_wait3A_269 = arith.constant 0 : i32
      %dma_wait3A_270 = tpu.memref_slice %arg8[%dma_wait3A_266, %dma_wait3A_268, %dma_wait3A_269] : memref<4x256x8xf32, #tpu.memory_space<vmem>> -> memref<1x256x8xf32, #tpu.memory_space<vmem>>
      %dma_wait3A_271 = tpu.memref_squeeze %dma_wait3A_270 : memref<1x256x8xf32, #tpu.memory_space<vmem>> -> memref<256x8xf32, #tpu.memory_space<vmem>>
      %dma_wait3A_272 = arith.constant 0 : i32
      %dma_wait3A_273 = tpu.memref_slice %arg7[%dma_wait3A_267, %dma_wait3A_272] : memref<4x256xi32, #tpu.memory_space<vmem>> -> memref<1x256xi32, #tpu.memory_space<vmem>>
      %dma_wait3A_274 = tpu.memref_squeeze %dma_wait3A_273 : memref<1x256xi32, #tpu.memory_space<vmem>> -> memref<256xi32, #tpu.memory_space<vmem>>
      %dma_wait3A_275 = arith.constant 0 : i32
      %dma_wait3A_276 = arith.constant 0 : i32
      %dma_wait3A_277 = tpu.memref_slice %arg17[%dma_wait3A_275, %dma_wait3A_276] : memref<100096x8xf32, #tpu.memory_space<vmem_shared>> -> memref<100096x8xf32, #tpu.memory_space<vmem_shared>>
      tpu.wait_indirect_dma semaphore(%arg16 : memref<!tpu.dma_semaphore, #tpu.memory_space<semaphore_mem>>) src(%dma_wait3A_271 : memref<256x8xf32, #tpu.memory_space<vmem>>) dst(%dma_wait3A_277 : memref<100096x8xf32, #tpu.memory_space<vmem_shared>>)
      %dma_wait3A_278 = arith.constant 1 : i32
      %dma_wait3A_279 = arith.constant 1 : i32
      %dma_wait3A_280 = arith.constant 0 : i32
      %dma_wait3A_281 = arith.constant 0 : i32
      %dma_wait3A_282 = tpu.memref_slice %arg8[%dma_wait3A_278, %dma_wait3A_280, %dma_wait3A_281] : memref<4x256x8xf32, #tpu.memory_space<vmem>> -> memref<1x256x8xf32, #tpu.memory_space<vmem>>
      %dma_wait3A_283 = tpu.memref_squeeze %dma_wait3A_282 : memref<1x256x8xf32, #tpu.memory_space<vmem>> -> memref<256x8xf32, #tpu.memory_space<vmem>>
      %dma_wait3A_284 = arith.constant 0 : i32
      %dma_wait3A_285 = tpu.memref_slice %arg7[%dma_wait3A_279, %dma_wait3A_284] : memref<4x256xi32, #tpu.memory_space<vmem>> -> memref<1x256xi32, #tpu.memory_space<vmem>>
      %dma_wait3A_286 = tpu.memref_squeeze %dma_wait3A_285 : memref<1x256xi32, #tpu.memory_space<vmem>> -> memref<256xi32, #tpu.memory_space<vmem>>
      %dma_wait3A_287 = arith.constant 0 : i32
      %dma_wait3A_288 = arith.constant 0 : i32
      %dma_wait3A_289 = tpu.memref_slice %arg17[%dma_wait3A_287, %dma_wait3A_288] : memref<100096x8xf32, #tpu.memory_space<vmem_shared>> -> memref<100096x8xf32, #tpu.memory_space<vmem_shared>>
      tpu.wait_indirect_dma semaphore(%arg16 : memref<!tpu.dma_semaphore, #tpu.memory_space<semaphore_mem>>) src(%dma_wait3A_283 : memref<256x8xf32, #tpu.memory_space<vmem>>) dst(%dma_wait3A_289 : memref<100096x8xf32, #tpu.memory_space<vmem_shared>>)
      %dma_wait3A_290 = arith.constant 2 : i32
      %dma_wait3A_291 = arith.constant 2 : i32
      %dma_wait3A_292 = arith.constant 0 : i32
      %dma_wait3A_293 = arith.constant 0 : i32
      %dma_wait3A_294 = tpu.memref_slice %arg8[%dma_wait3A_290, %dma_wait3A_292, %dma_wait3A_293] : memref<4x256x8xf32, #tpu.memory_space<vmem>> -> memref<1x256x8xf32, #tpu.memory_space<vmem>>
      %dma_wait3A_295 = tpu.memref_squeeze %dma_wait3A_294 : memref<1x256x8xf32, #tpu.memory_space<vmem>> -> memref<256x8xf32, #tpu.memory_space<vmem>>
      %dma_wait3A_296 = arith.constant 0 : i32
      %dma_wait3A_297 = tpu.memref_slice %arg7[%dma_wait3A_291, %dma_wait3A_296] : memref<4x256xi32, #tpu.memory_space<vmem>> -> memref<1x256xi32, #tpu.memory_space<vmem>>
      %dma_wait3A_298 = tpu.memref_squeeze %dma_wait3A_297 : memref<1x256xi32, #tpu.memory_space<vmem>> -> memref<256xi32, #tpu.memory_space<vmem>>
      %dma_wait3A_299 = arith.constant 0 : i32
      %dma_wait3A_300 = arith.constant 0 : i32
      %dma_wait3A_301 = tpu.memref_slice %arg17[%dma_wait3A_299, %dma_wait3A_300] : memref<100096x8xf32, #tpu.memory_space<vmem_shared>> -> memref<100096x8xf32, #tpu.memory_space<vmem_shared>>
      tpu.wait_indirect_dma semaphore(%arg16 : memref<!tpu.dma_semaphore, #tpu.memory_space<semaphore_mem>>) src(%dma_wait3A_295 : memref<256x8xf32, #tpu.memory_space<vmem>>) dst(%dma_wait3A_301 : memref<100096x8xf32, #tpu.memory_space<vmem_shared>>)
      %dma_wait3A_302 = arith.constant 3 : i32
      %dma_wait3A_303 = arith.constant 3 : i32
      %dma_wait3A_304 = arith.constant 0 : i32
      %dma_wait3A_305 = arith.constant 0 : i32
      %dma_wait3A_306 = tpu.memref_slice %arg8[%dma_wait3A_302, %dma_wait3A_304, %dma_wait3A_305] : memref<4x256x8xf32, #tpu.memory_space<vmem>> -> memref<1x256x8xf32, #tpu.memory_space<vmem>>
      %dma_wait3A_307 = tpu.memref_squeeze %dma_wait3A_306 : memref<1x256x8xf32, #tpu.memory_space<vmem>> -> memref<256x8xf32, #tpu.memory_space<vmem>>
      %dma_wait3A_308 = arith.constant 0 : i32
      %dma_wait3A_309 = tpu.memref_slice %arg7[%dma_wait3A_303, %dma_wait3A_308] : memref<4x256xi32, #tpu.memory_space<vmem>> -> memref<1x256xi32, #tpu.memory_space<vmem>>
      %dma_wait3A_310 = tpu.memref_squeeze %dma_wait3A_309 : memref<1x256xi32, #tpu.memory_space<vmem>> -> memref<256xi32, #tpu.memory_space<vmem>>
      %dma_wait3A_311 = arith.constant 0 : i32
      %dma_wait3A_312 = arith.constant 0 : i32
      %dma_wait3A_313 = tpu.memref_slice %arg17[%dma_wait3A_311, %dma_wait3A_312] : memref<100096x8xf32, #tpu.memory_space<vmem_shared>> -> memref<100096x8xf32, #tpu.memory_space<vmem_shared>>
      tpu.wait_indirect_dma semaphore(%arg16 : memref<!tpu.dma_semaphore, #tpu.memory_space<semaphore_mem>>) src(%dma_wait3A_307 : memref<256x8xf32, #tpu.memory_space<vmem>>) dst(%dma_wait3A_313 : memref<100096x8xf32, #tpu.memory_space<vmem_shared>>)
      %add3A_314 = arith.constant 2 : i32
      %add3A_315 = arith.addi %mul3A_110, %add3A_314 : i32
      %lt3A_316 = arith.cmpi slt, %add3A_315, %select_n3A : i32
      %convert_element_type3A_317 = arith.extui %lt3A_316 : i1 to i32
      %cond3A_318 = arith.constant 0 : i32
      %cond3A_319 = arith.cmpi ne, %convert_element_type3A_317, %cond3A_318 : i32
      scf.if %cond3A_319 {
        %add3A_534 = arith.constant 2 : i32
        %add3A_535 = arith.addi %mul3A_110, %add3A_534 : i32
        %mul3A_536 = arith.constant 4 : i32
        %mul3A_537 = arith.muli %add3A_535, %mul3A_536 : i32
        %add3A_538 = arith.addi %mul3A_2, %mul3A_537 : i32
        %dma_start3A_539 = arith.constant 0 : i32
        %dma_start3A_540 = tpu.memref_slice %arg2[%add3A_538, %dma_start3A_539] : memref<25000x256xi32, #tpu.memory_space<hbm>> -> memref<4x256xi32, #tpu.memory_space<hbm>>
        %dma_start3A_541 = arith.constant 0 : i32
        %dma_start3A_542 = tpu.memref_slice %arg2[%add3A_538, %dma_start3A_541] : memref<25000x256xi32, #tpu.memory_space<hbm>> -> memref<4x256xi32, #tpu.memory_space<hbm>>
        tpu.enqueue_dma source(%dma_start3A_542 : memref<4x256xi32, #tpu.memory_space<hbm>>) target(%arg6 : memref<4x256xi32, #tpu.memory_space<vmem>>) target_semaphore(%arg13 : memref<!tpu.dma_semaphore, #tpu.memory_space<semaphore_mem>>)
        %add3A_543 = arith.constant 12500 : i32
        %add3A_544 = arith.addi %add3A_543, %mul3A_2 : i32
        %mul3A_545 = arith.constant 4 : i32
        %mul3A_546 = arith.muli %add3A_535, %mul3A_545 : i32
        %add3A_547 = arith.addi %add3A_544, %mul3A_546 : i32
        %dma_start3A_548 = arith.constant 0 : i32
        %dma_start3A_549 = tpu.memref_slice %arg2[%add3A_547, %dma_start3A_548] : memref<25000x256xi32, #tpu.memory_space<hbm>> -> memref<4x256xi32, #tpu.memory_space<hbm>>
        %dma_start3A_550 = arith.constant 0 : i32
        %dma_start3A_551 = tpu.memref_slice %arg2[%add3A_547, %dma_start3A_550] : memref<25000x256xi32, #tpu.memory_space<hbm>> -> memref<4x256xi32, #tpu.memory_space<hbm>>
        tpu.enqueue_dma source(%dma_start3A_551 : memref<4x256xi32, #tpu.memory_space<hbm>>) target(%arg7 : memref<4x256xi32, #tpu.memory_space<vmem>>) target_semaphore(%arg13 : memref<!tpu.dma_semaphore, #tpu.memory_space<semaphore_mem>>)
      } else {
      }
      %mul3A_320 = arith.constant 2 : i32
      %mul3A_321 = arith.muli %mul3A_320, %while3A_108 : i32
      %add3A_322 = arith.constant 1 : i32
      %add3A_323 = arith.addi %mul3A_321, %add3A_322 : i32
      %dma_wait3A_324 = arith.constant 0 : i32
      %dma_wait3A_325 = arith.constant 0 : i32
      %dma_wait3A_326 = tpu.memref_slice %arg2[%dma_wait3A_324, %dma_wait3A_325] : memref<25000x256xi32, #tpu.memory_space<hbm>> -> memref<4x256xi32, #tpu.memory_space<hbm>>
      %dma_wait3A_327 = arith.constant 0 : i32
      %dma_wait3A_328 = arith.constant 0 : i32
      %dma_wait3A_329 = tpu.memref_slice %arg2[%dma_wait3A_327, %dma_wait3A_328] : memref<25000x256xi32, #tpu.memory_space<hbm>> -> memref<4x256xi32, #tpu.memory_space<hbm>>
      tpu.wait_dma2 semaphore(%arg14 : memref<!tpu.dma_semaphore, #tpu.memory_space<semaphore_mem>>) src(%dma_wait3A_329 : memref<4x256xi32, #tpu.memory_space<hbm>>) dst(%arg9 : memref<4x256xi32, #tpu.memory_space<vmem>>)
      %dma_wait3A_330 = arith.constant 0 : i32
      %dma_wait3A_331 = arith.constant 0 : i32
      %dma_wait3A_332 = tpu.memref_slice %arg2[%dma_wait3A_330, %dma_wait3A_331] : memref<25000x256xi32, #tpu.memory_space<hbm>> -> memref<4x256xi32, #tpu.memory_space<hbm>>
      %dma_wait3A_333 = arith.constant 0 : i32
      %dma_wait3A_334 = arith.constant 0 : i32
      %dma_wait3A_335 = tpu.memref_slice %arg2[%dma_wait3A_333, %dma_wait3A_334] : memref<25000x256xi32, #tpu.memory_space<hbm>> -> memref<4x256xi32, #tpu.memory_space<hbm>>
      tpu.wait_dma2 semaphore(%arg14 : memref<!tpu.dma_semaphore, #tpu.memory_space<semaphore_mem>>) src(%dma_wait3A_335 : memref<4x256xi32, #tpu.memory_space<hbm>>) dst(%arg10 : memref<4x256xi32, #tpu.memory_space<vmem>>)
      %dma_start3A_336 = arith.constant 0 : i32
      %dma_start3A_337 = arith.constant 0 : i32
      %dma_start3A_338 = arith.constant 0 : i32
      %dma_start3A_339 = arith.constant 0 : i32
      %dma_start3A_340 = tpu.memref_slice %arg11[%dma_start3A_337, %dma_start3A_338, %dma_start3A_339] : memref<4x256x8xf32, #tpu.memory_space<vmem>> -> memref<1x256x8xf32, #tpu.memory_space<vmem>>
      %dma_start3A_341 = tpu.memref_squeeze %dma_start3A_340 : memref<1x256x8xf32, #tpu.memory_space<vmem>> -> memref<256x8xf32, #tpu.memory_space<vmem>>
      %dma_start3A_342 = arith.constant 0 : i32
      %dma_start3A_343 = tpu.memref_slice %arg9[%dma_start3A_336, %dma_start3A_342] : memref<4x256xi32, #tpu.memory_space<vmem>> -> memref<1x256xi32, #tpu.memory_space<vmem>>
      %dma_start3A_344 = tpu.memref_squeeze %dma_start3A_343 : memref<1x256xi32, #tpu.memory_space<vmem>> -> memref<256xi32, #tpu.memory_space<vmem>>
      %dma_start3A_345 = arith.constant 0 : i32
      %dma_start3A_346 = arith.constant 0 : i32
      %dma_start3A_347 = tpu.memref_slice %arg3[%dma_start3A_345, %dma_start3A_346] : memref<100096x8xf32, #tpu.memory_space<hbm>> -> memref<100096x8xf32, #tpu.memory_space<hbm>>
      tpu.enqueue_indirect_dma source(%dma_start3A_347 : memref<100096x8xf32, #tpu.memory_space<hbm>>) target(%dma_start3A_341 : memref<256x8xf32, #tpu.memory_space<vmem>>) offsets(%dma_start3A_344 : memref<256xi32, #tpu.memory_space<vmem>>) semaphore(%arg15 : memref<!tpu.dma_semaphore, #tpu.memory_space<semaphore_mem>>)
      %dma_start3A_348 = arith.constant 1 : i32
      %dma_start3A_349 = arith.constant 1 : i32
      %dma_start3A_350 = arith.constant 0 : i32
      %dma_start3A_351 = arith.constant 0 : i32
      %dma_start3A_352 = tpu.memref_slice %arg11[%dma_start3A_349, %dma_start3A_350, %dma_start3A_351] : memref<4x256x8xf32, #tpu.memory_space<vmem>> -> memref<1x256x8xf32, #tpu.memory_space<vmem>>
      %dma_start3A_353 = tpu.memref_squeeze %dma_start3A_352 : memref<1x256x8xf32, #tpu.memory_space<vmem>> -> memref<256x8xf32, #tpu.memory_space<vmem>>
      %dma_start3A_354 = arith.constant 0 : i32
      %dma_start3A_355 = tpu.memref_slice %arg9[%dma_start3A_348, %dma_start3A_354] : memref<4x256xi32, #tpu.memory_space<vmem>> -> memref<1x256xi32, #tpu.memory_space<vmem>>
      %dma_start3A_356 = tpu.memref_squeeze %dma_start3A_355 : memref<1x256xi32, #tpu.memory_space<vmem>> -> memref<256xi32, #tpu.memory_space<vmem>>
      %dma_start3A_357 = arith.constant 0 : i32
      %dma_start3A_358 = arith.constant 0 : i32
      %dma_start3A_359 = tpu.memref_slice %arg3[%dma_start3A_357, %dma_start3A_358] : memref<100096x8xf32, #tpu.memory_space<hbm>> -> memref<100096x8xf32, #tpu.memory_space<hbm>>
      tpu.enqueue_indirect_dma source(%dma_start3A_359 : memref<100096x8xf32, #tpu.memory_space<hbm>>) target(%dma_start3A_353 : memref<256x8xf32, #tpu.memory_space<vmem>>) offsets(%dma_start3A_356 : memref<256xi32, #tpu.memory_space<vmem>>) semaphore(%arg15 : memref<!tpu.dma_semaphore, #tpu.memory_space<semaphore_mem>>)
      %dma_start3A_360 = arith.constant 2 : i32
      %dma_start3A_361 = arith.constant 2 : i32
      %dma_start3A_362 = arith.constant 0 : i32
      %dma_start3A_363 = arith.constant 0 : i32
      %dma_start3A_364 = tpu.memref_slice %arg11[%dma_start3A_361, %dma_start3A_362, %dma_start3A_363] : memref<4x256x8xf32, #tpu.memory_space<vmem>> -> memref<1x256x8xf32, #tpu.memory_space<vmem>>
      %dma_start3A_365 = tpu.memref_squeeze %dma_start3A_364 : memref<1x256x8xf32, #tpu.memory_space<vmem>> -> memref<256x8xf32, #tpu.memory_space<vmem>>
      %dma_start3A_366 = arith.constant 0 : i32
      %dma_start3A_367 = tpu.memref_slice %arg9[%dma_start3A_360, %dma_start3A_366] : memref<4x256xi32, #tpu.memory_space<vmem>> -> memref<1x256xi32, #tpu.memory_space<vmem>>
      %dma_start3A_368 = tpu.memref_squeeze %dma_start3A_367 : memref<1x256xi32, #tpu.memory_space<vmem>> -> memref<256xi32, #tpu.memory_space<vmem>>
      %dma_start3A_369 = arith.constant 0 : i32
      %dma_start3A_370 = arith.constant 0 : i32
      %dma_start3A_371 = tpu.memref_slice %arg3[%dma_start3A_369, %dma_start3A_370] : memref<100096x8xf32, #tpu.memory_space<hbm>> -> memref<100096x8xf32, #tpu.memory_space<hbm>>
      tpu.enqueue_indirect_dma source(%dma_start3A_371 : memref<100096x8xf32, #tpu.memory_space<hbm>>) target(%dma_start3A_365 : memref<256x8xf32, #tpu.memory_space<vmem>>) offsets(%dma_start3A_368 : memref<256xi32, #tpu.memory_space<vmem>>) semaphore(%arg15 : memref<!tpu.dma_semaphore, #tpu.memory_space<semaphore_mem>>)
      %dma_start3A_372 = arith.constant 3 : i32
      %dma_start3A_373 = arith.constant 3 : i32
      %dma_start3A_374 = arith.constant 0 : i32
      %dma_start3A_375 = arith.constant 0 : i32
      %dma_start3A_376 = tpu.memref_slice %arg11[%dma_start3A_373, %dma_start3A_374, %dma_start3A_375] : memref<4x256x8xf32, #tpu.memory_space<vmem>> -> memref<1x256x8xf32, #tpu.memory_space<vmem>>
      %dma_start3A_377 = tpu.memref_squeeze %dma_start3A_376 : memref<1x256x8xf32, #tpu.memory_space<vmem>> -> memref<256x8xf32, #tpu.memory_space<vmem>>
      %dma_start3A_378 = arith.constant 0 : i32
      %dma_start3A_379 = tpu.memref_slice %arg9[%dma_start3A_372, %dma_start3A_378] : memref<4x256xi32, #tpu.memory_space<vmem>> -> memref<1x256xi32, #tpu.memory_space<vmem>>
      %dma_start3A_380 = tpu.memref_squeeze %dma_start3A_379 : memref<1x256xi32, #tpu.memory_space<vmem>> -> memref<256xi32, #tpu.memory_space<vmem>>
      %dma_start3A_381 = arith.constant 0 : i32
      %dma_start3A_382 = arith.constant 0 : i32
      %dma_start3A_383 = tpu.memref_slice %arg3[%dma_start3A_381, %dma_start3A_382] : memref<100096x8xf32, #tpu.memory_space<hbm>> -> memref<100096x8xf32, #tpu.memory_space<hbm>>
      tpu.enqueue_indirect_dma source(%dma_start3A_383 : memref<100096x8xf32, #tpu.memory_space<hbm>>) target(%dma_start3A_377 : memref<256x8xf32, #tpu.memory_space<vmem>>) offsets(%dma_start3A_380 : memref<256xi32, #tpu.memory_space<vmem>>) semaphore(%arg15 : memref<!tpu.dma_semaphore, #tpu.memory_space<semaphore_mem>>)
      %dma_wait3A_384 = arith.constant 0 : i32
      %dma_wait3A_385 = arith.constant 0 : i32
      %dma_wait3A_386 = arith.constant 0 : i32
      %dma_wait3A_387 = arith.constant 0 : i32
      %dma_wait3A_388 = tpu.memref_slice %arg11[%dma_wait3A_385, %dma_wait3A_386, %dma_wait3A_387] : memref<4x256x8xf32, #tpu.memory_space<vmem>> -> memref<1x256x8xf32, #tpu.memory_space<vmem>>
      %dma_wait3A_389 = tpu.memref_squeeze %dma_wait3A_388 : memref<1x256x8xf32, #tpu.memory_space<vmem>> -> memref<256x8xf32, #tpu.memory_space<vmem>>
      %dma_wait3A_390 = arith.constant 0 : i32
      %dma_wait3A_391 = tpu.memref_slice %arg9[%dma_wait3A_384, %dma_wait3A_390] : memref<4x256xi32, #tpu.memory_space<vmem>> -> memref<1x256xi32, #tpu.memory_space<vmem>>
      %dma_wait3A_392 = tpu.memref_squeeze %dma_wait3A_391 : memref<1x256xi32, #tpu.memory_space<vmem>> -> memref<256xi32, #tpu.memory_space<vmem>>
      %dma_wait3A_393 = arith.constant 0 : i32
      %dma_wait3A_394 = arith.constant 0 : i32
      %dma_wait3A_395 = tpu.memref_slice %arg3[%dma_wait3A_393, %dma_wait3A_394] : memref<100096x8xf32, #tpu.memory_space<hbm>> -> memref<100096x8xf32, #tpu.memory_space<hbm>>
      tpu.wait_indirect_dma semaphore(%arg15 : memref<!tpu.dma_semaphore, #tpu.memory_space<semaphore_mem>>) src(%dma_wait3A_395 : memref<100096x8xf32, #tpu.memory_space<hbm>>) dst(%dma_wait3A_389 : memref<256x8xf32, #tpu.memory_space<vmem>>)
      %dma_start3A_396 = arith.constant 0 : i32
      %dma_start3A_397 = arith.constant 0 : i32
      %dma_start3A_398 = arith.constant 0 : i32
      %dma_start3A_399 = arith.constant 0 : i32
      %dma_start3A_400 = tpu.memref_slice %arg11[%dma_start3A_396, %dma_start3A_398, %dma_start3A_399] : memref<4x256x8xf32, #tpu.memory_space<vmem>> -> memref<1x256x8xf32, #tpu.memory_space<vmem>>
      %dma_start3A_401 = tpu.memref_squeeze %dma_start3A_400 : memref<1x256x8xf32, #tpu.memory_space<vmem>> -> memref<256x8xf32, #tpu.memory_space<vmem>>
      %dma_start3A_402 = arith.constant 0 : i32
      %dma_start3A_403 = tpu.memref_slice %arg10[%dma_start3A_397, %dma_start3A_402] : memref<4x256xi32, #tpu.memory_space<vmem>> -> memref<1x256xi32, #tpu.memory_space<vmem>>
      %dma_start3A_404 = tpu.memref_squeeze %dma_start3A_403 : memref<1x256xi32, #tpu.memory_space<vmem>> -> memref<256xi32, #tpu.memory_space<vmem>>
      %dma_start3A_405 = arith.constant 0 : i32
      %dma_start3A_406 = arith.constant 0 : i32
      %dma_start3A_407 = tpu.memref_slice %arg17[%dma_start3A_405, %dma_start3A_406] : memref<100096x8xf32, #tpu.memory_space<vmem_shared>> -> memref<100096x8xf32, #tpu.memory_space<vmem_shared>>
      tpu.enqueue_indirect_dma source(%dma_start3A_401 : memref<256x8xf32, #tpu.memory_space<vmem>>) target(%dma_start3A_407 : memref<100096x8xf32, #tpu.memory_space<vmem_shared>>) offsets(%dma_start3A_404 : memref<256xi32, #tpu.memory_space<vmem>>) semaphore(%arg16 : memref<!tpu.dma_semaphore, #tpu.memory_space<semaphore_mem>>) {add = true}
      %dma_wait3A_408 = arith.constant 1 : i32
      %dma_wait3A_409 = arith.constant 1 : i32
      %dma_wait3A_410 = arith.constant 0 : i32
      %dma_wait3A_411 = arith.constant 0 : i32
      %dma_wait3A_412 = tpu.memref_slice %arg11[%dma_wait3A_409, %dma_wait3A_410, %dma_wait3A_411] : memref<4x256x8xf32, #tpu.memory_space<vmem>> -> memref<1x256x8xf32, #tpu.memory_space<vmem>>
      %dma_wait3A_413 = tpu.memref_squeeze %dma_wait3A_412 : memref<1x256x8xf32, #tpu.memory_space<vmem>> -> memref<256x8xf32, #tpu.memory_space<vmem>>
      %dma_wait3A_414 = arith.constant 0 : i32
      %dma_wait3A_415 = tpu.memref_slice %arg9[%dma_wait3A_408, %dma_wait3A_414] : memref<4x256xi32, #tpu.memory_space<vmem>> -> memref<1x256xi32, #tpu.memory_space<vmem>>
      %dma_wait3A_416 = tpu.memref_squeeze %dma_wait3A_415 : memref<1x256xi32, #tpu.memory_space<vmem>> -> memref<256xi32, #tpu.memory_space<vmem>>
      %dma_wait3A_417 = arith.constant 0 : i32
      %dma_wait3A_418 = arith.constant 0 : i32
      %dma_wait3A_419 = tpu.memref_slice %arg3[%dma_wait3A_417, %dma_wait3A_418] : memref<100096x8xf32, #tpu.memory_space<hbm>> -> memref<100096x8xf32, #tpu.memory_space<hbm>>
      tpu.wait_indirect_dma semaphore(%arg15 : memref<!tpu.dma_semaphore, #tpu.memory_space<semaphore_mem>>) src(%dma_wait3A_419 : memref<100096x8xf32, #tpu.memory_space<hbm>>) dst(%dma_wait3A_413 : memref<256x8xf32, #tpu.memory_space<vmem>>)
      %dma_start3A_420 = arith.constant 1 : i32
      %dma_start3A_421 = arith.constant 1 : i32
      %dma_start3A_422 = arith.constant 0 : i32
      %dma_start3A_423 = arith.constant 0 : i32
      %dma_start3A_424 = tpu.memref_slice %arg11[%dma_start3A_420, %dma_start3A_422, %dma_start3A_423] : memref<4x256x8xf32, #tpu.memory_space<vmem>> -> memref<1x256x8xf32, #tpu.memory_space<vmem>>
      %dma_start3A_425 = tpu.memref_squeeze %dma_start3A_424 : memref<1x256x8xf32, #tpu.memory_space<vmem>> -> memref<256x8xf32, #tpu.memory_space<vmem>>
      %dma_start3A_426 = arith.constant 0 : i32
      %dma_start3A_427 = tpu.memref_slice %arg10[%dma_start3A_421, %dma_start3A_426] : memref<4x256xi32, #tpu.memory_space<vmem>> -> memref<1x256xi32, #tpu.memory_space<vmem>>
      %dma_start3A_428 = tpu.memref_squeeze %dma_start3A_427 : memref<1x256xi32, #tpu.memory_space<vmem>> -> memref<256xi32, #tpu.memory_space<vmem>>
      %dma_start3A_429 = arith.constant 0 : i32
      %dma_start3A_430 = arith.constant 0 : i32
      %dma_start3A_431 = tpu.memref_slice %arg17[%dma_start3A_429, %dma_start3A_430] : memref<100096x8xf32, #tpu.memory_space<vmem_shared>> -> memref<100096x8xf32, #tpu.memory_space<vmem_shared>>
      tpu.enqueue_indirect_dma source(%dma_start3A_425 : memref<256x8xf32, #tpu.memory_space<vmem>>) target(%dma_start3A_431 : memref<100096x8xf32, #tpu.memory_space<vmem_shared>>) offsets(%dma_start3A_428 : memref<256xi32, #tpu.memory_space<vmem>>) semaphore(%arg16 : memref<!tpu.dma_semaphore, #tpu.memory_space<semaphore_mem>>) {add = true}
      %dma_wait3A_432 = arith.constant 2 : i32
      %dma_wait3A_433 = arith.constant 2 : i32
      %dma_wait3A_434 = arith.constant 0 : i32
      %dma_wait3A_435 = arith.constant 0 : i32
      %dma_wait3A_436 = tpu.memref_slice %arg11[%dma_wait3A_433, %dma_wait3A_434, %dma_wait3A_435] : memref<4x256x8xf32, #tpu.memory_space<vmem>> -> memref<1x256x8xf32, #tpu.memory_space<vmem>>
      %dma_wait3A_437 = tpu.memref_squeeze %dma_wait3A_436 : memref<1x256x8xf32, #tpu.memory_space<vmem>> -> memref<256x8xf32, #tpu.memory_space<vmem>>
      %dma_wait3A_438 = arith.constant 0 : i32
      %dma_wait3A_439 = tpu.memref_slice %arg9[%dma_wait3A_432, %dma_wait3A_438] : memref<4x256xi32, #tpu.memory_space<vmem>> -> memref<1x256xi32, #tpu.memory_space<vmem>>
      %dma_wait3A_440 = tpu.memref_squeeze %dma_wait3A_439 : memref<1x256xi32, #tpu.memory_space<vmem>> -> memref<256xi32, #tpu.memory_space<vmem>>
      %dma_wait3A_441 = arith.constant 0 : i32
      %dma_wait3A_442 = arith.constant 0 : i32
      %dma_wait3A_443 = tpu.memref_slice %arg3[%dma_wait3A_441, %dma_wait3A_442] : memref<100096x8xf32, #tpu.memory_space<hbm>> -> memref<100096x8xf32, #tpu.memory_space<hbm>>
      tpu.wait_indirect_dma semaphore(%arg15 : memref<!tpu.dma_semaphore, #tpu.memory_space<semaphore_mem>>) src(%dma_wait3A_443 : memref<100096x8xf32, #tpu.memory_space<hbm>>) dst(%dma_wait3A_437 : memref<256x8xf32, #tpu.memory_space<vmem>>)
      %dma_start3A_444 = arith.constant 2 : i32
      %dma_start3A_445 = arith.constant 2 : i32
      %dma_start3A_446 = arith.constant 0 : i32
      %dma_start3A_447 = arith.constant 0 : i32
      %dma_start3A_448 = tpu.memref_slice %arg11[%dma_start3A_444, %dma_start3A_446, %dma_start3A_447] : memref<4x256x8xf32, #tpu.memory_space<vmem>> -> memref<1x256x8xf32, #tpu.memory_space<vmem>>
      %dma_start3A_449 = tpu.memref_squeeze %dma_start3A_448 : memref<1x256x8xf32, #tpu.memory_space<vmem>> -> memref<256x8xf32, #tpu.memory_space<vmem>>
      %dma_start3A_450 = arith.constant 0 : i32
      %dma_start3A_451 = tpu.memref_slice %arg10[%dma_start3A_445, %dma_start3A_450] : memref<4x256xi32, #tpu.memory_space<vmem>> -> memref<1x256xi32, #tpu.memory_space<vmem>>
      %dma_start3A_452 = tpu.memref_squeeze %dma_start3A_451 : memref<1x256xi32, #tpu.memory_space<vmem>> -> memref<256xi32, #tpu.memory_space<vmem>>
      %dma_start3A_453 = arith.constant 0 : i32
      %dma_start3A_454 = arith.constant 0 : i32
      %dma_start3A_455 = tpu.memref_slice %arg17[%dma_start3A_453, %dma_start3A_454] : memref<100096x8xf32, #tpu.memory_space<vmem_shared>> -> memref<100096x8xf32, #tpu.memory_space<vmem_shared>>
      tpu.enqueue_indirect_dma source(%dma_start3A_449 : memref<256x8xf32, #tpu.memory_space<vmem>>) target(%dma_start3A_455 : memref<100096x8xf32, #tpu.memory_space<vmem_shared>>) offsets(%dma_start3A_452 : memref<256xi32, #tpu.memory_space<vmem>>) semaphore(%arg16 : memref<!tpu.dma_semaphore, #tpu.memory_space<semaphore_mem>>) {add = true}
      %dma_wait3A_456 = arith.constant 3 : i32
      %dma_wait3A_457 = arith.constant 3 : i32
      %dma_wait3A_458 = arith.constant 0 : i32
      %dma_wait3A_459 = arith.constant 0 : i32
      %dma_wait3A_460 = tpu.memref_slice %arg11[%dma_wait3A_457, %dma_wait3A_458, %dma_wait3A_459] : memref<4x256x8xf32, #tpu.memory_space<vmem>> -> memref<1x256x8xf32, #tpu.memory_space<vmem>>
      %dma_wait3A_461 = tpu.memref_squeeze %dma_wait3A_460 : memref<1x256x8xf32, #tpu.memory_space<vmem>> -> memref<256x8xf32, #tpu.memory_space<vmem>>
      %dma_wait3A_462 = arith.constant 0 : i32
      %dma_wait3A_463 = tpu.memref_slice %arg9[%dma_wait3A_456, %dma_wait3A_462] : memref<4x256xi32, #tpu.memory_space<vmem>> -> memref<1x256xi32, #tpu.memory_space<vmem>>
      %dma_wait3A_464 = tpu.memref_squeeze %dma_wait3A_463 : memref<1x256xi32, #tpu.memory_space<vmem>> -> memref<256xi32, #tpu.memory_space<vmem>>
      %dma_wait3A_465 = arith.constant 0 : i32
      %dma_wait3A_466 = arith.constant 0 : i32
      %dma_wait3A_467 = tpu.memref_slice %arg3[%dma_wait3A_465, %dma_wait3A_466] : memref<100096x8xf32, #tpu.memory_space<hbm>> -> memref<100096x8xf32, #tpu.memory_space<hbm>>
      tpu.wait_indirect_dma semaphore(%arg15 : memref<!tpu.dma_semaphore, #tpu.memory_space<semaphore_mem>>) src(%dma_wait3A_467 : memref<100096x8xf32, #tpu.memory_space<hbm>>) dst(%dma_wait3A_461 : memref<256x8xf32, #tpu.memory_space<vmem>>)
      %dma_start3A_468 = arith.constant 3 : i32
      %dma_start3A_469 = arith.constant 3 : i32
      %dma_start3A_470 = arith.constant 0 : i32
      %dma_start3A_471 = arith.constant 0 : i32
      %dma_start3A_472 = tpu.memref_slice %arg11[%dma_start3A_468, %dma_start3A_470, %dma_start3A_471] : memref<4x256x8xf32, #tpu.memory_space<vmem>> -> memref<1x256x8xf32, #tpu.memory_space<vmem>>
      %dma_start3A_473 = tpu.memref_squeeze %dma_start3A_472 : memref<1x256x8xf32, #tpu.memory_space<vmem>> -> memref<256x8xf32, #tpu.memory_space<vmem>>
      %dma_start3A_474 = arith.constant 0 : i32
      %dma_start3A_475 = tpu.memref_slice %arg10[%dma_start3A_469, %dma_start3A_474] : memref<4x256xi32, #tpu.memory_space<vmem>> -> memref<1x256xi32, #tpu.memory_space<vmem>>
      %dma_start3A_476 = tpu.memref_squeeze %dma_start3A_475 : memref<1x256xi32, #tpu.memory_space<vmem>> -> memref<256xi32, #tpu.memory_space<vmem>>
      %dma_start3A_477 = arith.constant 0 : i32
      %dma_start3A_478 = arith.constant 0 : i32
      %dma_start3A_479 = tpu.memref_slice %arg17[%dma_start3A_477, %dma_start3A_478] : memref<100096x8xf32, #tpu.memory_space<vmem_shared>> -> memref<100096x8xf32, #tpu.memory_space<vmem_shared>>
      tpu.enqueue_indirect_dma source(%dma_start3A_473 : memref<256x8xf32, #tpu.memory_space<vmem>>) target(%dma_start3A_479 : memref<100096x8xf32, #tpu.memory_space<vmem_shared>>) offsets(%dma_start3A_476 : memref<256xi32, #tpu.memory_space<vmem>>) semaphore(%arg16 : memref<!tpu.dma_semaphore, #tpu.memory_space<semaphore_mem>>) {add = true}
      %dma_wait3A_480 = arith.constant 0 : i32
      %dma_wait3A_481 = arith.constant 0 : i32
      %dma_wait3A_482 = arith.constant 0 : i32
      %dma_wait3A_483 = arith.constant 0 : i32
      %dma_wait3A_484 = tpu.memref_slice %arg11[%dma_wait3A_480, %dma_wait3A_482, %dma_wait3A_483] : memref<4x256x8xf32, #tpu.memory_space<vmem>> -> memref<1x256x8xf32, #tpu.memory_space<vmem>>
      %dma_wait3A_485 = tpu.memref_squeeze %dma_wait3A_484 : memref<1x256x8xf32, #tpu.memory_space<vmem>> -> memref<256x8xf32, #tpu.memory_space<vmem>>
      %dma_wait3A_486 = arith.constant 0 : i32
      %dma_wait3A_487 = tpu.memref_slice %arg10[%dma_wait3A_481, %dma_wait3A_486] : memref<4x256xi32, #tpu.memory_space<vmem>> -> memref<1x256xi32, #tpu.memory_space<vmem>>
      %dma_wait3A_488 = tpu.memref_squeeze %dma_wait3A_487 : memref<1x256xi32, #tpu.memory_space<vmem>> -> memref<256xi32, #tpu.memory_space<vmem>>
      %dma_wait3A_489 = arith.constant 0 : i32
      %dma_wait3A_490 = arith.constant 0 : i32
      %dma_wait3A_491 = tpu.memref_slice %arg17[%dma_wait3A_489, %dma_wait3A_490] : memref<100096x8xf32, #tpu.memory_space<vmem_shared>> -> memref<100096x8xf32, #tpu.memory_space<vmem_shared>>
      tpu.wait_indirect_dma semaphore(%arg16 : memref<!tpu.dma_semaphore, #tpu.memory_space<semaphore_mem>>) src(%dma_wait3A_485 : memref<256x8xf32, #tpu.memory_space<vmem>>) dst(%dma_wait3A_491 : memref<100096x8xf32, #tpu.memory_space<vmem_shared>>)
      %dma_wait3A_492 = arith.constant 1 : i32
      %dma_wait3A_493 = arith.constant 1 : i32
      %dma_wait3A_494 = arith.constant 0 : i32
      %dma_wait3A_495 = arith.constant 0 : i32
      %dma_wait3A_496 = tpu.memref_slice %arg11[%dma_wait3A_492, %dma_wait3A_494, %dma_wait3A_495] : memref<4x256x8xf32, #tpu.memory_space<vmem>> -> memref<1x256x8xf32, #tpu.memory_space<vmem>>
      %dma_wait3A_497 = tpu.memref_squeeze %dma_wait3A_496 : memref<1x256x8xf32, #tpu.memory_space<vmem>> -> memref<256x8xf32, #tpu.memory_space<vmem>>
      %dma_wait3A_498 = arith.constant 0 : i32
      %dma_wait3A_499 = tpu.memref_slice %arg10[%dma_wait3A_493, %dma_wait3A_498] : memref<4x256xi32, #tpu.memory_space<vmem>> -> memref<1x256xi32, #tpu.memory_space<vmem>>
      %dma_wait3A_500 = tpu.memref_squeeze %dma_wait3A_499 : memref<1x256xi32, #tpu.memory_space<vmem>> -> memref<256xi32, #tpu.memory_space<vmem>>
      %dma_wait3A_501 = arith.constant 0 : i32
      %dma_wait3A_502 = arith.constant 0 : i32
      %dma_wait3A_503 = tpu.memref_slice %arg17[%dma_wait3A_501, %dma_wait3A_502] : memref<100096x8xf32, #tpu.memory_space<vmem_shared>> -> memref<100096x8xf32, #tpu.memory_space<vmem_shared>>
      tpu.wait_indirect_dma semaphore(%arg16 : memref<!tpu.dma_semaphore, #tpu.memory_space<semaphore_mem>>) src(%dma_wait3A_497 : memref<256x8xf32, #tpu.memory_space<vmem>>) dst(%dma_wait3A_503 : memref<100096x8xf32, #tpu.memory_space<vmem_shared>>)
      %dma_wait3A_504 = arith.constant 2 : i32
      %dma_wait3A_505 = arith.constant 2 : i32
      %dma_wait3A_506 = arith.constant 0 : i32
      %dma_wait3A_507 = arith.constant 0 : i32
      %dma_wait3A_508 = tpu.memref_slice %arg11[%dma_wait3A_504, %dma_wait3A_506, %dma_wait3A_507] : memref<4x256x8xf32, #tpu.memory_space<vmem>> -> memref<1x256x8xf32, #tpu.memory_space<vmem>>
      %dma_wait3A_509 = tpu.memref_squeeze %dma_wait3A_508 : memref<1x256x8xf32, #tpu.memory_space<vmem>> -> memref<256x8xf32, #tpu.memory_space<vmem>>
      %dma_wait3A_510 = arith.constant 0 : i32
      %dma_wait3A_511 = tpu.memref_slice %arg10[%dma_wait3A_505, %dma_wait3A_510] : memref<4x256xi32, #tpu.memory_space<vmem>> -> memref<1x256xi32, #tpu.memory_space<vmem>>
      %dma_wait3A_512 = tpu.memref_squeeze %dma_wait3A_511 : memref<1x256xi32, #tpu.memory_space<vmem>> -> memref<256xi32, #tpu.memory_space<vmem>>
      %dma_wait3A_513 = arith.constant 0 : i32
      %dma_wait3A_514 = arith.constant 0 : i32
      %dma_wait3A_515 = tpu.memref_slice %arg17[%dma_wait3A_513, %dma_wait3A_514] : memref<100096x8xf32, #tpu.memory_space<vmem_shared>> -> memref<100096x8xf32, #tpu.memory_space<vmem_shared>>
      tpu.wait_indirect_dma semaphore(%arg16 : memref<!tpu.dma_semaphore, #tpu.memory_space<semaphore_mem>>) src(%dma_wait3A_509 : memref<256x8xf32, #tpu.memory_space<vmem>>) dst(%dma_wait3A_515 : memref<100096x8xf32, #tpu.memory_space<vmem_shared>>)
      %dma_wait3A_516 = arith.constant 3 : i32
      %dma_wait3A_517 = arith.constant 3 : i32
      %dma_wait3A_518 = arith.constant 0 : i32
      %dma_wait3A_519 = arith.constant 0 : i32
      %dma_wait3A_520 = tpu.memref_slice %arg11[%dma_wait3A_516, %dma_wait3A_518, %dma_wait3A_519] : memref<4x256x8xf32, #tpu.memory_space<vmem>> -> memref<1x256x8xf32, #tpu.memory_space<vmem>>
      %dma_wait3A_521 = tpu.memref_squeeze %dma_wait3A_520 : memref<1x256x8xf32, #tpu.memory_space<vmem>> -> memref<256x8xf32, #tpu.memory_space<vmem>>
      %dma_wait3A_522 = arith.constant 0 : i32
      %dma_wait3A_523 = tpu.memref_slice %arg10[%dma_wait3A_517, %dma_wait3A_522] : memref<4x256xi32, #tpu.memory_space<vmem>> -> memref<1x256xi32, #tpu.memory_space<vmem>>
      %dma_wait3A_524 = tpu.memref_squeeze %dma_wait3A_523 : memref<1x256xi32, #tpu.memory_space<vmem>> -> memref<256xi32, #tpu.memory_space<vmem>>
      %dma_wait3A_525 = arith.constant 0 : i32
      %dma_wait3A_526 = arith.constant 0 : i32
      %dma_wait3A_527 = tpu.memref_slice %arg17[%dma_wait3A_525, %dma_wait3A_526] : memref<100096x8xf32, #tpu.memory_space<vmem_shared>> -> memref<100096x8xf32, #tpu.memory_space<vmem_shared>>
      tpu.wait_indirect_dma semaphore(%arg16 : memref<!tpu.dma_semaphore, #tpu.memory_space<semaphore_mem>>) src(%dma_wait3A_521 : memref<256x8xf32, #tpu.memory_space<vmem>>) dst(%dma_wait3A_527 : memref<100096x8xf32, #tpu.memory_space<vmem_shared>>)
      %add3A_528 = arith.constant 2 : i32
      %add3A_529 = arith.addi %add3A_323, %add3A_528 : i32
      %lt3A_530 = arith.cmpi slt, %add3A_529, %select_n3A : i32
      %convert_element_type3A_531 = arith.extui %lt3A_530 : i1 to i32
      %cond3A_532 = arith.constant 0 : i32
      %cond3A_533 = arith.cmpi ne, %convert_element_type3A_531, %cond3A_532 : i32
      scf.if %cond3A_533 {
        %add3A_534 = arith.constant 2 : i32
        %add3A_535 = arith.addi %add3A_323, %add3A_534 : i32
        %mul3A_536 = arith.constant 4 : i32
        %mul3A_537 = arith.muli %add3A_535, %mul3A_536 : i32
        %add3A_538 = arith.addi %mul3A_2, %mul3A_537 : i32
        %dma_start3A_539 = arith.constant 0 : i32
        %dma_start3A_540 = tpu.memref_slice %arg2[%add3A_538, %dma_start3A_539] : memref<25000x256xi32, #tpu.memory_space<hbm>> -> memref<4x256xi32, #tpu.memory_space<hbm>>
        %dma_start3A_541 = arith.constant 0 : i32
        %dma_start3A_542 = tpu.memref_slice %arg2[%add3A_538, %dma_start3A_541] : memref<25000x256xi32, #tpu.memory_space<hbm>> -> memref<4x256xi32, #tpu.memory_space<hbm>>
        tpu.enqueue_dma source(%dma_start3A_542 : memref<4x256xi32, #tpu.memory_space<hbm>>) target(%arg9 : memref<4x256xi32, #tpu.memory_space<vmem>>) target_semaphore(%arg14 : memref<!tpu.dma_semaphore, #tpu.memory_space<semaphore_mem>>)
        %add3A_543 = arith.constant 12500 : i32
        %add3A_544 = arith.addi %add3A_543, %mul3A_2 : i32
        %mul3A_545 = arith.constant 4 : i32
        %mul3A_546 = arith.muli %add3A_535, %mul3A_545 : i32
        %add3A_547 = arith.addi %add3A_544, %mul3A_546 : i32
        %dma_start3A_548 = arith.constant 0 : i32
        %dma_start3A_549 = tpu.memref_slice %arg2[%add3A_547, %dma_start3A_548] : memref<25000x256xi32, #tpu.memory_space<hbm>> -> memref<4x256xi32, #tpu.memory_space<hbm>>
        %dma_start3A_550 = arith.constant 0 : i32
        %dma_start3A_551 = tpu.memref_slice %arg2[%add3A_547, %dma_start3A_550] : memref<25000x256xi32, #tpu.memory_space<hbm>> -> memref<4x256xi32, #tpu.memory_space<hbm>>
        tpu.enqueue_dma source(%dma_start3A_551 : memref<4x256xi32, #tpu.memory_space<hbm>>) target(%arg10 : memref<4x256xi32, #tpu.memory_space<vmem>>) target_semaphore(%arg14 : memref<!tpu.dma_semaphore, #tpu.memory_space<semaphore_mem>>)
      } else {
      }
    }
    %jit3A_86 = arith.constant 2 : i32
    %eq3A = arith.constant 0 : i32
    %eq3A_87 = arith.cmpi eq, %jit3A_86, %eq3A : i32
    %jit3A_88 = arith.constant 1 : i32
    %select_n3A_89 = arith.select %eq3A_87, %jit3A_88, %jit3A_86 : i32
    %rem3A_90 = arith.remsi %select_n3A, %select_n3A_89 : i32
    %ne3A_91 = arith.constant 0 : i32
    %ne3A_92 = arith.cmpi ne, %rem3A_90, %ne3A_91 : i32
    %lt3A = arith.constant 0 : i32
    %lt3A_93 = arith.cmpi slt, %rem3A_90, %lt3A : i32
    %lt3A_94 = arith.constant 0 : i32
    %lt3A_95 = arith.cmpi slt, %select_n3A_89, %lt3A_94 : i32
    %ne3A_96 = arith.xori %lt3A_93, %lt3A_95 : i1
    %and3A_97 = arith.andi %ne3A_96, %ne3A_92 : i1
    %add3A_98 = arith.addi %rem3A_90, %select_n3A_89 : i32
    %select_n3A_99 = arith.select %and3A_97, %add3A_98, %rem3A_90 : i32
    %eq3A_100 = arith.constant 1 : i32
    %eq3A_101 = arith.cmpi eq, %select_n3A_99, %eq3A_100 : i32
    %convert_element_type3A = arith.extui %eq3A_101 : i1 to i32
    %cond3A = arith.constant 0 : i32
    %cond3A_102 = arith.cmpi ne, %convert_element_type3A, %cond3A : i32
    scf.if %cond3A_102 {
      %sub3A_108 = arith.constant 1 : i32
      %sub3A_109 = arith.subi %select_n3A, %sub3A_108 : i32
      %dma_wait3A = arith.constant 0 : i32
      %dma_wait3A_110 = arith.constant 0 : i32
      %dma_wait3A_111 = tpu.memref_slice %arg2[%dma_wait3A, %dma_wait3A_110] : memref<25000x256xi32, #tpu.memory_space<hbm>> -> memref<4x256xi32, #tpu.memory_space<hbm>>
      %dma_wait3A_112 = arith.constant 0 : i32
      %dma_wait3A_113 = arith.constant 0 : i32
      %dma_wait3A_114 = tpu.memref_slice %arg2[%dma_wait3A_112, %dma_wait3A_113] : memref<25000x256xi32, #tpu.memory_space<hbm>> -> memref<4x256xi32, #tpu.memory_space<hbm>>
      tpu.wait_dma2 semaphore(%arg13 : memref<!tpu.dma_semaphore, #tpu.memory_space<semaphore_mem>>) src(%dma_wait3A_114 : memref<4x256xi32, #tpu.memory_space<hbm>>) dst(%arg6 : memref<4x256xi32, #tpu.memory_space<vmem>>)
      %dma_wait3A_115 = arith.constant 0 : i32
      %dma_wait3A_116 = arith.constant 0 : i32
      %dma_wait3A_117 = tpu.memref_slice %arg2[%dma_wait3A_115, %dma_wait3A_116] : memref<25000x256xi32, #tpu.memory_space<hbm>> -> memref<4x256xi32, #tpu.memory_space<hbm>>
      %dma_wait3A_118 = arith.constant 0 : i32
      %dma_wait3A_119 = arith.constant 0 : i32
      %dma_wait3A_120 = tpu.memref_slice %arg2[%dma_wait3A_118, %dma_wait3A_119] : memref<25000x256xi32, #tpu.memory_space<hbm>> -> memref<4x256xi32, #tpu.memory_space<hbm>>
      tpu.wait_dma2 semaphore(%arg13 : memref<!tpu.dma_semaphore, #tpu.memory_space<semaphore_mem>>) src(%dma_wait3A_120 : memref<4x256xi32, #tpu.memory_space<hbm>>) dst(%arg7 : memref<4x256xi32, #tpu.memory_space<vmem>>)
      %dma_start3A_121 = arith.constant 0 : i32
      %dma_start3A_122 = arith.constant 0 : i32
      %dma_start3A_123 = arith.constant 0 : i32
      %dma_start3A_124 = arith.constant 0 : i32
      %dma_start3A_125 = tpu.memref_slice %arg8[%dma_start3A_122, %dma_start3A_123, %dma_start3A_124] : memref<4x256x8xf32, #tpu.memory_space<vmem>> -> memref<1x256x8xf32, #tpu.memory_space<vmem>>
      %dma_start3A_126 = tpu.memref_squeeze %dma_start3A_125 : memref<1x256x8xf32, #tpu.memory_space<vmem>> -> memref<256x8xf32, #tpu.memory_space<vmem>>
      %dma_start3A_127 = arith.constant 0 : i32
      %dma_start3A_128 = tpu.memref_slice %arg6[%dma_start3A_121, %dma_start3A_127] : memref<4x256xi32, #tpu.memory_space<vmem>> -> memref<1x256xi32, #tpu.memory_space<vmem>>
      %dma_start3A_129 = tpu.memref_squeeze %dma_start3A_128 : memref<1x256xi32, #tpu.memory_space<vmem>> -> memref<256xi32, #tpu.memory_space<vmem>>
      %dma_start3A_130 = arith.constant 0 : i32
      %dma_start3A_131 = arith.constant 0 : i32
      %dma_start3A_132 = tpu.memref_slice %arg3[%dma_start3A_130, %dma_start3A_131] : memref<100096x8xf32, #tpu.memory_space<hbm>> -> memref<100096x8xf32, #tpu.memory_space<hbm>>
      tpu.enqueue_indirect_dma source(%dma_start3A_132 : memref<100096x8xf32, #tpu.memory_space<hbm>>) target(%dma_start3A_126 : memref<256x8xf32, #tpu.memory_space<vmem>>) offsets(%dma_start3A_129 : memref<256xi32, #tpu.memory_space<vmem>>) semaphore(%arg15 : memref<!tpu.dma_semaphore, #tpu.memory_space<semaphore_mem>>)
      %dma_start3A_133 = arith.constant 1 : i32
      %dma_start3A_134 = arith.constant 1 : i32
      %dma_start3A_135 = arith.constant 0 : i32
      %dma_start3A_136 = arith.constant 0 : i32
      %dma_start3A_137 = tpu.memref_slice %arg8[%dma_start3A_134, %dma_start3A_135, %dma_start3A_136] : memref<4x256x8xf32, #tpu.memory_space<vmem>> -> memref<1x256x8xf32, #tpu.memory_space<vmem>>
      %dma_start3A_138 = tpu.memref_squeeze %dma_start3A_137 : memref<1x256x8xf32, #tpu.memory_space<vmem>> -> memref<256x8xf32, #tpu.memory_space<vmem>>
      %dma_start3A_139 = arith.constant 0 : i32
      %dma_start3A_140 = tpu.memref_slice %arg6[%dma_start3A_133, %dma_start3A_139] : memref<4x256xi32, #tpu.memory_space<vmem>> -> memref<1x256xi32, #tpu.memory_space<vmem>>
      %dma_start3A_141 = tpu.memref_squeeze %dma_start3A_140 : memref<1x256xi32, #tpu.memory_space<vmem>> -> memref<256xi32, #tpu.memory_space<vmem>>
      %dma_start3A_142 = arith.constant 0 : i32
      %dma_start3A_143 = arith.constant 0 : i32
      %dma_start3A_144 = tpu.memref_slice %arg3[%dma_start3A_142, %dma_start3A_143] : memref<100096x8xf32, #tpu.memory_space<hbm>> -> memref<100096x8xf32, #tpu.memory_space<hbm>>
      tpu.enqueue_indirect_dma source(%dma_start3A_144 : memref<100096x8xf32, #tpu.memory_space<hbm>>) target(%dma_start3A_138 : memref<256x8xf32, #tpu.memory_space<vmem>>) offsets(%dma_start3A_141 : memref<256xi32, #tpu.memory_space<vmem>>) semaphore(%arg15 : memref<!tpu.dma_semaphore, #tpu.memory_space<semaphore_mem>>)
      %dma_start3A_145 = arith.constant 2 : i32
      %dma_start3A_146 = arith.constant 2 : i32
      %dma_start3A_147 = arith.constant 0 : i32
      %dma_start3A_148 = arith.constant 0 : i32
      %dma_start3A_149 = tpu.memref_slice %arg8[%dma_start3A_146, %dma_start3A_147, %dma_start3A_148] : memref<4x256x8xf32, #tpu.memory_space<vmem>> -> memref<1x256x8xf32, #tpu.memory_space<vmem>>
      %dma_start3A_150 = tpu.memref_squeeze %dma_start3A_149 : memref<1x256x8xf32, #tpu.memory_space<vmem>> -> memref<256x8xf32, #tpu.memory_space<vmem>>
      %dma_start3A_151 = arith.constant 0 : i32
      %dma_start3A_152 = tpu.memref_slice %arg6[%dma_start3A_145, %dma_start3A_151] : memref<4x256xi32, #tpu.memory_space<vmem>> -> memref<1x256xi32, #tpu.memory_space<vmem>>
      %dma_start3A_153 = tpu.memref_squeeze %dma_start3A_152 : memref<1x256xi32, #tpu.memory_space<vmem>> -> memref<256xi32, #tpu.memory_space<vmem>>
      %dma_start3A_154 = arith.constant 0 : i32
      %dma_start3A_155 = arith.constant 0 : i32
      %dma_start3A_156 = tpu.memref_slice %arg3[%dma_start3A_154, %dma_start3A_155] : memref<100096x8xf32, #tpu.memory_space<hbm>> -> memref<100096x8xf32, #tpu.memory_space<hbm>>
      tpu.enqueue_indirect_dma source(%dma_start3A_156 : memref<100096x8xf32, #tpu.memory_space<hbm>>) target(%dma_start3A_150 : memref<256x8xf32, #tpu.memory_space<vmem>>) offsets(%dma_start3A_153 : memref<256xi32, #tpu.memory_space<vmem>>) semaphore(%arg15 : memref<!tpu.dma_semaphore, #tpu.memory_space<semaphore_mem>>)
      %dma_start3A_157 = arith.constant 3 : i32
      %dma_start3A_158 = arith.constant 3 : i32
      %dma_start3A_159 = arith.constant 0 : i32
      %dma_start3A_160 = arith.constant 0 : i32
      %dma_start3A_161 = tpu.memref_slice %arg8[%dma_start3A_158, %dma_start3A_159, %dma_start3A_160] : memref<4x256x8xf32, #tpu.memory_space<vmem>> -> memref<1x256x8xf32, #tpu.memory_space<vmem>>
      %dma_start3A_162 = tpu.memref_squeeze %dma_start3A_161 : memref<1x256x8xf32, #tpu.memory_space<vmem>> -> memref<256x8xf32, #tpu.memory_space<vmem>>
      %dma_start3A_163 = arith.constant 0 : i32
      %dma_start3A_164 = tpu.memref_slice %arg6[%dma_start3A_157, %dma_start3A_163] : memref<4x256xi32, #tpu.memory_space<vmem>> -> memref<1x256xi32, #tpu.memory_space<vmem>>
      %dma_start3A_165 = tpu.memref_squeeze %dma_start3A_164 : memref<1x256xi32, #tpu.memory_space<vmem>> -> memref<256xi32, #tpu.memory_space<vmem>>
      %dma_start3A_166 = arith.constant 0 : i32
      %dma_start3A_167 = arith.constant 0 : i32
      %dma_start3A_168 = tpu.memref_slice %arg3[%dma_start3A_166, %dma_start3A_167] : memref<100096x8xf32, #tpu.memory_space<hbm>> -> memref<100096x8xf32, #tpu.memory_space<hbm>>
      tpu.enqueue_indirect_dma source(%dma_start3A_168 : memref<100096x8xf32, #tpu.memory_space<hbm>>) target(%dma_start3A_162 : memref<256x8xf32, #tpu.memory_space<vmem>>) offsets(%dma_start3A_165 : memref<256xi32, #tpu.memory_space<vmem>>) semaphore(%arg15 : memref<!tpu.dma_semaphore, #tpu.memory_space<semaphore_mem>>)
      %dma_wait3A_169 = arith.constant 0 : i32
      %dma_wait3A_170 = arith.constant 0 : i32
      %dma_wait3A_171 = arith.constant 0 : i32
      %dma_wait3A_172 = arith.constant 0 : i32
      %dma_wait3A_173 = tpu.memref_slice %arg8[%dma_wait3A_170, %dma_wait3A_171, %dma_wait3A_172] : memref<4x256x8xf32, #tpu.memory_space<vmem>> -> memref<1x256x8xf32, #tpu.memory_space<vmem>>
      %dma_wait3A_174 = tpu.memref_squeeze %dma_wait3A_173 : memref<1x256x8xf32, #tpu.memory_space<vmem>> -> memref<256x8xf32, #tpu.memory_space<vmem>>
      %dma_wait3A_175 = arith.constant 0 : i32
      %dma_wait3A_176 = tpu.memref_slice %arg6[%dma_wait3A_169, %dma_wait3A_175] : memref<4x256xi32, #tpu.memory_space<vmem>> -> memref<1x256xi32, #tpu.memory_space<vmem>>
      %dma_wait3A_177 = tpu.memref_squeeze %dma_wait3A_176 : memref<1x256xi32, #tpu.memory_space<vmem>> -> memref<256xi32, #tpu.memory_space<vmem>>
      %dma_wait3A_178 = arith.constant 0 : i32
      %dma_wait3A_179 = arith.constant 0 : i32
      %dma_wait3A_180 = tpu.memref_slice %arg3[%dma_wait3A_178, %dma_wait3A_179] : memref<100096x8xf32, #tpu.memory_space<hbm>> -> memref<100096x8xf32, #tpu.memory_space<hbm>>
      tpu.wait_indirect_dma semaphore(%arg15 : memref<!tpu.dma_semaphore, #tpu.memory_space<semaphore_mem>>) src(%dma_wait3A_180 : memref<100096x8xf32, #tpu.memory_space<hbm>>) dst(%dma_wait3A_174 : memref<256x8xf32, #tpu.memory_space<vmem>>)
      %dma_start3A_181 = arith.constant 0 : i32
      %dma_start3A_182 = arith.constant 0 : i32
      %dma_start3A_183 = arith.constant 0 : i32
      %dma_start3A_184 = arith.constant 0 : i32
      %dma_start3A_185 = tpu.memref_slice %arg8[%dma_start3A_181, %dma_start3A_183, %dma_start3A_184] : memref<4x256x8xf32, #tpu.memory_space<vmem>> -> memref<1x256x8xf32, #tpu.memory_space<vmem>>
      %dma_start3A_186 = tpu.memref_squeeze %dma_start3A_185 : memref<1x256x8xf32, #tpu.memory_space<vmem>> -> memref<256x8xf32, #tpu.memory_space<vmem>>
      %dma_start3A_187 = arith.constant 0 : i32
      %dma_start3A_188 = tpu.memref_slice %arg7[%dma_start3A_182, %dma_start3A_187] : memref<4x256xi32, #tpu.memory_space<vmem>> -> memref<1x256xi32, #tpu.memory_space<vmem>>
      %dma_start3A_189 = tpu.memref_squeeze %dma_start3A_188 : memref<1x256xi32, #tpu.memory_space<vmem>> -> memref<256xi32, #tpu.memory_space<vmem>>
      %dma_start3A_190 = arith.constant 0 : i32
      %dma_start3A_191 = arith.constant 0 : i32
      %dma_start3A_192 = tpu.memref_slice %arg17[%dma_start3A_190, %dma_start3A_191] : memref<100096x8xf32, #tpu.memory_space<vmem_shared>> -> memref<100096x8xf32, #tpu.memory_space<vmem_shared>>
      tpu.enqueue_indirect_dma source(%dma_start3A_186 : memref<256x8xf32, #tpu.memory_space<vmem>>) target(%dma_start3A_192 : memref<100096x8xf32, #tpu.memory_space<vmem_shared>>) offsets(%dma_start3A_189 : memref<256xi32, #tpu.memory_space<vmem>>) semaphore(%arg16 : memref<!tpu.dma_semaphore, #tpu.memory_space<semaphore_mem>>) {add = true}
      %dma_wait3A_193 = arith.constant 1 : i32
      %dma_wait3A_194 = arith.constant 1 : i32
      %dma_wait3A_195 = arith.constant 0 : i32
      %dma_wait3A_196 = arith.constant 0 : i32
      %dma_wait3A_197 = tpu.memref_slice %arg8[%dma_wait3A_194, %dma_wait3A_195, %dma_wait3A_196] : memref<4x256x8xf32, #tpu.memory_space<vmem>> -> memref<1x256x8xf32, #tpu.memory_space<vmem>>
      %dma_wait3A_198 = tpu.memref_squeeze %dma_wait3A_197 : memref<1x256x8xf32, #tpu.memory_space<vmem>> -> memref<256x8xf32, #tpu.memory_space<vmem>>
      %dma_wait3A_199 = arith.constant 0 : i32
      %dma_wait3A_200 = tpu.memref_slice %arg6[%dma_wait3A_193, %dma_wait3A_199] : memref<4x256xi32, #tpu.memory_space<vmem>> -> memref<1x256xi32, #tpu.memory_space<vmem>>
      %dma_wait3A_201 = tpu.memref_squeeze %dma_wait3A_200 : memref<1x256xi32, #tpu.memory_space<vmem>> -> memref<256xi32, #tpu.memory_space<vmem>>
      %dma_wait3A_202 = arith.constant 0 : i32
      %dma_wait3A_203 = arith.constant 0 : i32
      %dma_wait3A_204 = tpu.memref_slice %arg3[%dma_wait3A_202, %dma_wait3A_203] : memref<100096x8xf32, #tpu.memory_space<hbm>> -> memref<100096x8xf32, #tpu.memory_space<hbm>>
      tpu.wait_indirect_dma semaphore(%arg15 : memref<!tpu.dma_semaphore, #tpu.memory_space<semaphore_mem>>) src(%dma_wait3A_204 : memref<100096x8xf32, #tpu.memory_space<hbm>>) dst(%dma_wait3A_198 : memref<256x8xf32, #tpu.memory_space<vmem>>)
      %dma_start3A_205 = arith.constant 1 : i32
      %dma_start3A_206 = arith.constant 1 : i32
      %dma_start3A_207 = arith.constant 0 : i32
      %dma_start3A_208 = arith.constant 0 : i32
      %dma_start3A_209 = tpu.memref_slice %arg8[%dma_start3A_205, %dma_start3A_207, %dma_start3A_208] : memref<4x256x8xf32, #tpu.memory_space<vmem>> -> memref<1x256x8xf32, #tpu.memory_space<vmem>>
      %dma_start3A_210 = tpu.memref_squeeze %dma_start3A_209 : memref<1x256x8xf32, #tpu.memory_space<vmem>> -> memref<256x8xf32, #tpu.memory_space<vmem>>
      %dma_start3A_211 = arith.constant 0 : i32
      %dma_start3A_212 = tpu.memref_slice %arg7[%dma_start3A_206, %dma_start3A_211] : memref<4x256xi32, #tpu.memory_space<vmem>> -> memref<1x256xi32, #tpu.memory_space<vmem>>
      %dma_start3A_213 = tpu.memref_squeeze %dma_start3A_212 : memref<1x256xi32, #tpu.memory_space<vmem>> -> memref<256xi32, #tpu.memory_space<vmem>>
      %dma_start3A_214 = arith.constant 0 : i32
      %dma_start3A_215 = arith.constant 0 : i32
      %dma_start3A_216 = tpu.memref_slice %arg17[%dma_start3A_214, %dma_start3A_215] : memref<100096x8xf32, #tpu.memory_space<vmem_shared>> -> memref<100096x8xf32, #tpu.memory_space<vmem_shared>>
      tpu.enqueue_indirect_dma source(%dma_start3A_210 : memref<256x8xf32, #tpu.memory_space<vmem>>) target(%dma_start3A_216 : memref<100096x8xf32, #tpu.memory_space<vmem_shared>>) offsets(%dma_start3A_213 : memref<256xi32, #tpu.memory_space<vmem>>) semaphore(%arg16 : memref<!tpu.dma_semaphore, #tpu.memory_space<semaphore_mem>>) {add = true}
      %dma_wait3A_217 = arith.constant 2 : i32
      %dma_wait3A_218 = arith.constant 2 : i32
      %dma_wait3A_219 = arith.constant 0 : i32
      %dma_wait3A_220 = arith.constant 0 : i32
      %dma_wait3A_221 = tpu.memref_slice %arg8[%dma_wait3A_218, %dma_wait3A_219, %dma_wait3A_220] : memref<4x256x8xf32, #tpu.memory_space<vmem>> -> memref<1x256x8xf32, #tpu.memory_space<vmem>>
      %dma_wait3A_222 = tpu.memref_squeeze %dma_wait3A_221 : memref<1x256x8xf32, #tpu.memory_space<vmem>> -> memref<256x8xf32, #tpu.memory_space<vmem>>
      %dma_wait3A_223 = arith.constant 0 : i32
      %dma_wait3A_224 = tpu.memref_slice %arg6[%dma_wait3A_217, %dma_wait3A_223] : memref<4x256xi32, #tpu.memory_space<vmem>> -> memref<1x256xi32, #tpu.memory_space<vmem>>
      %dma_wait3A_225 = tpu.memref_squeeze %dma_wait3A_224 : memref<1x256xi32, #tpu.memory_space<vmem>> -> memref<256xi32, #tpu.memory_space<vmem>>
      %dma_wait3A_226 = arith.constant 0 : i32
      %dma_wait3A_227 = arith.constant 0 : i32
      %dma_wait3A_228 = tpu.memref_slice %arg3[%dma_wait3A_226, %dma_wait3A_227] : memref<100096x8xf32, #tpu.memory_space<hbm>> -> memref<100096x8xf32, #tpu.memory_space<hbm>>
      tpu.wait_indirect_dma semaphore(%arg15 : memref<!tpu.dma_semaphore, #tpu.memory_space<semaphore_mem>>) src(%dma_wait3A_228 : memref<100096x8xf32, #tpu.memory_space<hbm>>) dst(%dma_wait3A_222 : memref<256x8xf32, #tpu.memory_space<vmem>>)
      %dma_start3A_229 = arith.constant 2 : i32
      %dma_start3A_230 = arith.constant 2 : i32
      %dma_start3A_231 = arith.constant 0 : i32
      %dma_start3A_232 = arith.constant 0 : i32
      %dma_start3A_233 = tpu.memref_slice %arg8[%dma_start3A_229, %dma_start3A_231, %dma_start3A_232] : memref<4x256x8xf32, #tpu.memory_space<vmem>> -> memref<1x256x8xf32, #tpu.memory_space<vmem>>
      %dma_start3A_234 = tpu.memref_squeeze %dma_start3A_233 : memref<1x256x8xf32, #tpu.memory_space<vmem>> -> memref<256x8xf32, #tpu.memory_space<vmem>>
      %dma_start3A_235 = arith.constant 0 : i32
      %dma_start3A_236 = tpu.memref_slice %arg7[%dma_start3A_230, %dma_start3A_235] : memref<4x256xi32, #tpu.memory_space<vmem>> -> memref<1x256xi32, #tpu.memory_space<vmem>>
      %dma_start3A_237 = tpu.memref_squeeze %dma_start3A_236 : memref<1x256xi32, #tpu.memory_space<vmem>> -> memref<256xi32, #tpu.memory_space<vmem>>
      %dma_start3A_238 = arith.constant 0 : i32
      %dma_start3A_239 = arith.constant 0 : i32
      %dma_start3A_240 = tpu.memref_slice %arg17[%dma_start3A_238, %dma_start3A_239] : memref<100096x8xf32, #tpu.memory_space<vmem_shared>> -> memref<100096x8xf32, #tpu.memory_space<vmem_shared>>
      tpu.enqueue_indirect_dma source(%dma_start3A_234 : memref<256x8xf32, #tpu.memory_space<vmem>>) target(%dma_start3A_240 : memref<100096x8xf32, #tpu.memory_space<vmem_shared>>) offsets(%dma_start3A_237 : memref<256xi32, #tpu.memory_space<vmem>>) semaphore(%arg16 : memref<!tpu.dma_semaphore, #tpu.memory_space<semaphore_mem>>) {add = true}
      %dma_wait3A_241 = arith.constant 3 : i32
      %dma_wait3A_242 = arith.constant 3 : i32
      %dma_wait3A_243 = arith.constant 0 : i32
      %dma_wait3A_244 = arith.constant 0 : i32
      %dma_wait3A_245 = tpu.memref_slice %arg8[%dma_wait3A_242, %dma_wait3A_243, %dma_wait3A_244] : memref<4x256x8xf32, #tpu.memory_space<vmem>> -> memref<1x256x8xf32, #tpu.memory_space<vmem>>
      %dma_wait3A_246 = tpu.memref_squeeze %dma_wait3A_245 : memref<1x256x8xf32, #tpu.memory_space<vmem>> -> memref<256x8xf32, #tpu.memory_space<vmem>>
      %dma_wait3A_247 = arith.constant 0 : i32
      %dma_wait3A_248 = tpu.memref_slice %arg6[%dma_wait3A_241, %dma_wait3A_247] : memref<4x256xi32, #tpu.memory_space<vmem>> -> memref<1x256xi32, #tpu.memory_space<vmem>>
      %dma_wait3A_249 = tpu.memref_squeeze %dma_wait3A_248 : memref<1x256xi32, #tpu.memory_space<vmem>> -> memref<256xi32, #tpu.memory_space<vmem>>
      %dma_wait3A_250 = arith.constant 0 : i32
      %dma_wait3A_251 = arith.constant 0 : i32
      %dma_wait3A_252 = tpu.memref_slice %arg3[%dma_wait3A_250, %dma_wait3A_251] : memref<100096x8xf32, #tpu.memory_space<hbm>> -> memref<100096x8xf32, #tpu.memory_space<hbm>>
      tpu.wait_indirect_dma semaphore(%arg15 : memref<!tpu.dma_semaphore, #tpu.memory_space<semaphore_mem>>) src(%dma_wait3A_252 : memref<100096x8xf32, #tpu.memory_space<hbm>>) dst(%dma_wait3A_246 : memref<256x8xf32, #tpu.memory_space<vmem>>)
      %dma_start3A_253 = arith.constant 3 : i32
      %dma_start3A_254 = arith.constant 3 : i32
      %dma_start3A_255 = arith.constant 0 : i32
      %dma_start3A_256 = arith.constant 0 : i32
      %dma_start3A_257 = tpu.memref_slice %arg8[%dma_start3A_253, %dma_start3A_255, %dma_start3A_256] : memref<4x256x8xf32, #tpu.memory_space<vmem>> -> memref<1x256x8xf32, #tpu.memory_space<vmem>>
      %dma_start3A_258 = tpu.memref_squeeze %dma_start3A_257 : memref<1x256x8xf32, #tpu.memory_space<vmem>> -> memref<256x8xf32, #tpu.memory_space<vmem>>
      %dma_start3A_259 = arith.constant 0 : i32
      %dma_start3A_260 = tpu.memref_slice %arg7[%dma_start3A_254, %dma_start3A_259] : memref<4x256xi32, #tpu.memory_space<vmem>> -> memref<1x256xi32, #tpu.memory_space<vmem>>
      %dma_start3A_261 = tpu.memref_squeeze %dma_start3A_260 : memref<1x256xi32, #tpu.memory_space<vmem>> -> memref<256xi32, #tpu.memory_space<vmem>>
      %dma_start3A_262 = arith.constant 0 : i32
      %dma_start3A_263 = arith.constant 0 : i32
      %dma_start3A_264 = tpu.memref_slice %arg17[%dma_start3A_262, %dma_start3A_263] : memref<100096x8xf32, #tpu.memory_space<vmem_shared>> -> memref<100096x8xf32, #tpu.memory_space<vmem_shared>>
      tpu.enqueue_indirect_dma source(%dma_start3A_258 : memref<256x8xf32, #tpu.memory_space<vmem>>) target(%dma_start3A_264 : memref<100096x8xf32, #tpu.memory_space<vmem_shared>>) offsets(%dma_start3A_261 : memref<256xi32, #tpu.memory_space<vmem>>) semaphore(%arg16 : memref<!tpu.dma_semaphore, #tpu.memory_space<semaphore_mem>>) {add = true}
      %dma_wait3A_265 = arith.constant 0 : i32
      %dma_wait3A_266 = arith.constant 0 : i32
      %dma_wait3A_267 = arith.constant 0 : i32
      %dma_wait3A_268 = arith.constant 0 : i32
      %dma_wait3A_269 = tpu.memref_slice %arg8[%dma_wait3A_265, %dma_wait3A_267, %dma_wait3A_268] : memref<4x256x8xf32, #tpu.memory_space<vmem>> -> memref<1x256x8xf32, #tpu.memory_space<vmem>>
      %dma_wait3A_270 = tpu.memref_squeeze %dma_wait3A_269 : memref<1x256x8xf32, #tpu.memory_space<vmem>> -> memref<256x8xf32, #tpu.memory_space<vmem>>
      %dma_wait3A_271 = arith.constant 0 : i32
      %dma_wait3A_272 = tpu.memref_slice %arg7[%dma_wait3A_266, %dma_wait3A_271] : memref<4x256xi32, #tpu.memory_space<vmem>> -> memref<1x256xi32, #tpu.memory_space<vmem>>
      %dma_wait3A_273 = tpu.memref_squeeze %dma_wait3A_272 : memref<1x256xi32, #tpu.memory_space<vmem>> -> memref<256xi32, #tpu.memory_space<vmem>>
      %dma_wait3A_274 = arith.constant 0 : i32
      %dma_wait3A_275 = arith.constant 0 : i32
      %dma_wait3A_276 = tpu.memref_slice %arg17[%dma_wait3A_274, %dma_wait3A_275] : memref<100096x8xf32, #tpu.memory_space<vmem_shared>> -> memref<100096x8xf32, #tpu.memory_space<vmem_shared>>
      tpu.wait_indirect_dma semaphore(%arg16 : memref<!tpu.dma_semaphore, #tpu.memory_space<semaphore_mem>>) src(%dma_wait3A_270 : memref<256x8xf32, #tpu.memory_space<vmem>>) dst(%dma_wait3A_276 : memref<100096x8xf32, #tpu.memory_space<vmem_shared>>)
      %dma_wait3A_277 = arith.constant 1 : i32
      %dma_wait3A_278 = arith.constant 1 : i32
      %dma_wait3A_279 = arith.constant 0 : i32
      %dma_wait3A_280 = arith.constant 0 : i32
      %dma_wait3A_281 = tpu.memref_slice %arg8[%dma_wait3A_277, %dma_wait3A_279, %dma_wait3A_280] : memref<4x256x8xf32, #tpu.memory_space<vmem>> -> memref<1x256x8xf32, #tpu.memory_space<vmem>>
      %dma_wait3A_282 = tpu.memref_squeeze %dma_wait3A_281 : memref<1x256x8xf32, #tpu.memory_space<vmem>> -> memref<256x8xf32, #tpu.memory_space<vmem>>
      %dma_wait3A_283 = arith.constant 0 : i32
      %dma_wait3A_284 = tpu.memref_slice %arg7[%dma_wait3A_278, %dma_wait3A_283] : memref<4x256xi32, #tpu.memory_space<vmem>> -> memref<1x256xi32, #tpu.memory_space<vmem>>
      %dma_wait3A_285 = tpu.memref_squeeze %dma_wait3A_284 : memref<1x256xi32, #tpu.memory_space<vmem>> -> memref<256xi32, #tpu.memory_space<vmem>>
      %dma_wait3A_286 = arith.constant 0 : i32
      %dma_wait3A_287 = arith.constant 0 : i32
      %dma_wait3A_288 = tpu.memref_slice %arg17[%dma_wait3A_286, %dma_wait3A_287] : memref<100096x8xf32, #tpu.memory_space<vmem_shared>> -> memref<100096x8xf32, #tpu.memory_space<vmem_shared>>
      tpu.wait_indirect_dma semaphore(%arg16 : memref<!tpu.dma_semaphore, #tpu.memory_space<semaphore_mem>>) src(%dma_wait3A_282 : memref<256x8xf32, #tpu.memory_space<vmem>>) dst(%dma_wait3A_288 : memref<100096x8xf32, #tpu.memory_space<vmem_shared>>)
      %dma_wait3A_289 = arith.constant 2 : i32
      %dma_wait3A_290 = arith.constant 2 : i32
      %dma_wait3A_291 = arith.constant 0 : i32
      %dma_wait3A_292 = arith.constant 0 : i32
      %dma_wait3A_293 = tpu.memref_slice %arg8[%dma_wait3A_289, %dma_wait3A_291, %dma_wait3A_292] : memref<4x256x8xf32, #tpu.memory_space<vmem>> -> memref<1x256x8xf32, #tpu.memory_space<vmem>>
      %dma_wait3A_294 = tpu.memref_squeeze %dma_wait3A_293 : memref<1x256x8xf32, #tpu.memory_space<vmem>> -> memref<256x8xf32, #tpu.memory_space<vmem>>
      %dma_wait3A_295 = arith.constant 0 : i32
      %dma_wait3A_296 = tpu.memref_slice %arg7[%dma_wait3A_290, %dma_wait3A_295] : memref<4x256xi32, #tpu.memory_space<vmem>> -> memref<1x256xi32, #tpu.memory_space<vmem>>
      %dma_wait3A_297 = tpu.memref_squeeze %dma_wait3A_296 : memref<1x256xi32, #tpu.memory_space<vmem>> -> memref<256xi32, #tpu.memory_space<vmem>>
      %dma_wait3A_298 = arith.constant 0 : i32
      %dma_wait3A_299 = arith.constant 0 : i32
      %dma_wait3A_300 = tpu.memref_slice %arg17[%dma_wait3A_298, %dma_wait3A_299] : memref<100096x8xf32, #tpu.memory_space<vmem_shared>> -> memref<100096x8xf32, #tpu.memory_space<vmem_shared>>
      tpu.wait_indirect_dma semaphore(%arg16 : memref<!tpu.dma_semaphore, #tpu.memory_space<semaphore_mem>>) src(%dma_wait3A_294 : memref<256x8xf32, #tpu.memory_space<vmem>>) dst(%dma_wait3A_300 : memref<100096x8xf32, #tpu.memory_space<vmem_shared>>)
      %dma_wait3A_301 = arith.constant 3 : i32
      %dma_wait3A_302 = arith.constant 3 : i32
      %dma_wait3A_303 = arith.constant 0 : i32
      %dma_wait3A_304 = arith.constant 0 : i32
      %dma_wait3A_305 = tpu.memref_slice %arg8[%dma_wait3A_301, %dma_wait3A_303, %dma_wait3A_304] : memref<4x256x8xf32, #tpu.memory_space<vmem>> -> memref<1x256x8xf32, #tpu.memory_space<vmem>>
      %dma_wait3A_306 = tpu.memref_squeeze %dma_wait3A_305 : memref<1x256x8xf32, #tpu.memory_space<vmem>> -> memref<256x8xf32, #tpu.memory_space<vmem>>
      %dma_wait3A_307 = arith.constant 0 : i32
      %dma_wait3A_308 = tpu.memref_slice %arg7[%dma_wait3A_302, %dma_wait3A_307] : memref<4x256xi32, #tpu.memory_space<vmem>> -> memref<1x256xi32, #tpu.memory_space<vmem>>
      %dma_wait3A_309 = tpu.memref_squeeze %dma_wait3A_308 : memref<1x256xi32, #tpu.memory_space<vmem>> -> memref<256xi32, #tpu.memory_space<vmem>>
      %dma_wait3A_310 = arith.constant 0 : i32
      %dma_wait3A_311 = arith.constant 0 : i32
      %dma_wait3A_312 = tpu.memref_slice %arg17[%dma_wait3A_310, %dma_wait3A_311] : memref<100096x8xf32, #tpu.memory_space<vmem_shared>> -> memref<100096x8xf32, #tpu.memory_space<vmem_shared>>
      tpu.wait_indirect_dma semaphore(%arg16 : memref<!tpu.dma_semaphore, #tpu.memory_space<semaphore_mem>>) src(%dma_wait3A_306 : memref<256x8xf32, #tpu.memory_space<vmem>>) dst(%dma_wait3A_312 : memref<100096x8xf32, #tpu.memory_space<vmem_shared>>)
      %add3A_313 = arith.constant 2 : i32
      %add3A_314 = arith.addi %sub3A_109, %add3A_313 : i32
      %lt3A_315 = arith.cmpi slt, %add3A_314, %select_n3A : i32
      %convert_element_type3A_316 = arith.extui %lt3A_315 : i1 to i32
      %cond3A_317 = arith.constant 0 : i32
      %cond3A_318 = arith.cmpi ne, %convert_element_type3A_316, %cond3A_317 : i32
      scf.if %cond3A_318 {
        %add3A_319 = arith.constant 2 : i32
        %add3A_320 = arith.addi %sub3A_109, %add3A_319 : i32
        %mul3A_321 = arith.constant 4 : i32
        %mul3A_322 = arith.muli %add3A_320, %mul3A_321 : i32
        %add3A_323 = arith.addi %mul3A_2, %mul3A_322 : i32
        %dma_start3A_324 = arith.constant 0 : i32
        %dma_start3A_325 = tpu.memref_slice %arg2[%add3A_323, %dma_start3A_324] : memref<25000x256xi32, #tpu.memory_space<hbm>> -> memref<4x256xi32, #tpu.memory_space<hbm>>
        %dma_start3A_326 = arith.constant 0 : i32
        %dma_start3A_327 = tpu.memref_slice %arg2[%add3A_323, %dma_start3A_326] : memref<25000x256xi32, #tpu.memory_space<hbm>> -> memref<4x256xi32, #tpu.memory_space<hbm>>
        tpu.enqueue_dma source(%dma_start3A_327 : memref<4x256xi32, #tpu.memory_space<hbm>>) target(%arg6 : memref<4x256xi32, #tpu.memory_space<vmem>>) target_semaphore(%arg13 : memref<!tpu.dma_semaphore, #tpu.memory_space<semaphore_mem>>)
        %add3A_328 = arith.constant 12500 : i32
        %add3A_329 = arith.addi %add3A_328, %mul3A_2 : i32
        %mul3A_330 = arith.constant 4 : i32
        %mul3A_331 = arith.muli %add3A_320, %mul3A_330 : i32
        %add3A_332 = arith.addi %add3A_329, %mul3A_331 : i32
        %dma_start3A_333 = arith.constant 0 : i32
        %dma_start3A_334 = tpu.memref_slice %arg2[%add3A_332, %dma_start3A_333] : memref<25000x256xi32, #tpu.memory_space<hbm>> -> memref<4x256xi32, #tpu.memory_space<hbm>>
        %dma_start3A_335 = arith.constant 0 : i32
        %dma_start3A_336 = tpu.memref_slice %arg2[%add3A_332, %dma_start3A_335] : memref<25000x256xi32, #tpu.memory_space<hbm>> -> memref<4x256xi32, #tpu.memory_space<hbm>>
        tpu.enqueue_dma source(%dma_start3A_336 : memref<4x256xi32, #tpu.memory_space<hbm>>) target(%arg7 : memref<4x256xi32, #tpu.memory_space<vmem>>) target_semaphore(%arg13 : memref<!tpu.dma_semaphore, #tpu.memory_space<semaphore_mem>>)
      } else {
      }
    } else {
    }
    %barrier3A_103 = arith.constant 0 : index
    tpu.barrier barrier_id(%barrier3A_103)
    %mul3A_104 = arith.constant 6256 : i32
    %mul3A_105 = arith.muli %arg1, %mul3A_104 : i32
    "tpu.region"() ({
      %run_scoped3A = tpu.sem_alloc : memref<!tpu.dma_semaphore, #tpu.memory_space<semaphore_mem>>
      %dma_start3A_108 = arith.constant 0 : i32
      %dma_start3A_109 = tpu.memref_slice %arg17[%mul3A_105, %dma_start3A_108] : memref<100096x8xf32, #tpu.memory_space<vmem_shared>> -> memref<6256x8xf32, #tpu.memory_space<vmem_shared>>
      %dma_start3A_110 = arith.constant 0 : i32
      %dma_start3A_111 = tpu.memref_slice %arg17[%mul3A_105, %dma_start3A_110] : memref<100096x8xf32, #tpu.memory_space<vmem_shared>> -> memref<6256x8xf32, #tpu.memory_space<vmem_shared>>
      tpu.enqueue_dma source(%dma_start3A_111 : memref<6256x8xf32, #tpu.memory_space<vmem_shared>>) target(%arg12 : memref<6256x8xf32, #tpu.memory_space<vmem>>) target_semaphore(%run_scoped3A : memref<!tpu.dma_semaphore, #tpu.memory_space<semaphore_mem>>)
      %dma_wait3A = arith.constant 0 : i32
      %dma_wait3A_112 = tpu.memref_slice %arg17[%mul3A_105, %dma_wait3A] : memref<100096x8xf32, #tpu.memory_space<vmem_shared>> -> memref<6256x8xf32, #tpu.memory_space<vmem_shared>>
      %dma_wait3A_113 = arith.constant 0 : i32
      %dma_wait3A_114 = tpu.memref_slice %arg17[%mul3A_105, %dma_wait3A_113] : memref<100096x8xf32, #tpu.memory_space<vmem_shared>> -> memref<6256x8xf32, #tpu.memory_space<vmem_shared>>
      tpu.wait_dma2 semaphore(%run_scoped3A : memref<!tpu.dma_semaphore, #tpu.memory_space<semaphore_mem>>) src(%dma_wait3A_114 : memref<6256x8xf32, #tpu.memory_space<vmem_shared>>) dst(%arg12 : memref<6256x8xf32, #tpu.memory_space<vmem>>)
      tpu.yield
    }) : () -> ()
    %mul3A_106 = arith.constant 6256 : i32
    %mul3A_107 = arith.muli %arg1, %mul3A_106 : i32
    "tpu.region"() ({
      %run_scoped3A = tpu.sem_alloc : memref<!tpu.dma_semaphore, #tpu.memory_space<semaphore_mem>>
      %dma_start3A_108 = arith.constant 0 : i32
      %dma_start3A_109 = tpu.memref_slice %arg5[%arg0, %mul3A_107, %dma_start3A_108] : memref<2x100096x8xf32, #tpu.memory_space<hbm>> -> memref<1x6256x8xf32, #tpu.memory_space<hbm>>
      %dma_start3A_110 = tpu.memref_squeeze %dma_start3A_109 : memref<1x6256x8xf32, #tpu.memory_space<hbm>> -> memref<6256x8xf32, #tpu.memory_space<hbm>>
      %dma_start3A_111 = arith.constant 0 : i32
      %dma_start3A_112 = tpu.memref_slice %arg5[%arg0, %mul3A_107, %dma_start3A_111] : memref<2x100096x8xf32, #tpu.memory_space<hbm>> -> memref<1x6256x8xf32, #tpu.memory_space<hbm>>
      %dma_start3A_113 = tpu.memref_squeeze %dma_start3A_112 : memref<1x6256x8xf32, #tpu.memory_space<hbm>> -> memref<6256x8xf32, #tpu.memory_space<hbm>>
      tpu.enqueue_dma source(%arg12 : memref<6256x8xf32, #tpu.memory_space<vmem>>) target(%dma_start3A_113 : memref<6256x8xf32, #tpu.memory_space<hbm>>) target_semaphore(%run_scoped3A : memref<!tpu.dma_semaphore, #tpu.memory_space<semaphore_mem>>)
      %dma_wait3A = arith.constant 0 : i32
      %dma_wait3A_114 = tpu.memref_slice %arg5[%arg0, %mul3A_107, %dma_wait3A] : memref<2x100096x8xf32, #tpu.memory_space<hbm>> -> memref<1x6256x8xf32, #tpu.memory_space<hbm>>
      %dma_wait3A_115 = tpu.memref_squeeze %dma_wait3A_114 : memref<1x6256x8xf32, #tpu.memory_space<hbm>> -> memref<6256x8xf32, #tpu.memory_space<hbm>>
      %dma_wait3A_116 = arith.constant 0 : i32
      %dma_wait3A_117 = tpu.memref_slice %arg5[%arg0, %mul3A_107, %dma_wait3A_116] : memref<2x100096x8xf32, #tpu.memory_space<hbm>> -> memref<1x6256x8xf32, #tpu.memory_space<hbm>>
      %dma_wait3A_118 = tpu.memref_squeeze %dma_wait3A_117 : memref<1x6256x8xf32, #tpu.memory_space<hbm>> -> memref<6256x8xf32, #tpu.memory_space<hbm>>
      tpu.wait_dma2 semaphore(%run_scoped3A : memref<!tpu.dma_semaphore, #tpu.memory_space<semaphore_mem>>) src(%arg12 : memref<6256x8xf32, #tpu.memory_space<vmem>>) dst(%dma_wait3A_118 : memref<6256x8xf32, #tpu.memory_space<hbm>>)
      tpu.yield
    }) : () -> ()
    return
  }
}

#map = affine_map<(d0, d1) -> (0, 0)>
#map1 = affine_map<(d0, d1) -> (0)>
module attributes {stable_mosaic.version = 14 : i64} {
  func.func @_count_kernel(%arg0: i32, %arg1: i32, %arg2: memref<25000x256xi32, #tpu.memory_space<hbm>>, %arg3: memref<6256xf32, #tpu.memory_space<hbm>>, %arg4: memref<256xf32, #tpu.memory_space<hbm>>, %arg5: memref<200192xf32, #tpu.memory_space<hbm>>, %arg6: memref<4x256xi32, #tpu.memory_space<vmem>>, %arg7: memref<4x256xi32, #tpu.memory_space<vmem>>, %arg8: memref<256xf32, #tpu.memory_space<vmem>>, %arg9: memref<6256xf32, #tpu.memory_space<vmem>>, %arg10: memref<!tpu.dma_semaphore, #tpu.memory_space<semaphore_mem>>, %arg11: memref<!tpu.dma_semaphore, #tpu.memory_space<semaphore_mem>>, %arg12: memref<!tpu.dma_semaphore, #tpu.memory_space<semaphore_mem>>, %arg13: memref<100096xf32, #tpu.memory_space<vmem_shared>>) attributes {dimension_semantics = [#tpu.dimension_semantics<core_parallel>, #tpu.dimension_semantics<subcore_parallel>], iteration_bounds = array<i64: 2, 16>, scalar_prefetch = 0 : i64, scratch_operands = 8 : i64, tpu.core_type = #tpu.core_type<sc_vector_subcore>, window_params = [{transform_indices = #map}, {transform_indices = #map1}, {transform_indices = #map1}, {transform_indices = #map1}]} {
    %mul3A = arith.constant 2 : i32
    %mul3A_0 = arith.muli %arg1, %mul3A : i32
    %add3A = arith.addi %mul3A_0, %arg0 : i32
    %mul3A_1 = arith.constant 392 : i32
    %mul3A_2 = arith.muli %add3A, %mul3A_1 : i32
    %add3A_3 = arith.constant 12500 : i32
    %add3A_4 = arith.addi %add3A_3, %mul3A_2 : i32
    %mul3A_5 = arith.constant 392 : i32
    %mul3A_6 = arith.muli %add3A, %mul3A_5 : i32
    %sub3A = arith.constant 12500 : i32
    %sub3A_7 = arith.subi %sub3A, %mul3A_6 : i32
    %min3A = arith.constant 392 : i32
    %min3A_8 = arith.minsi %min3A, %sub3A_7 : i32
    %jit3A = arith.constant 4 : i32
    %div3A = arith.divsi %min3A_8, %jit3A : i32
    %sign3A = arith.constant 0 : i32
    %sign3A_9 = arith.cmpi sgt, %min3A_8, %sign3A : i32
    %sign3A_10 = arith.extui %sign3A_9 : i1 to i32
    %sign3A_11 = arith.constant 0 : i32
    %sign3A_12 = arith.cmpi slt, %min3A_8, %sign3A_11 : i32
    %sign3A_13 = arith.extui %sign3A_12 : i1 to i32
    %sign3A_14 = arith.subi %sign3A_10, %sign3A_13 : i32
    %sign3A_15 = arith.constant 0 : i32
    %sign3A_16 = arith.cmpi sgt, %jit3A, %sign3A_15 : i32
    %sign3A_17 = arith.extui %sign3A_16 : i1 to i32
    %sign3A_18 = arith.constant 0 : i32
    %sign3A_19 = arith.cmpi slt, %jit3A, %sign3A_18 : i32
    %sign3A_20 = arith.extui %sign3A_19 : i1 to i32
    %sign3A_21 = arith.subi %sign3A_17, %sign3A_20 : i32
    %ne3A = arith.cmpi ne, %sign3A_14, %sign3A_21 : i32
    %rem3A = arith.remsi %min3A_8, %jit3A : i32
    %ne3A_22 = arith.constant 0 : i32
    %ne3A_23 = arith.cmpi ne, %rem3A, %ne3A_22 : i32
    %and3A = arith.andi %ne3A, %ne3A_23 : i1
    %sub3A_24 = arith.constant 1 : i32
    %sub3A_25 = arith.subi %div3A, %sub3A_24 : i32
    %select_n3A = arith.select %and3A, %sub3A_25, %div3A : i32
    "tpu.region"() ({
      %run_scoped3A = tpu.sem_alloc : memref<!tpu.dma_semaphore, #tpu.memory_space<semaphore_mem>>
      tpu.enqueue_dma source(%arg3 : memref<6256xf32, #tpu.memory_space<hbm>>) target(%arg9 : memref<6256xf32, #tpu.memory_space<vmem>>) target_semaphore(%run_scoped3A : memref<!tpu.dma_semaphore, #tpu.memory_space<semaphore_mem>>)
      tpu.wait_dma2 semaphore(%run_scoped3A : memref<!tpu.dma_semaphore, #tpu.memory_space<semaphore_mem>>) src(%arg3 : memref<6256xf32, #tpu.memory_space<hbm>>) dst(%arg9 : memref<6256xf32, #tpu.memory_space<vmem>>)
      tpu.yield
    }) : () -> ()
    %mul3A_26 = arith.constant 6256 : i32
    %mul3A_27 = arith.muli %arg1, %mul3A_26 : i32
    "tpu.region"() ({
      %run_scoped3A = tpu.sem_alloc : memref<!tpu.dma_semaphore, #tpu.memory_space<semaphore_mem>>
      %dma_start3A_97 = tpu.memref_slice %arg13[%mul3A_27] : memref<100096xf32, #tpu.memory_space<vmem_shared>> -> memref<6256xf32, #tpu.memory_space<vmem_shared>>
      %dma_start3A_98 = tpu.memref_slice %arg13[%mul3A_27] : memref<100096xf32, #tpu.memory_space<vmem_shared>> -> memref<6256xf32, #tpu.memory_space<vmem_shared>>
      tpu.enqueue_dma source(%arg9 : memref<6256xf32, #tpu.memory_space<vmem>>) target(%dma_start3A_98 : memref<6256xf32, #tpu.memory_space<vmem_shared>>) target_semaphore(%run_scoped3A : memref<!tpu.dma_semaphore, #tpu.memory_space<semaphore_mem>>)
      %dma_wait3A = tpu.memref_slice %arg13[%mul3A_27] : memref<100096xf32, #tpu.memory_space<vmem_shared>> -> memref<6256xf32, #tpu.memory_space<vmem_shared>>
      %dma_wait3A_99 = tpu.memref_slice %arg13[%mul3A_27] : memref<100096xf32, #tpu.memory_space<vmem_shared>> -> memref<6256xf32, #tpu.memory_space<vmem_shared>>
      tpu.wait_dma2 semaphore(%run_scoped3A : memref<!tpu.dma_semaphore, #tpu.memory_space<semaphore_mem>>) src(%arg9 : memref<6256xf32, #tpu.memory_space<vmem>>) dst(%dma_wait3A_99 : memref<6256xf32, #tpu.memory_space<vmem_shared>>)
      tpu.yield
    }) : () -> ()
    "tpu.region"() ({
      %run_scoped3A = tpu.sem_alloc : memref<!tpu.dma_semaphore, #tpu.memory_space<semaphore_mem>>
      tpu.enqueue_dma source(%arg4 : memref<256xf32, #tpu.memory_space<hbm>>) target(%arg8 : memref<256xf32, #tpu.memory_space<vmem>>) target_semaphore(%run_scoped3A : memref<!tpu.dma_semaphore, #tpu.memory_space<semaphore_mem>>)
      tpu.wait_dma2 semaphore(%run_scoped3A : memref<!tpu.dma_semaphore, #tpu.memory_space<semaphore_mem>>) src(%arg4 : memref<256xf32, #tpu.memory_space<hbm>>) dst(%arg8 : memref<256xf32, #tpu.memory_space<vmem>>)
      tpu.yield
    }) : () -> ()
    %barrier3A = arith.constant 0 : index
    tpu.barrier barrier_id(%barrier3A)
    %add3A_28 = arith.constant 0 : i32
    %add3A_29 = arith.addi %add3A_4, %add3A_28 : i32
    %dma_start3A = arith.constant 0 : i32
    %dma_start3A_30 = tpu.memref_slice %arg2[%add3A_29, %dma_start3A] : memref<25000x256xi32, #tpu.memory_space<hbm>> -> memref<4x256xi32, #tpu.memory_space<hbm>>
    %dma_start3A_31 = arith.constant 0 : i32
    %dma_start3A_32 = tpu.memref_slice %arg2[%add3A_29, %dma_start3A_31] : memref<25000x256xi32, #tpu.memory_space<hbm>> -> memref<4x256xi32, #tpu.memory_space<hbm>>
    tpu.enqueue_dma source(%dma_start3A_32 : memref<4x256xi32, #tpu.memory_space<hbm>>) target(%arg6 : memref<4x256xi32, #tpu.memory_space<vmem>>) target_semaphore(%arg10 : memref<!tpu.dma_semaphore, #tpu.memory_space<semaphore_mem>>)
    %add3A_33 = arith.constant 4 : i32
    %add3A_34 = arith.addi %add3A_4, %add3A_33 : i32
    %dma_start3A_35 = arith.constant 0 : i32
    %dma_start3A_36 = tpu.memref_slice %arg2[%add3A_34, %dma_start3A_35] : memref<25000x256xi32, #tpu.memory_space<hbm>> -> memref<4x256xi32, #tpu.memory_space<hbm>>
    %dma_start3A_37 = arith.constant 0 : i32
    %dma_start3A_38 = tpu.memref_slice %arg2[%add3A_34, %dma_start3A_37] : memref<25000x256xi32, #tpu.memory_space<hbm>> -> memref<4x256xi32, #tpu.memory_space<hbm>>
    tpu.enqueue_dma source(%dma_start3A_38 : memref<4x256xi32, #tpu.memory_space<hbm>>) target(%arg7 : memref<4x256xi32, #tpu.memory_space<vmem>>) target_semaphore(%arg11 : memref<!tpu.dma_semaphore, #tpu.memory_space<semaphore_mem>>)
    %jit3A_39 = arith.constant 2 : i32
    %div3A_40 = arith.divsi %select_n3A, %jit3A_39 : i32
    %sign3A_41 = arith.constant 0 : i32
    %sign3A_42 = arith.cmpi sgt, %select_n3A, %sign3A_41 : i32
    %sign3A_43 = arith.extui %sign3A_42 : i1 to i32
    %sign3A_44 = arith.constant 0 : i32
    %sign3A_45 = arith.cmpi slt, %select_n3A, %sign3A_44 : i32
    %sign3A_46 = arith.extui %sign3A_45 : i1 to i32
    %sign3A_47 = arith.subi %sign3A_43, %sign3A_46 : i32
    %sign3A_48 = arith.constant 0 : i32
    %sign3A_49 = arith.cmpi sgt, %jit3A_39, %sign3A_48 : i32
    %sign3A_50 = arith.extui %sign3A_49 : i1 to i32
    %sign3A_51 = arith.constant 0 : i32
    %sign3A_52 = arith.cmpi slt, %jit3A_39, %sign3A_51 : i32
    %sign3A_53 = arith.extui %sign3A_52 : i1 to i32
    %sign3A_54 = arith.subi %sign3A_50, %sign3A_53 : i32
    %ne3A_55 = arith.cmpi ne, %sign3A_47, %sign3A_54 : i32
    %rem3A_56 = arith.remsi %select_n3A, %jit3A_39 : i32
    %ne3A_57 = arith.constant 0 : i32
    %ne3A_58 = arith.cmpi ne, %rem3A_56, %ne3A_57 : i32
    %and3A_59 = arith.andi %ne3A_55, %ne3A_58 : i1
    %sub3A_60 = arith.constant 1 : i32
    %sub3A_61 = arith.subi %div3A_40, %sub3A_60 : i32
    %select_n3A_62 = arith.select %and3A_59, %sub3A_61, %div3A_40 : i32
    %while3A = arith.constant 0 : i32
    %while3A_63 = arith.constant 0 : i32
    %while3A_64 = arith.subi %select_n3A_62, %while3A_63 : i32
    %while3A_65 = arith.addi %while3A_63, %while3A_64 : i32
    %while3A_66 = arith.constant 1 : i32
    %while3A_67 = arith.divsi %while3A_64, %while3A_66 : i32
    %while3A_68 = arith.muli %while3A_67, %while3A_66 : i32
    %while3A_69 = arith.addi %while3A_63, %while3A_68 : i32
    %while3A_70 = arith.constant 1 : i32
    scf.for %while3A_97 = %while3A_63 to %while3A_69 step %while3A_70  : i32 {
      %mul3A_98 = arith.constant 2 : i32
      %mul3A_99 = arith.muli %mul3A_98, %while3A_97 : i32
      %dma_wait3A = arith.constant 0 : i32
      %dma_wait3A_100 = arith.constant 0 : i32
      %dma_wait3A_101 = tpu.memref_slice %arg2[%dma_wait3A, %dma_wait3A_100] : memref<25000x256xi32, #tpu.memory_space<hbm>> -> memref<4x256xi32, #tpu.memory_space<hbm>>
      %dma_wait3A_102 = arith.constant 0 : i32
      %dma_wait3A_103 = arith.constant 0 : i32
      %dma_wait3A_104 = tpu.memref_slice %arg2[%dma_wait3A_102, %dma_wait3A_103] : memref<25000x256xi32, #tpu.memory_space<hbm>> -> memref<4x256xi32, #tpu.memory_space<hbm>>
      tpu.wait_dma2 semaphore(%arg10 : memref<!tpu.dma_semaphore, #tpu.memory_space<semaphore_mem>>) src(%dma_wait3A_104 : memref<4x256xi32, #tpu.memory_space<hbm>>) dst(%arg6 : memref<4x256xi32, #tpu.memory_space<vmem>>)
      %dma_start3A_105 = arith.constant 0 : i32
      %dma_start3A_106 = arith.constant 0 : i32
      %dma_start3A_107 = tpu.memref_slice %arg6[%dma_start3A_105, %dma_start3A_106] : memref<4x256xi32, #tpu.memory_space<vmem>> -> memref<1x256xi32, #tpu.memory_space<vmem>>
      %dma_start3A_108 = tpu.memref_squeeze %dma_start3A_107 : memref<1x256xi32, #tpu.memory_space<vmem>> -> memref<256xi32, #tpu.memory_space<vmem>>
      %dma_start3A_109 = arith.constant 0 : i32
      %dma_start3A_110 = tpu.memref_slice %arg13[%dma_start3A_109] : memref<100096xf32, #tpu.memory_space<vmem_shared>> -> memref<100096xf32, #tpu.memory_space<vmem_shared>>
      tpu.enqueue_indirect_dma source(%arg8 : memref<256xf32, #tpu.memory_space<vmem>>) target(%dma_start3A_110 : memref<100096xf32, #tpu.memory_space<vmem_shared>>) offsets(%dma_start3A_108 : memref<256xi32, #tpu.memory_space<vmem>>) semaphore(%arg12 : memref<!tpu.dma_semaphore, #tpu.memory_space<semaphore_mem>>) {add = true}
      %dma_start3A_111 = arith.constant 1 : i32
      %dma_start3A_112 = arith.constant 0 : i32
      %dma_start3A_113 = tpu.memref_slice %arg6[%dma_start3A_111, %dma_start3A_112] : memref<4x256xi32, #tpu.memory_space<vmem>> -> memref<1x256xi32, #tpu.memory_space<vmem>>
      %dma_start3A_114 = tpu.memref_squeeze %dma_start3A_113 : memref<1x256xi32, #tpu.memory_space<vmem>> -> memref<256xi32, #tpu.memory_space<vmem>>
      %dma_start3A_115 = arith.constant 0 : i32
      %dma_start3A_116 = tpu.memref_slice %arg13[%dma_start3A_115] : memref<100096xf32, #tpu.memory_space<vmem_shared>> -> memref<100096xf32, #tpu.memory_space<vmem_shared>>
      tpu.enqueue_indirect_dma source(%arg8 : memref<256xf32, #tpu.memory_space<vmem>>) target(%dma_start3A_116 : memref<100096xf32, #tpu.memory_space<vmem_shared>>) offsets(%dma_start3A_114 : memref<256xi32, #tpu.memory_space<vmem>>) semaphore(%arg12 : memref<!tpu.dma_semaphore, #tpu.memory_space<semaphore_mem>>) {add = true}
      %dma_start3A_117 = arith.constant 2 : i32
      %dma_start3A_118 = arith.constant 0 : i32
      %dma_start3A_119 = tpu.memref_slice %arg6[%dma_start3A_117, %dma_start3A_118] : memref<4x256xi32, #tpu.memory_space<vmem>> -> memref<1x256xi32, #tpu.memory_space<vmem>>
      %dma_start3A_120 = tpu.memref_squeeze %dma_start3A_119 : memref<1x256xi32, #tpu.memory_space<vmem>> -> memref<256xi32, #tpu.memory_space<vmem>>
      %dma_start3A_121 = arith.constant 0 : i32
      %dma_start3A_122 = tpu.memref_slice %arg13[%dma_start3A_121] : memref<100096xf32, #tpu.memory_space<vmem_shared>> -> memref<100096xf32, #tpu.memory_space<vmem_shared>>
      tpu.enqueue_indirect_dma source(%arg8 : memref<256xf32, #tpu.memory_space<vmem>>) target(%dma_start3A_122 : memref<100096xf32, #tpu.memory_space<vmem_shared>>) offsets(%dma_start3A_120 : memref<256xi32, #tpu.memory_space<vmem>>) semaphore(%arg12 : memref<!tpu.dma_semaphore, #tpu.memory_space<semaphore_mem>>) {add = true}
      %dma_start3A_123 = arith.constant 3 : i32
      %dma_start3A_124 = arith.constant 0 : i32
      %dma_start3A_125 = tpu.memref_slice %arg6[%dma_start3A_123, %dma_start3A_124] : memref<4x256xi32, #tpu.memory_space<vmem>> -> memref<1x256xi32, #tpu.memory_space<vmem>>
      %dma_start3A_126 = tpu.memref_squeeze %dma_start3A_125 : memref<1x256xi32, #tpu.memory_space<vmem>> -> memref<256xi32, #tpu.memory_space<vmem>>
      %dma_start3A_127 = arith.constant 0 : i32
      %dma_start3A_128 = tpu.memref_slice %arg13[%dma_start3A_127] : memref<100096xf32, #tpu.memory_space<vmem_shared>> -> memref<100096xf32, #tpu.memory_space<vmem_shared>>
      tpu.enqueue_indirect_dma source(%arg8 : memref<256xf32, #tpu.memory_space<vmem>>) target(%dma_start3A_128 : memref<100096xf32, #tpu.memory_space<vmem_shared>>) offsets(%dma_start3A_126 : memref<256xi32, #tpu.memory_space<vmem>>) semaphore(%arg12 : memref<!tpu.dma_semaphore, #tpu.memory_space<semaphore_mem>>) {add = true}
      %dma_wait3A_129 = arith.constant 0 : i32
      %dma_wait3A_130 = arith.constant 0 : i32
      %dma_wait3A_131 = tpu.memref_slice %arg6[%dma_wait3A_129, %dma_wait3A_130] : memref<4x256xi32, #tpu.memory_space<vmem>> -> memref<1x256xi32, #tpu.memory_space<vmem>>
      %dma_wait3A_132 = tpu.memref_squeeze %dma_wait3A_131 : memref<1x256xi32, #tpu.memory_space<vmem>> -> memref<256xi32, #tpu.memory_space<vmem>>
      %dma_wait3A_133 = arith.constant 0 : i32
      %dma_wait3A_134 = tpu.memref_slice %arg13[%dma_wait3A_133] : memref<100096xf32, #tpu.memory_space<vmem_shared>> -> memref<100096xf32, #tpu.memory_space<vmem_shared>>
      tpu.wait_indirect_dma semaphore(%arg12 : memref<!tpu.dma_semaphore, #tpu.memory_space<semaphore_mem>>) src(%arg8 : memref<256xf32, #tpu.memory_space<vmem>>) dst(%dma_wait3A_134 : memref<100096xf32, #tpu.memory_space<vmem_shared>>)
      %dma_wait3A_135 = arith.constant 1 : i32
      %dma_wait3A_136 = arith.constant 0 : i32
      %dma_wait3A_137 = tpu.memref_slice %arg6[%dma_wait3A_135, %dma_wait3A_136] : memref<4x256xi32, #tpu.memory_space<vmem>> -> memref<1x256xi32, #tpu.memory_space<vmem>>
      %dma_wait3A_138 = tpu.memref_squeeze %dma_wait3A_137 : memref<1x256xi32, #tpu.memory_space<vmem>> -> memref<256xi32, #tpu.memory_space<vmem>>
      %dma_wait3A_139 = arith.constant 0 : i32
      %dma_wait3A_140 = tpu.memref_slice %arg13[%dma_wait3A_139] : memref<100096xf32, #tpu.memory_space<vmem_shared>> -> memref<100096xf32, #tpu.memory_space<vmem_shared>>
      tpu.wait_indirect_dma semaphore(%arg12 : memref<!tpu.dma_semaphore, #tpu.memory_space<semaphore_mem>>) src(%arg8 : memref<256xf32, #tpu.memory_space<vmem>>) dst(%dma_wait3A_140 : memref<100096xf32, #tpu.memory_space<vmem_shared>>)
      %dma_wait3A_141 = arith.constant 2 : i32
      %dma_wait3A_142 = arith.constant 0 : i32
      %dma_wait3A_143 = tpu.memref_slice %arg6[%dma_wait3A_141, %dma_wait3A_142] : memref<4x256xi32, #tpu.memory_space<vmem>> -> memref<1x256xi32, #tpu.memory_space<vmem>>
      %dma_wait3A_144 = tpu.memref_squeeze %dma_wait3A_143 : memref<1x256xi32, #tpu.memory_space<vmem>> -> memref<256xi32, #tpu.memory_space<vmem>>
      %dma_wait3A_145 = arith.constant 0 : i32
      %dma_wait3A_146 = tpu.memref_slice %arg13[%dma_wait3A_145] : memref<100096xf32, #tpu.memory_space<vmem_shared>> -> memref<100096xf32, #tpu.memory_space<vmem_shared>>
      tpu.wait_indirect_dma semaphore(%arg12 : memref<!tpu.dma_semaphore, #tpu.memory_space<semaphore_mem>>) src(%arg8 : memref<256xf32, #tpu.memory_space<vmem>>) dst(%dma_wait3A_146 : memref<100096xf32, #tpu.memory_space<vmem_shared>>)
      %dma_wait3A_147 = arith.constant 3 : i32
      %dma_wait3A_148 = arith.constant 0 : i32
      %dma_wait3A_149 = tpu.memref_slice %arg6[%dma_wait3A_147, %dma_wait3A_148] : memref<4x256xi32, #tpu.memory_space<vmem>> -> memref<1x256xi32, #tpu.memory_space<vmem>>
      %dma_wait3A_150 = tpu.memref_squeeze %dma_wait3A_149 : memref<1x256xi32, #tpu.memory_space<vmem>> -> memref<256xi32, #tpu.memory_space<vmem>>
      %dma_wait3A_151 = arith.constant 0 : i32
      %dma_wait3A_152 = tpu.memref_slice %arg13[%dma_wait3A_151] : memref<100096xf32, #tpu.memory_space<vmem_shared>> -> memref<100096xf32, #tpu.memory_space<vmem_shared>>
      tpu.wait_indirect_dma semaphore(%arg12 : memref<!tpu.dma_semaphore, #tpu.memory_space<semaphore_mem>>) src(%arg8 : memref<256xf32, #tpu.memory_space<vmem>>) dst(%dma_wait3A_152 : memref<100096xf32, #tpu.memory_space<vmem_shared>>)
      %add3A_153 = arith.constant 2 : i32
      %add3A_154 = arith.addi %mul3A_99, %add3A_153 : i32
      %lt3A_155 = arith.cmpi slt, %add3A_154, %select_n3A : i32
      %convert_element_type3A_156 = arith.extui %lt3A_155 : i1 to i32
      %cond3A_157 = arith.constant 0 : i32
      %cond3A_158 = arith.cmpi ne, %convert_element_type3A_156, %cond3A_157 : i32
      scf.if %cond3A_158 {
        %add3A_223 = arith.constant 2 : i32
        %add3A_224 = arith.addi %mul3A_99, %add3A_223 : i32
        %mul3A_225 = arith.constant 4 : i32
        %mul3A_226 = arith.muli %add3A_224, %mul3A_225 : i32
        %add3A_227 = arith.addi %add3A_4, %mul3A_226 : i32
        %dma_start3A_228 = arith.constant 0 : i32
        %dma_start3A_229 = tpu.memref_slice %arg2[%add3A_227, %dma_start3A_228] : memref<25000x256xi32, #tpu.memory_space<hbm>> -> memref<4x256xi32, #tpu.memory_space<hbm>>
        %dma_start3A_230 = arith.constant 0 : i32
        %dma_start3A_231 = tpu.memref_slice %arg2[%add3A_227, %dma_start3A_230] : memref<25000x256xi32, #tpu.memory_space<hbm>> -> memref<4x256xi32, #tpu.memory_space<hbm>>
        tpu.enqueue_dma source(%dma_start3A_231 : memref<4x256xi32, #tpu.memory_space<hbm>>) target(%arg6 : memref<4x256xi32, #tpu.memory_space<vmem>>) target_semaphore(%arg10 : memref<!tpu.dma_semaphore, #tpu.memory_space<semaphore_mem>>)
      } else {
      }
      %mul3A_159 = arith.constant 2 : i32
      %mul3A_160 = arith.muli %mul3A_159, %while3A_97 : i32
      %add3A_161 = arith.constant 1 : i32
      %add3A_162 = arith.addi %mul3A_160, %add3A_161 : i32
      %dma_wait3A_163 = arith.constant 0 : i32
      %dma_wait3A_164 = arith.constant 0 : i32
      %dma_wait3A_165 = tpu.memref_slice %arg2[%dma_wait3A_163, %dma_wait3A_164] : memref<25000x256xi32, #tpu.memory_space<hbm>> -> memref<4x256xi32, #tpu.memory_space<hbm>>
      %dma_wait3A_166 = arith.constant 0 : i32
      %dma_wait3A_167 = arith.constant 0 : i32
      %dma_wait3A_168 = tpu.memref_slice %arg2[%dma_wait3A_166, %dma_wait3A_167] : memref<25000x256xi32, #tpu.memory_space<hbm>> -> memref<4x256xi32, #tpu.memory_space<hbm>>
      tpu.wait_dma2 semaphore(%arg11 : memref<!tpu.dma_semaphore, #tpu.memory_space<semaphore_mem>>) src(%dma_wait3A_168 : memref<4x256xi32, #tpu.memory_space<hbm>>) dst(%arg7 : memref<4x256xi32, #tpu.memory_space<vmem>>)
      %dma_start3A_169 = arith.constant 0 : i32
      %dma_start3A_170 = arith.constant 0 : i32
      %dma_start3A_171 = tpu.memref_slice %arg7[%dma_start3A_169, %dma_start3A_170] : memref<4x256xi32, #tpu.memory_space<vmem>> -> memref<1x256xi32, #tpu.memory_space<vmem>>
      %dma_start3A_172 = tpu.memref_squeeze %dma_start3A_171 : memref<1x256xi32, #tpu.memory_space<vmem>> -> memref<256xi32, #tpu.memory_space<vmem>>
      %dma_start3A_173 = arith.constant 0 : i32
      %dma_start3A_174 = tpu.memref_slice %arg13[%dma_start3A_173] : memref<100096xf32, #tpu.memory_space<vmem_shared>> -> memref<100096xf32, #tpu.memory_space<vmem_shared>>
      tpu.enqueue_indirect_dma source(%arg8 : memref<256xf32, #tpu.memory_space<vmem>>) target(%dma_start3A_174 : memref<100096xf32, #tpu.memory_space<vmem_shared>>) offsets(%dma_start3A_172 : memref<256xi32, #tpu.memory_space<vmem>>) semaphore(%arg12 : memref<!tpu.dma_semaphore, #tpu.memory_space<semaphore_mem>>) {add = true}
      %dma_start3A_175 = arith.constant 1 : i32
      %dma_start3A_176 = arith.constant 0 : i32
      %dma_start3A_177 = tpu.memref_slice %arg7[%dma_start3A_175, %dma_start3A_176] : memref<4x256xi32, #tpu.memory_space<vmem>> -> memref<1x256xi32, #tpu.memory_space<vmem>>
      %dma_start3A_178 = tpu.memref_squeeze %dma_start3A_177 : memref<1x256xi32, #tpu.memory_space<vmem>> -> memref<256xi32, #tpu.memory_space<vmem>>
      %dma_start3A_179 = arith.constant 0 : i32
      %dma_start3A_180 = tpu.memref_slice %arg13[%dma_start3A_179] : memref<100096xf32, #tpu.memory_space<vmem_shared>> -> memref<100096xf32, #tpu.memory_space<vmem_shared>>
      tpu.enqueue_indirect_dma source(%arg8 : memref<256xf32, #tpu.memory_space<vmem>>) target(%dma_start3A_180 : memref<100096xf32, #tpu.memory_space<vmem_shared>>) offsets(%dma_start3A_178 : memref<256xi32, #tpu.memory_space<vmem>>) semaphore(%arg12 : memref<!tpu.dma_semaphore, #tpu.memory_space<semaphore_mem>>) {add = true}
      %dma_start3A_181 = arith.constant 2 : i32
      %dma_start3A_182 = arith.constant 0 : i32
      %dma_start3A_183 = tpu.memref_slice %arg7[%dma_start3A_181, %dma_start3A_182] : memref<4x256xi32, #tpu.memory_space<vmem>> -> memref<1x256xi32, #tpu.memory_space<vmem>>
      %dma_start3A_184 = tpu.memref_squeeze %dma_start3A_183 : memref<1x256xi32, #tpu.memory_space<vmem>> -> memref<256xi32, #tpu.memory_space<vmem>>
      %dma_start3A_185 = arith.constant 0 : i32
      %dma_start3A_186 = tpu.memref_slice %arg13[%dma_start3A_185] : memref<100096xf32, #tpu.memory_space<vmem_shared>> -> memref<100096xf32, #tpu.memory_space<vmem_shared>>
      tpu.enqueue_indirect_dma source(%arg8 : memref<256xf32, #tpu.memory_space<vmem>>) target(%dma_start3A_186 : memref<100096xf32, #tpu.memory_space<vmem_shared>>) offsets(%dma_start3A_184 : memref<256xi32, #tpu.memory_space<vmem>>) semaphore(%arg12 : memref<!tpu.dma_semaphore, #tpu.memory_space<semaphore_mem>>) {add = true}
      %dma_start3A_187 = arith.constant 3 : i32
      %dma_start3A_188 = arith.constant 0 : i32
      %dma_start3A_189 = tpu.memref_slice %arg7[%dma_start3A_187, %dma_start3A_188] : memref<4x256xi32, #tpu.memory_space<vmem>> -> memref<1x256xi32, #tpu.memory_space<vmem>>
      %dma_start3A_190 = tpu.memref_squeeze %dma_start3A_189 : memref<1x256xi32, #tpu.memory_space<vmem>> -> memref<256xi32, #tpu.memory_space<vmem>>
      %dma_start3A_191 = arith.constant 0 : i32
      %dma_start3A_192 = tpu.memref_slice %arg13[%dma_start3A_191] : memref<100096xf32, #tpu.memory_space<vmem_shared>> -> memref<100096xf32, #tpu.memory_space<vmem_shared>>
      tpu.enqueue_indirect_dma source(%arg8 : memref<256xf32, #tpu.memory_space<vmem>>) target(%dma_start3A_192 : memref<100096xf32, #tpu.memory_space<vmem_shared>>) offsets(%dma_start3A_190 : memref<256xi32, #tpu.memory_space<vmem>>) semaphore(%arg12 : memref<!tpu.dma_semaphore, #tpu.memory_space<semaphore_mem>>) {add = true}
      %dma_wait3A_193 = arith.constant 0 : i32
      %dma_wait3A_194 = arith.constant 0 : i32
      %dma_wait3A_195 = tpu.memref_slice %arg7[%dma_wait3A_193, %dma_wait3A_194] : memref<4x256xi32, #tpu.memory_space<vmem>> -> memref<1x256xi32, #tpu.memory_space<vmem>>
      %dma_wait3A_196 = tpu.memref_squeeze %dma_wait3A_195 : memref<1x256xi32, #tpu.memory_space<vmem>> -> memref<256xi32, #tpu.memory_space<vmem>>
      %dma_wait3A_197 = arith.constant 0 : i32
      %dma_wait3A_198 = tpu.memref_slice %arg13[%dma_wait3A_197] : memref<100096xf32, #tpu.memory_space<vmem_shared>> -> memref<100096xf32, #tpu.memory_space<vmem_shared>>
      tpu.wait_indirect_dma semaphore(%arg12 : memref<!tpu.dma_semaphore, #tpu.memory_space<semaphore_mem>>) src(%arg8 : memref<256xf32, #tpu.memory_space<vmem>>) dst(%dma_wait3A_198 : memref<100096xf32, #tpu.memory_space<vmem_shared>>)
      %dma_wait3A_199 = arith.constant 1 : i32
      %dma_wait3A_200 = arith.constant 0 : i32
      %dma_wait3A_201 = tpu.memref_slice %arg7[%dma_wait3A_199, %dma_wait3A_200] : memref<4x256xi32, #tpu.memory_space<vmem>> -> memref<1x256xi32, #tpu.memory_space<vmem>>
      %dma_wait3A_202 = tpu.memref_squeeze %dma_wait3A_201 : memref<1x256xi32, #tpu.memory_space<vmem>> -> memref<256xi32, #tpu.memory_space<vmem>>
      %dma_wait3A_203 = arith.constant 0 : i32
      %dma_wait3A_204 = tpu.memref_slice %arg13[%dma_wait3A_203] : memref<100096xf32, #tpu.memory_space<vmem_shared>> -> memref<100096xf32, #tpu.memory_space<vmem_shared>>
      tpu.wait_indirect_dma semaphore(%arg12 : memref<!tpu.dma_semaphore, #tpu.memory_space<semaphore_mem>>) src(%arg8 : memref<256xf32, #tpu.memory_space<vmem>>) dst(%dma_wait3A_204 : memref<100096xf32, #tpu.memory_space<vmem_shared>>)
      %dma_wait3A_205 = arith.constant 2 : i32
      %dma_wait3A_206 = arith.constant 0 : i32
      %dma_wait3A_207 = tpu.memref_slice %arg7[%dma_wait3A_205, %dma_wait3A_206] : memref<4x256xi32, #tpu.memory_space<vmem>> -> memref<1x256xi32, #tpu.memory_space<vmem>>
      %dma_wait3A_208 = tpu.memref_squeeze %dma_wait3A_207 : memref<1x256xi32, #tpu.memory_space<vmem>> -> memref<256xi32, #tpu.memory_space<vmem>>
      %dma_wait3A_209 = arith.constant 0 : i32
      %dma_wait3A_210 = tpu.memref_slice %arg13[%dma_wait3A_209] : memref<100096xf32, #tpu.memory_space<vmem_shared>> -> memref<100096xf32, #tpu.memory_space<vmem_shared>>
      tpu.wait_indirect_dma semaphore(%arg12 : memref<!tpu.dma_semaphore, #tpu.memory_space<semaphore_mem>>) src(%arg8 : memref<256xf32, #tpu.memory_space<vmem>>) dst(%dma_wait3A_210 : memref<100096xf32, #tpu.memory_space<vmem_shared>>)
      %dma_wait3A_211 = arith.constant 3 : i32
      %dma_wait3A_212 = arith.constant 0 : i32
      %dma_wait3A_213 = tpu.memref_slice %arg7[%dma_wait3A_211, %dma_wait3A_212] : memref<4x256xi32, #tpu.memory_space<vmem>> -> memref<1x256xi32, #tpu.memory_space<vmem>>
      %dma_wait3A_214 = tpu.memref_squeeze %dma_wait3A_213 : memref<1x256xi32, #tpu.memory_space<vmem>> -> memref<256xi32, #tpu.memory_space<vmem>>
      %dma_wait3A_215 = arith.constant 0 : i32
      %dma_wait3A_216 = tpu.memref_slice %arg13[%dma_wait3A_215] : memref<100096xf32, #tpu.memory_space<vmem_shared>> -> memref<100096xf32, #tpu.memory_space<vmem_shared>>
      tpu.wait_indirect_dma semaphore(%arg12 : memref<!tpu.dma_semaphore, #tpu.memory_space<semaphore_mem>>) src(%arg8 : memref<256xf32, #tpu.memory_space<vmem>>) dst(%dma_wait3A_216 : memref<100096xf32, #tpu.memory_space<vmem_shared>>)
      %add3A_217 = arith.constant 2 : i32
      %add3A_218 = arith.addi %add3A_162, %add3A_217 : i32
      %lt3A_219 = arith.cmpi slt, %add3A_218, %select_n3A : i32
      %convert_element_type3A_220 = arith.extui %lt3A_219 : i1 to i32
      %cond3A_221 = arith.constant 0 : i32
      %cond3A_222 = arith.cmpi ne, %convert_element_type3A_220, %cond3A_221 : i32
      scf.if %cond3A_222 {
        %add3A_223 = arith.constant 2 : i32
        %add3A_224 = arith.addi %add3A_162, %add3A_223 : i32
        %mul3A_225 = arith.constant 4 : i32
        %mul3A_226 = arith.muli %add3A_224, %mul3A_225 : i32
        %add3A_227 = arith.addi %add3A_4, %mul3A_226 : i32
        %dma_start3A_228 = arith.constant 0 : i32
        %dma_start3A_229 = tpu.memref_slice %arg2[%add3A_227, %dma_start3A_228] : memref<25000x256xi32, #tpu.memory_space<hbm>> -> memref<4x256xi32, #tpu.memory_space<hbm>>
        %dma_start3A_230 = arith.constant 0 : i32
        %dma_start3A_231 = tpu.memref_slice %arg2[%add3A_227, %dma_start3A_230] : memref<25000x256xi32, #tpu.memory_space<hbm>> -> memref<4x256xi32, #tpu.memory_space<hbm>>
        tpu.enqueue_dma source(%dma_start3A_231 : memref<4x256xi32, #tpu.memory_space<hbm>>) target(%arg7 : memref<4x256xi32, #tpu.memory_space<vmem>>) target_semaphore(%arg11 : memref<!tpu.dma_semaphore, #tpu.memory_space<semaphore_mem>>)
      } else {
      }
    }
    %while3A_71 = arith.constant 1 : i32
    scf.for %while3A_97 = %while3A_69 to %while3A_65 step %while3A_71  : i32 {
      %mul3A_98 = arith.constant 2 : i32
      %mul3A_99 = arith.muli %mul3A_98, %while3A_97 : i32
      %dma_wait3A = arith.constant 0 : i32
      %dma_wait3A_100 = arith.constant 0 : i32
      %dma_wait3A_101 = tpu.memref_slice %arg2[%dma_wait3A, %dma_wait3A_100] : memref<25000x256xi32, #tpu.memory_space<hbm>> -> memref<4x256xi32, #tpu.memory_space<hbm>>
      %dma_wait3A_102 = arith.constant 0 : i32
      %dma_wait3A_103 = arith.constant 0 : i32
      %dma_wait3A_104 = tpu.memref_slice %arg2[%dma_wait3A_102, %dma_wait3A_103] : memref<25000x256xi32, #tpu.memory_space<hbm>> -> memref<4x256xi32, #tpu.memory_space<hbm>>
      tpu.wait_dma2 semaphore(%arg10 : memref<!tpu.dma_semaphore, #tpu.memory_space<semaphore_mem>>) src(%dma_wait3A_104 : memref<4x256xi32, #tpu.memory_space<hbm>>) dst(%arg6 : memref<4x256xi32, #tpu.memory_space<vmem>>)
      %dma_start3A_105 = arith.constant 0 : i32
      %dma_start3A_106 = arith.constant 0 : i32
      %dma_start3A_107 = tpu.memref_slice %arg6[%dma_start3A_105, %dma_start3A_106] : memref<4x256xi32, #tpu.memory_space<vmem>> -> memref<1x256xi32, #tpu.memory_space<vmem>>
      %dma_start3A_108 = tpu.memref_squeeze %dma_start3A_107 : memref<1x256xi32, #tpu.memory_space<vmem>> -> memref<256xi32, #tpu.memory_space<vmem>>
      %dma_start3A_109 = arith.constant 0 : i32
      %dma_start3A_110 = tpu.memref_slice %arg13[%dma_start3A_109] : memref<100096xf32, #tpu.memory_space<vmem_shared>> -> memref<100096xf32, #tpu.memory_space<vmem_shared>>
      tpu.enqueue_indirect_dma source(%arg8 : memref<256xf32, #tpu.memory_space<vmem>>) target(%dma_start3A_110 : memref<100096xf32, #tpu.memory_space<vmem_shared>>) offsets(%dma_start3A_108 : memref<256xi32, #tpu.memory_space<vmem>>) semaphore(%arg12 : memref<!tpu.dma_semaphore, #tpu.memory_space<semaphore_mem>>) {add = true}
      %dma_start3A_111 = arith.constant 1 : i32
      %dma_start3A_112 = arith.constant 0 : i32
      %dma_start3A_113 = tpu.memref_slice %arg6[%dma_start3A_111, %dma_start3A_112] : memref<4x256xi32, #tpu.memory_space<vmem>> -> memref<1x256xi32, #tpu.memory_space<vmem>>
      %dma_start3A_114 = tpu.memref_squeeze %dma_start3A_113 : memref<1x256xi32, #tpu.memory_space<vmem>> -> memref<256xi32, #tpu.memory_space<vmem>>
      %dma_start3A_115 = arith.constant 0 : i32
      %dma_start3A_116 = tpu.memref_slice %arg13[%dma_start3A_115] : memref<100096xf32, #tpu.memory_space<vmem_shared>> -> memref<100096xf32, #tpu.memory_space<vmem_shared>>
      tpu.enqueue_indirect_dma source(%arg8 : memref<256xf32, #tpu.memory_space<vmem>>) target(%dma_start3A_116 : memref<100096xf32, #tpu.memory_space<vmem_shared>>) offsets(%dma_start3A_114 : memref<256xi32, #tpu.memory_space<vmem>>) semaphore(%arg12 : memref<!tpu.dma_semaphore, #tpu.memory_space<semaphore_mem>>) {add = true}
      %dma_start3A_117 = arith.constant 2 : i32
      %dma_start3A_118 = arith.constant 0 : i32
      %dma_start3A_119 = tpu.memref_slice %arg6[%dma_start3A_117, %dma_start3A_118] : memref<4x256xi32, #tpu.memory_space<vmem>> -> memref<1x256xi32, #tpu.memory_space<vmem>>
      %dma_start3A_120 = tpu.memref_squeeze %dma_start3A_119 : memref<1x256xi32, #tpu.memory_space<vmem>> -> memref<256xi32, #tpu.memory_space<vmem>>
      %dma_start3A_121 = arith.constant 0 : i32
      %dma_start3A_122 = tpu.memref_slice %arg13[%dma_start3A_121] : memref<100096xf32, #tpu.memory_space<vmem_shared>> -> memref<100096xf32, #tpu.memory_space<vmem_shared>>
      tpu.enqueue_indirect_dma source(%arg8 : memref<256xf32, #tpu.memory_space<vmem>>) target(%dma_start3A_122 : memref<100096xf32, #tpu.memory_space<vmem_shared>>) offsets(%dma_start3A_120 : memref<256xi32, #tpu.memory_space<vmem>>) semaphore(%arg12 : memref<!tpu.dma_semaphore, #tpu.memory_space<semaphore_mem>>) {add = true}
      %dma_start3A_123 = arith.constant 3 : i32
      %dma_start3A_124 = arith.constant 0 : i32
      %dma_start3A_125 = tpu.memref_slice %arg6[%dma_start3A_123, %dma_start3A_124] : memref<4x256xi32, #tpu.memory_space<vmem>> -> memref<1x256xi32, #tpu.memory_space<vmem>>
      %dma_start3A_126 = tpu.memref_squeeze %dma_start3A_125 : memref<1x256xi32, #tpu.memory_space<vmem>> -> memref<256xi32, #tpu.memory_space<vmem>>
      %dma_start3A_127 = arith.constant 0 : i32
      %dma_start3A_128 = tpu.memref_slice %arg13[%dma_start3A_127] : memref<100096xf32, #tpu.memory_space<vmem_shared>> -> memref<100096xf32, #tpu.memory_space<vmem_shared>>
      tpu.enqueue_indirect_dma source(%arg8 : memref<256xf32, #tpu.memory_space<vmem>>) target(%dma_start3A_128 : memref<100096xf32, #tpu.memory_space<vmem_shared>>) offsets(%dma_start3A_126 : memref<256xi32, #tpu.memory_space<vmem>>) semaphore(%arg12 : memref<!tpu.dma_semaphore, #tpu.memory_space<semaphore_mem>>) {add = true}
      %dma_wait3A_129 = arith.constant 0 : i32
      %dma_wait3A_130 = arith.constant 0 : i32
      %dma_wait3A_131 = tpu.memref_slice %arg6[%dma_wait3A_129, %dma_wait3A_130] : memref<4x256xi32, #tpu.memory_space<vmem>> -> memref<1x256xi32, #tpu.memory_space<vmem>>
      %dma_wait3A_132 = tpu.memref_squeeze %dma_wait3A_131 : memref<1x256xi32, #tpu.memory_space<vmem>> -> memref<256xi32, #tpu.memory_space<vmem>>
      %dma_wait3A_133 = arith.constant 0 : i32
      %dma_wait3A_134 = tpu.memref_slice %arg13[%dma_wait3A_133] : memref<100096xf32, #tpu.memory_space<vmem_shared>> -> memref<100096xf32, #tpu.memory_space<vmem_shared>>
      tpu.wait_indirect_dma semaphore(%arg12 : memref<!tpu.dma_semaphore, #tpu.memory_space<semaphore_mem>>) src(%arg8 : memref<256xf32, #tpu.memory_space<vmem>>) dst(%dma_wait3A_134 : memref<100096xf32, #tpu.memory_space<vmem_shared>>)
      %dma_wait3A_135 = arith.constant 1 : i32
      %dma_wait3A_136 = arith.constant 0 : i32
      %dma_wait3A_137 = tpu.memref_slice %arg6[%dma_wait3A_135, %dma_wait3A_136] : memref<4x256xi32, #tpu.memory_space<vmem>> -> memref<1x256xi32, #tpu.memory_space<vmem>>
      %dma_wait3A_138 = tpu.memref_squeeze %dma_wait3A_137 : memref<1x256xi32, #tpu.memory_space<vmem>> -> memref<256xi32, #tpu.memory_space<vmem>>
      %dma_wait3A_139 = arith.constant 0 : i32
      %dma_wait3A_140 = tpu.memref_slice %arg13[%dma_wait3A_139] : memref<100096xf32, #tpu.memory_space<vmem_shared>> -> memref<100096xf32, #tpu.memory_space<vmem_shared>>
      tpu.wait_indirect_dma semaphore(%arg12 : memref<!tpu.dma_semaphore, #tpu.memory_space<semaphore_mem>>) src(%arg8 : memref<256xf32, #tpu.memory_space<vmem>>) dst(%dma_wait3A_140 : memref<100096xf32, #tpu.memory_space<vmem_shared>>)
      %dma_wait3A_141 = arith.constant 2 : i32
      %dma_wait3A_142 = arith.constant 0 : i32
      %dma_wait3A_143 = tpu.memref_slice %arg6[%dma_wait3A_141, %dma_wait3A_142] : memref<4x256xi32, #tpu.memory_space<vmem>> -> memref<1x256xi32, #tpu.memory_space<vmem>>
      %dma_wait3A_144 = tpu.memref_squeeze %dma_wait3A_143 : memref<1x256xi32, #tpu.memory_space<vmem>> -> memref<256xi32, #tpu.memory_space<vmem>>
      %dma_wait3A_145 = arith.constant 0 : i32
      %dma_wait3A_146 = tpu.memref_slice %arg13[%dma_wait3A_145] : memref<100096xf32, #tpu.memory_space<vmem_shared>> -> memref<100096xf32, #tpu.memory_space<vmem_shared>>
      tpu.wait_indirect_dma semaphore(%arg12 : memref<!tpu.dma_semaphore, #tpu.memory_space<semaphore_mem>>) src(%arg8 : memref<256xf32, #tpu.memory_space<vmem>>) dst(%dma_wait3A_146 : memref<100096xf32, #tpu.memory_space<vmem_shared>>)
      %dma_wait3A_147 = arith.constant 3 : i32
      %dma_wait3A_148 = arith.constant 0 : i32
      %dma_wait3A_149 = tpu.memref_slice %arg6[%dma_wait3A_147, %dma_wait3A_148] : memref<4x256xi32, #tpu.memory_space<vmem>> -> memref<1x256xi32, #tpu.memory_space<vmem>>
      %dma_wait3A_150 = tpu.memref_squeeze %dma_wait3A_149 : memref<1x256xi32, #tpu.memory_space<vmem>> -> memref<256xi32, #tpu.memory_space<vmem>>
      %dma_wait3A_151 = arith.constant 0 : i32
      %dma_wait3A_152 = tpu.memref_slice %arg13[%dma_wait3A_151] : memref<100096xf32, #tpu.memory_space<vmem_shared>> -> memref<100096xf32, #tpu.memory_space<vmem_shared>>
      tpu.wait_indirect_dma semaphore(%arg12 : memref<!tpu.dma_semaphore, #tpu.memory_space<semaphore_mem>>) src(%arg8 : memref<256xf32, #tpu.memory_space<vmem>>) dst(%dma_wait3A_152 : memref<100096xf32, #tpu.memory_space<vmem_shared>>)
      %add3A_153 = arith.constant 2 : i32
      %add3A_154 = arith.addi %mul3A_99, %add3A_153 : i32
      %lt3A_155 = arith.cmpi slt, %add3A_154, %select_n3A : i32
      %convert_element_type3A_156 = arith.extui %lt3A_155 : i1 to i32
      %cond3A_157 = arith.constant 0 : i32
      %cond3A_158 = arith.cmpi ne, %convert_element_type3A_156, %cond3A_157 : i32
      scf.if %cond3A_158 {
        %add3A_223 = arith.constant 2 : i32
        %add3A_224 = arith.addi %mul3A_99, %add3A_223 : i32
        %mul3A_225 = arith.constant 4 : i32
        %mul3A_226 = arith.muli %add3A_224, %mul3A_225 : i32
        %add3A_227 = arith.addi %add3A_4, %mul3A_226 : i32
        %dma_start3A_228 = arith.constant 0 : i32
        %dma_start3A_229 = tpu.memref_slice %arg2[%add3A_227, %dma_start3A_228] : memref<25000x256xi32, #tpu.memory_space<hbm>> -> memref<4x256xi32, #tpu.memory_space<hbm>>
        %dma_start3A_230 = arith.constant 0 : i32
        %dma_start3A_231 = tpu.memref_slice %arg2[%add3A_227, %dma_start3A_230] : memref<25000x256xi32, #tpu.memory_space<hbm>> -> memref<4x256xi32, #tpu.memory_space<hbm>>
        tpu.enqueue_dma source(%dma_start3A_231 : memref<4x256xi32, #tpu.memory_space<hbm>>) target(%arg6 : memref<4x256xi32, #tpu.memory_space<vmem>>) target_semaphore(%arg10 : memref<!tpu.dma_semaphore, #tpu.memory_space<semaphore_mem>>)
      } else {
      }
      %mul3A_159 = arith.constant 2 : i32
      %mul3A_160 = arith.muli %mul3A_159, %while3A_97 : i32
      %add3A_161 = arith.constant 1 : i32
      %add3A_162 = arith.addi %mul3A_160, %add3A_161 : i32
      %dma_wait3A_163 = arith.constant 0 : i32
      %dma_wait3A_164 = arith.constant 0 : i32
      %dma_wait3A_165 = tpu.memref_slice %arg2[%dma_wait3A_163, %dma_wait3A_164] : memref<25000x256xi32, #tpu.memory_space<hbm>> -> memref<4x256xi32, #tpu.memory_space<hbm>>
      %dma_wait3A_166 = arith.constant 0 : i32
      %dma_wait3A_167 = arith.constant 0 : i32
      %dma_wait3A_168 = tpu.memref_slice %arg2[%dma_wait3A_166, %dma_wait3A_167] : memref<25000x256xi32, #tpu.memory_space<hbm>> -> memref<4x256xi32, #tpu.memory_space<hbm>>
      tpu.wait_dma2 semaphore(%arg11 : memref<!tpu.dma_semaphore, #tpu.memory_space<semaphore_mem>>) src(%dma_wait3A_168 : memref<4x256xi32, #tpu.memory_space<hbm>>) dst(%arg7 : memref<4x256xi32, #tpu.memory_space<vmem>>)
      %dma_start3A_169 = arith.constant 0 : i32
      %dma_start3A_170 = arith.constant 0 : i32
      %dma_start3A_171 = tpu.memref_slice %arg7[%dma_start3A_169, %dma_start3A_170] : memref<4x256xi32, #tpu.memory_space<vmem>> -> memref<1x256xi32, #tpu.memory_space<vmem>>
      %dma_start3A_172 = tpu.memref_squeeze %dma_start3A_171 : memref<1x256xi32, #tpu.memory_space<vmem>> -> memref<256xi32, #tpu.memory_space<vmem>>
      %dma_start3A_173 = arith.constant 0 : i32
      %dma_start3A_174 = tpu.memref_slice %arg13[%dma_start3A_173] : memref<100096xf32, #tpu.memory_space<vmem_shared>> -> memref<100096xf32, #tpu.memory_space<vmem_shared>>
      tpu.enqueue_indirect_dma source(%arg8 : memref<256xf32, #tpu.memory_space<vmem>>) target(%dma_start3A_174 : memref<100096xf32, #tpu.memory_space<vmem_shared>>) offsets(%dma_start3A_172 : memref<256xi32, #tpu.memory_space<vmem>>) semaphore(%arg12 : memref<!tpu.dma_semaphore, #tpu.memory_space<semaphore_mem>>) {add = true}
      %dma_start3A_175 = arith.constant 1 : i32
      %dma_start3A_176 = arith.constant 0 : i32
      %dma_start3A_177 = tpu.memref_slice %arg7[%dma_start3A_175, %dma_start3A_176] : memref<4x256xi32, #tpu.memory_space<vmem>> -> memref<1x256xi32, #tpu.memory_space<vmem>>
      %dma_start3A_178 = tpu.memref_squeeze %dma_start3A_177 : memref<1x256xi32, #tpu.memory_space<vmem>> -> memref<256xi32, #tpu.memory_space<vmem>>
      %dma_start3A_179 = arith.constant 0 : i32
      %dma_start3A_180 = tpu.memref_slice %arg13[%dma_start3A_179] : memref<100096xf32, #tpu.memory_space<vmem_shared>> -> memref<100096xf32, #tpu.memory_space<vmem_shared>>
      tpu.enqueue_indirect_dma source(%arg8 : memref<256xf32, #tpu.memory_space<vmem>>) target(%dma_start3A_180 : memref<100096xf32, #tpu.memory_space<vmem_shared>>) offsets(%dma_start3A_178 : memref<256xi32, #tpu.memory_space<vmem>>) semaphore(%arg12 : memref<!tpu.dma_semaphore, #tpu.memory_space<semaphore_mem>>) {add = true}
      %dma_start3A_181 = arith.constant 2 : i32
      %dma_start3A_182 = arith.constant 0 : i32
      %dma_start3A_183 = tpu.memref_slice %arg7[%dma_start3A_181, %dma_start3A_182] : memref<4x256xi32, #tpu.memory_space<vmem>> -> memref<1x256xi32, #tpu.memory_space<vmem>>
      %dma_start3A_184 = tpu.memref_squeeze %dma_start3A_183 : memref<1x256xi32, #tpu.memory_space<vmem>> -> memref<256xi32, #tpu.memory_space<vmem>>
      %dma_start3A_185 = arith.constant 0 : i32
      %dma_start3A_186 = tpu.memref_slice %arg13[%dma_start3A_185] : memref<100096xf32, #tpu.memory_space<vmem_shared>> -> memref<100096xf32, #tpu.memory_space<vmem_shared>>
      tpu.enqueue_indirect_dma source(%arg8 : memref<256xf32, #tpu.memory_space<vmem>>) target(%dma_start3A_186 : memref<100096xf32, #tpu.memory_space<vmem_shared>>) offsets(%dma_start3A_184 : memref<256xi32, #tpu.memory_space<vmem>>) semaphore(%arg12 : memref<!tpu.dma_semaphore, #tpu.memory_space<semaphore_mem>>) {add = true}
      %dma_start3A_187 = arith.constant 3 : i32
      %dma_start3A_188 = arith.constant 0 : i32
      %dma_start3A_189 = tpu.memref_slice %arg7[%dma_start3A_187, %dma_start3A_188] : memref<4x256xi32, #tpu.memory_space<vmem>> -> memref<1x256xi32, #tpu.memory_space<vmem>>
      %dma_start3A_190 = tpu.memref_squeeze %dma_start3A_189 : memref<1x256xi32, #tpu.memory_space<vmem>> -> memref<256xi32, #tpu.memory_space<vmem>>
      %dma_start3A_191 = arith.constant 0 : i32
      %dma_start3A_192 = tpu.memref_slice %arg13[%dma_start3A_191] : memref<100096xf32, #tpu.memory_space<vmem_shared>> -> memref<100096xf32, #tpu.memory_space<vmem_shared>>
      tpu.enqueue_indirect_dma source(%arg8 : memref<256xf32, #tpu.memory_space<vmem>>) target(%dma_start3A_192 : memref<100096xf32, #tpu.memory_space<vmem_shared>>) offsets(%dma_start3A_190 : memref<256xi32, #tpu.memory_space<vmem>>) semaphore(%arg12 : memref<!tpu.dma_semaphore, #tpu.memory_space<semaphore_mem>>) {add = true}
      %dma_wait3A_193 = arith.constant 0 : i32
      %dma_wait3A_194 = arith.constant 0 : i32
      %dma_wait3A_195 = tpu.memref_slice %arg7[%dma_wait3A_193, %dma_wait3A_194] : memref<4x256xi32, #tpu.memory_space<vmem>> -> memref<1x256xi32, #tpu.memory_space<vmem>>
      %dma_wait3A_196 = tpu.memref_squeeze %dma_wait3A_195 : memref<1x256xi32, #tpu.memory_space<vmem>> -> memref<256xi32, #tpu.memory_space<vmem>>
      %dma_wait3A_197 = arith.constant 0 : i32
      %dma_wait3A_198 = tpu.memref_slice %arg13[%dma_wait3A_197] : memref<100096xf32, #tpu.memory_space<vmem_shared>> -> memref<100096xf32, #tpu.memory_space<vmem_shared>>
      tpu.wait_indirect_dma semaphore(%arg12 : memref<!tpu.dma_semaphore, #tpu.memory_space<semaphore_mem>>) src(%arg8 : memref<256xf32, #tpu.memory_space<vmem>>) dst(%dma_wait3A_198 : memref<100096xf32, #tpu.memory_space<vmem_shared>>)
      %dma_wait3A_199 = arith.constant 1 : i32
      %dma_wait3A_200 = arith.constant 0 : i32
      %dma_wait3A_201 = tpu.memref_slice %arg7[%dma_wait3A_199, %dma_wait3A_200] : memref<4x256xi32, #tpu.memory_space<vmem>> -> memref<1x256xi32, #tpu.memory_space<vmem>>
      %dma_wait3A_202 = tpu.memref_squeeze %dma_wait3A_201 : memref<1x256xi32, #tpu.memory_space<vmem>> -> memref<256xi32, #tpu.memory_space<vmem>>
      %dma_wait3A_203 = arith.constant 0 : i32
      %dma_wait3A_204 = tpu.memref_slice %arg13[%dma_wait3A_203] : memref<100096xf32, #tpu.memory_space<vmem_shared>> -> memref<100096xf32, #tpu.memory_space<vmem_shared>>
      tpu.wait_indirect_dma semaphore(%arg12 : memref<!tpu.dma_semaphore, #tpu.memory_space<semaphore_mem>>) src(%arg8 : memref<256xf32, #tpu.memory_space<vmem>>) dst(%dma_wait3A_204 : memref<100096xf32, #tpu.memory_space<vmem_shared>>)
      %dma_wait3A_205 = arith.constant 2 : i32
      %dma_wait3A_206 = arith.constant 0 : i32
      %dma_wait3A_207 = tpu.memref_slice %arg7[%dma_wait3A_205, %dma_wait3A_206] : memref<4x256xi32, #tpu.memory_space<vmem>> -> memref<1x256xi32, #tpu.memory_space<vmem>>
      %dma_wait3A_208 = tpu.memref_squeeze %dma_wait3A_207 : memref<1x256xi32, #tpu.memory_space<vmem>> -> memref<256xi32, #tpu.memory_space<vmem>>
      %dma_wait3A_209 = arith.constant 0 : i32
      %dma_wait3A_210 = tpu.memref_slice %arg13[%dma_wait3A_209] : memref<100096xf32, #tpu.memory_space<vmem_shared>> -> memref<100096xf32, #tpu.memory_space<vmem_shared>>
      tpu.wait_indirect_dma semaphore(%arg12 : memref<!tpu.dma_semaphore, #tpu.memory_space<semaphore_mem>>) src(%arg8 : memref<256xf32, #tpu.memory_space<vmem>>) dst(%dma_wait3A_210 : memref<100096xf32, #tpu.memory_space<vmem_shared>>)
      %dma_wait3A_211 = arith.constant 3 : i32
      %dma_wait3A_212 = arith.constant 0 : i32
      %dma_wait3A_213 = tpu.memref_slice %arg7[%dma_wait3A_211, %dma_wait3A_212] : memref<4x256xi32, #tpu.memory_space<vmem>> -> memref<1x256xi32, #tpu.memory_space<vmem>>
      %dma_wait3A_214 = tpu.memref_squeeze %dma_wait3A_213 : memref<1x256xi32, #tpu.memory_space<vmem>> -> memref<256xi32, #tpu.memory_space<vmem>>
      %dma_wait3A_215 = arith.constant 0 : i32
      %dma_wait3A_216 = tpu.memref_slice %arg13[%dma_wait3A_215] : memref<100096xf32, #tpu.memory_space<vmem_shared>> -> memref<100096xf32, #tpu.memory_space<vmem_shared>>
      tpu.wait_indirect_dma semaphore(%arg12 : memref<!tpu.dma_semaphore, #tpu.memory_space<semaphore_mem>>) src(%arg8 : memref<256xf32, #tpu.memory_space<vmem>>) dst(%dma_wait3A_216 : memref<100096xf32, #tpu.memory_space<vmem_shared>>)
      %add3A_217 = arith.constant 2 : i32
      %add3A_218 = arith.addi %add3A_162, %add3A_217 : i32
      %lt3A_219 = arith.cmpi slt, %add3A_218, %select_n3A : i32
      %convert_element_type3A_220 = arith.extui %lt3A_219 : i1 to i32
      %cond3A_221 = arith.constant 0 : i32
      %cond3A_222 = arith.cmpi ne, %convert_element_type3A_220, %cond3A_221 : i32
      scf.if %cond3A_222 {
        %add3A_223 = arith.constant 2 : i32
        %add3A_224 = arith.addi %add3A_162, %add3A_223 : i32
        %mul3A_225 = arith.constant 4 : i32
        %mul3A_226 = arith.muli %add3A_224, %mul3A_225 : i32
        %add3A_227 = arith.addi %add3A_4, %mul3A_226 : i32
        %dma_start3A_228 = arith.constant 0 : i32
        %dma_start3A_229 = tpu.memref_slice %arg2[%add3A_227, %dma_start3A_228] : memref<25000x256xi32, #tpu.memory_space<hbm>> -> memref<4x256xi32, #tpu.memory_space<hbm>>
        %dma_start3A_230 = arith.constant 0 : i32
        %dma_start3A_231 = tpu.memref_slice %arg2[%add3A_227, %dma_start3A_230] : memref<25000x256xi32, #tpu.memory_space<hbm>> -> memref<4x256xi32, #tpu.memory_space<hbm>>
        tpu.enqueue_dma source(%dma_start3A_231 : memref<4x256xi32, #tpu.memory_space<hbm>>) target(%arg7 : memref<4x256xi32, #tpu.memory_space<vmem>>) target_semaphore(%arg11 : memref<!tpu.dma_semaphore, #tpu.memory_space<semaphore_mem>>)
      } else {
      }
    }
    %jit3A_72 = arith.constant 2 : i32
    %eq3A = arith.constant 0 : i32
    %eq3A_73 = arith.cmpi eq, %jit3A_72, %eq3A : i32
    %jit3A_74 = arith.constant 1 : i32
    %select_n3A_75 = arith.select %eq3A_73, %jit3A_74, %jit3A_72 : i32
    %rem3A_76 = arith.remsi %select_n3A, %select_n3A_75 : i32
    %ne3A_77 = arith.constant 0 : i32
    %ne3A_78 = arith.cmpi ne, %rem3A_76, %ne3A_77 : i32
    %lt3A = arith.constant 0 : i32
    %lt3A_79 = arith.cmpi slt, %rem3A_76, %lt3A : i32
    %lt3A_80 = arith.constant 0 : i32
    %lt3A_81 = arith.cmpi slt, %select_n3A_75, %lt3A_80 : i32
    %ne3A_82 = arith.xori %lt3A_79, %lt3A_81 : i1
    %and3A_83 = arith.andi %ne3A_82, %ne3A_78 : i1
    %add3A_84 = arith.addi %rem3A_76, %select_n3A_75 : i32
    %select_n3A_85 = arith.select %and3A_83, %add3A_84, %rem3A_76 : i32
    %eq3A_86 = arith.constant 1 : i32
    %eq3A_87 = arith.cmpi eq, %select_n3A_85, %eq3A_86 : i32
    %convert_element_type3A = arith.extui %eq3A_87 : i1 to i32
    %cond3A = arith.constant 0 : i32
    %cond3A_88 = arith.cmpi ne, %convert_element_type3A, %cond3A : i32
    scf.if %cond3A_88 {
      %sub3A_97 = arith.constant 1 : i32
      %sub3A_98 = arith.subi %select_n3A, %sub3A_97 : i32
      %dma_wait3A = arith.constant 0 : i32
      %dma_wait3A_99 = arith.constant 0 : i32
      %dma_wait3A_100 = tpu.memref_slice %arg2[%dma_wait3A, %dma_wait3A_99] : memref<25000x256xi32, #tpu.memory_space<hbm>> -> memref<4x256xi32, #tpu.memory_space<hbm>>
      %dma_wait3A_101 = arith.constant 0 : i32
      %dma_wait3A_102 = arith.constant 0 : i32
      %dma_wait3A_103 = tpu.memref_slice %arg2[%dma_wait3A_101, %dma_wait3A_102] : memref<25000x256xi32, #tpu.memory_space<hbm>> -> memref<4x256xi32, #tpu.memory_space<hbm>>
      tpu.wait_dma2 semaphore(%arg10 : memref<!tpu.dma_semaphore, #tpu.memory_space<semaphore_mem>>) src(%dma_wait3A_103 : memref<4x256xi32, #tpu.memory_space<hbm>>) dst(%arg6 : memref<4x256xi32, #tpu.memory_space<vmem>>)
      %dma_start3A_104 = arith.constant 0 : i32
      %dma_start3A_105 = arith.constant 0 : i32
      %dma_start3A_106 = tpu.memref_slice %arg6[%dma_start3A_104, %dma_start3A_105] : memref<4x256xi32, #tpu.memory_space<vmem>> -> memref<1x256xi32, #tpu.memory_space<vmem>>
      %dma_start3A_107 = tpu.memref_squeeze %dma_start3A_106 : memref<1x256xi32, #tpu.memory_space<vmem>> -> memref<256xi32, #tpu.memory_space<vmem>>
      %dma_start3A_108 = arith.constant 0 : i32
      %dma_start3A_109 = tpu.memref_slice %arg13[%dma_start3A_108] : memref<100096xf32, #tpu.memory_space<vmem_shared>> -> memref<100096xf32, #tpu.memory_space<vmem_shared>>
      tpu.enqueue_indirect_dma source(%arg8 : memref<256xf32, #tpu.memory_space<vmem>>) target(%dma_start3A_109 : memref<100096xf32, #tpu.memory_space<vmem_shared>>) offsets(%dma_start3A_107 : memref<256xi32, #tpu.memory_space<vmem>>) semaphore(%arg12 : memref<!tpu.dma_semaphore, #tpu.memory_space<semaphore_mem>>) {add = true}
      %dma_start3A_110 = arith.constant 1 : i32
      %dma_start3A_111 = arith.constant 0 : i32
      %dma_start3A_112 = tpu.memref_slice %arg6[%dma_start3A_110, %dma_start3A_111] : memref<4x256xi32, #tpu.memory_space<vmem>> -> memref<1x256xi32, #tpu.memory_space<vmem>>
      %dma_start3A_113 = tpu.memref_squeeze %dma_start3A_112 : memref<1x256xi32, #tpu.memory_space<vmem>> -> memref<256xi32, #tpu.memory_space<vmem>>
      %dma_start3A_114 = arith.constant 0 : i32
      %dma_start3A_115 = tpu.memref_slice %arg13[%dma_start3A_114] : memref<100096xf32, #tpu.memory_space<vmem_shared>> -> memref<100096xf32, #tpu.memory_space<vmem_shared>>
      tpu.enqueue_indirect_dma source(%arg8 : memref<256xf32, #tpu.memory_space<vmem>>) target(%dma_start3A_115 : memref<100096xf32, #tpu.memory_space<vmem_shared>>) offsets(%dma_start3A_113 : memref<256xi32, #tpu.memory_space<vmem>>) semaphore(%arg12 : memref<!tpu.dma_semaphore, #tpu.memory_space<semaphore_mem>>) {add = true}
      %dma_start3A_116 = arith.constant 2 : i32
      %dma_start3A_117 = arith.constant 0 : i32
      %dma_start3A_118 = tpu.memref_slice %arg6[%dma_start3A_116, %dma_start3A_117] : memref<4x256xi32, #tpu.memory_space<vmem>> -> memref<1x256xi32, #tpu.memory_space<vmem>>
      %dma_start3A_119 = tpu.memref_squeeze %dma_start3A_118 : memref<1x256xi32, #tpu.memory_space<vmem>> -> memref<256xi32, #tpu.memory_space<vmem>>
      %dma_start3A_120 = arith.constant 0 : i32
      %dma_start3A_121 = tpu.memref_slice %arg13[%dma_start3A_120] : memref<100096xf32, #tpu.memory_space<vmem_shared>> -> memref<100096xf32, #tpu.memory_space<vmem_shared>>
      tpu.enqueue_indirect_dma source(%arg8 : memref<256xf32, #tpu.memory_space<vmem>>) target(%dma_start3A_121 : memref<100096xf32, #tpu.memory_space<vmem_shared>>) offsets(%dma_start3A_119 : memref<256xi32, #tpu.memory_space<vmem>>) semaphore(%arg12 : memref<!tpu.dma_semaphore, #tpu.memory_space<semaphore_mem>>) {add = true}
      %dma_start3A_122 = arith.constant 3 : i32
      %dma_start3A_123 = arith.constant 0 : i32
      %dma_start3A_124 = tpu.memref_slice %arg6[%dma_start3A_122, %dma_start3A_123] : memref<4x256xi32, #tpu.memory_space<vmem>> -> memref<1x256xi32, #tpu.memory_space<vmem>>
      %dma_start3A_125 = tpu.memref_squeeze %dma_start3A_124 : memref<1x256xi32, #tpu.memory_space<vmem>> -> memref<256xi32, #tpu.memory_space<vmem>>
      %dma_start3A_126 = arith.constant 0 : i32
      %dma_start3A_127 = tpu.memref_slice %arg13[%dma_start3A_126] : memref<100096xf32, #tpu.memory_space<vmem_shared>> -> memref<100096xf32, #tpu.memory_space<vmem_shared>>
      tpu.enqueue_indirect_dma source(%arg8 : memref<256xf32, #tpu.memory_space<vmem>>) target(%dma_start3A_127 : memref<100096xf32, #tpu.memory_space<vmem_shared>>) offsets(%dma_start3A_125 : memref<256xi32, #tpu.memory_space<vmem>>) semaphore(%arg12 : memref<!tpu.dma_semaphore, #tpu.memory_space<semaphore_mem>>) {add = true}
      %dma_wait3A_128 = arith.constant 0 : i32
      %dma_wait3A_129 = arith.constant 0 : i32
      %dma_wait3A_130 = tpu.memref_slice %arg6[%dma_wait3A_128, %dma_wait3A_129] : memref<4x256xi32, #tpu.memory_space<vmem>> -> memref<1x256xi32, #tpu.memory_space<vmem>>
      %dma_wait3A_131 = tpu.memref_squeeze %dma_wait3A_130 : memref<1x256xi32, #tpu.memory_space<vmem>> -> memref<256xi32, #tpu.memory_space<vmem>>
      %dma_wait3A_132 = arith.constant 0 : i32
      %dma_wait3A_133 = tpu.memref_slice %arg13[%dma_wait3A_132] : memref<100096xf32, #tpu.memory_space<vmem_shared>> -> memref<100096xf32, #tpu.memory_space<vmem_shared>>
      tpu.wait_indirect_dma semaphore(%arg12 : memref<!tpu.dma_semaphore, #tpu.memory_space<semaphore_mem>>) src(%arg8 : memref<256xf32, #tpu.memory_space<vmem>>) dst(%dma_wait3A_133 : memref<100096xf32, #tpu.memory_space<vmem_shared>>)
      %dma_wait3A_134 = arith.constant 1 : i32
      %dma_wait3A_135 = arith.constant 0 : i32
      %dma_wait3A_136 = tpu.memref_slice %arg6[%dma_wait3A_134, %dma_wait3A_135] : memref<4x256xi32, #tpu.memory_space<vmem>> -> memref<1x256xi32, #tpu.memory_space<vmem>>
      %dma_wait3A_137 = tpu.memref_squeeze %dma_wait3A_136 : memref<1x256xi32, #tpu.memory_space<vmem>> -> memref<256xi32, #tpu.memory_space<vmem>>
      %dma_wait3A_138 = arith.constant 0 : i32
      %dma_wait3A_139 = tpu.memref_slice %arg13[%dma_wait3A_138] : memref<100096xf32, #tpu.memory_space<vmem_shared>> -> memref<100096xf32, #tpu.memory_space<vmem_shared>>
      tpu.wait_indirect_dma semaphore(%arg12 : memref<!tpu.dma_semaphore, #tpu.memory_space<semaphore_mem>>) src(%arg8 : memref<256xf32, #tpu.memory_space<vmem>>) dst(%dma_wait3A_139 : memref<100096xf32, #tpu.memory_space<vmem_shared>>)
      %dma_wait3A_140 = arith.constant 2 : i32
      %dma_wait3A_141 = arith.constant 0 : i32
      %dma_wait3A_142 = tpu.memref_slice %arg6[%dma_wait3A_140, %dma_wait3A_141] : memref<4x256xi32, #tpu.memory_space<vmem>> -> memref<1x256xi32, #tpu.memory_space<vmem>>
      %dma_wait3A_143 = tpu.memref_squeeze %dma_wait3A_142 : memref<1x256xi32, #tpu.memory_space<vmem>> -> memref<256xi32, #tpu.memory_space<vmem>>
      %dma_wait3A_144 = arith.constant 0 : i32
      %dma_wait3A_145 = tpu.memref_slice %arg13[%dma_wait3A_144] : memref<100096xf32, #tpu.memory_space<vmem_shared>> -> memref<100096xf32, #tpu.memory_space<vmem_shared>>
      tpu.wait_indirect_dma semaphore(%arg12 : memref<!tpu.dma_semaphore, #tpu.memory_space<semaphore_mem>>) src(%arg8 : memref<256xf32, #tpu.memory_space<vmem>>) dst(%dma_wait3A_145 : memref<100096xf32, #tpu.memory_space<vmem_shared>>)
      %dma_wait3A_146 = arith.constant 3 : i32
      %dma_wait3A_147 = arith.constant 0 : i32
      %dma_wait3A_148 = tpu.memref_slice %arg6[%dma_wait3A_146, %dma_wait3A_147] : memref<4x256xi32, #tpu.memory_space<vmem>> -> memref<1x256xi32, #tpu.memory_space<vmem>>
      %dma_wait3A_149 = tpu.memref_squeeze %dma_wait3A_148 : memref<1x256xi32, #tpu.memory_space<vmem>> -> memref<256xi32, #tpu.memory_space<vmem>>
      %dma_wait3A_150 = arith.constant 0 : i32
      %dma_wait3A_151 = tpu.memref_slice %arg13[%dma_wait3A_150] : memref<100096xf32, #tpu.memory_space<vmem_shared>> -> memref<100096xf32, #tpu.memory_space<vmem_shared>>
      tpu.wait_indirect_dma semaphore(%arg12 : memref<!tpu.dma_semaphore, #tpu.memory_space<semaphore_mem>>) src(%arg8 : memref<256xf32, #tpu.memory_space<vmem>>) dst(%dma_wait3A_151 : memref<100096xf32, #tpu.memory_space<vmem_shared>>)
      %add3A_152 = arith.constant 2 : i32
      %add3A_153 = arith.addi %sub3A_98, %add3A_152 : i32
      %lt3A_154 = arith.cmpi slt, %add3A_153, %select_n3A : i32
      %convert_element_type3A_155 = arith.extui %lt3A_154 : i1 to i32
      %cond3A_156 = arith.constant 0 : i32
      %cond3A_157 = arith.cmpi ne, %convert_element_type3A_155, %cond3A_156 : i32
      scf.if %cond3A_157 {
        %add3A_158 = arith.constant 2 : i32
        %add3A_159 = arith.addi %sub3A_98, %add3A_158 : i32
        %mul3A_160 = arith.constant 4 : i32
        %mul3A_161 = arith.muli %add3A_159, %mul3A_160 : i32
        %add3A_162 = arith.addi %add3A_4, %mul3A_161 : i32
        %dma_start3A_163 = arith.constant 0 : i32
        %dma_start3A_164 = tpu.memref_slice %arg2[%add3A_162, %dma_start3A_163] : memref<25000x256xi32, #tpu.memory_space<hbm>> -> memref<4x256xi32, #tpu.memory_space<hbm>>
        %dma_start3A_165 = arith.constant 0 : i32
        %dma_start3A_166 = tpu.memref_slice %arg2[%add3A_162, %dma_start3A_165] : memref<25000x256xi32, #tpu.memory_space<hbm>> -> memref<4x256xi32, #tpu.memory_space<hbm>>
        tpu.enqueue_dma source(%dma_start3A_166 : memref<4x256xi32, #tpu.memory_space<hbm>>) target(%arg6 : memref<4x256xi32, #tpu.memory_space<vmem>>) target_semaphore(%arg10 : memref<!tpu.dma_semaphore, #tpu.memory_space<semaphore_mem>>)
      } else {
      }
    } else {
    }
    %barrier3A_89 = arith.constant 0 : index
    tpu.barrier barrier_id(%barrier3A_89)
    %mul3A_90 = arith.constant 6256 : i32
    %mul3A_91 = arith.muli %arg1, %mul3A_90 : i32
    "tpu.region"() ({
      %run_scoped3A = tpu.sem_alloc : memref<!tpu.dma_semaphore, #tpu.memory_space<semaphore_mem>>
      %dma_start3A_97 = tpu.memref_slice %arg13[%mul3A_91] : memref<100096xf32, #tpu.memory_space<vmem_shared>> -> memref<6256xf32, #tpu.memory_space<vmem_shared>>
      %dma_start3A_98 = tpu.memref_slice %arg13[%mul3A_91] : memref<100096xf32, #tpu.memory_space<vmem_shared>> -> memref<6256xf32, #tpu.memory_space<vmem_shared>>
      tpu.enqueue_dma source(%dma_start3A_98 : memref<6256xf32, #tpu.memory_space<vmem_shared>>) target(%arg9 : memref<6256xf32, #tpu.memory_space<vmem>>) target_semaphore(%run_scoped3A : memref<!tpu.dma_semaphore, #tpu.memory_space<semaphore_mem>>)
      %dma_wait3A = tpu.memref_slice %arg13[%mul3A_91] : memref<100096xf32, #tpu.memory_space<vmem_shared>> -> memref<6256xf32, #tpu.memory_space<vmem_shared>>
      %dma_wait3A_99 = tpu.memref_slice %arg13[%mul3A_91] : memref<100096xf32, #tpu.memory_space<vmem_shared>> -> memref<6256xf32, #tpu.memory_space<vmem_shared>>
      tpu.wait_dma2 semaphore(%run_scoped3A : memref<!tpu.dma_semaphore, #tpu.memory_space<semaphore_mem>>) src(%dma_wait3A_99 : memref<6256xf32, #tpu.memory_space<vmem_shared>>) dst(%arg9 : memref<6256xf32, #tpu.memory_space<vmem>>)
      tpu.yield
    }) : () -> ()
    %mul3A_92 = arith.constant 100096 : i32
    %mul3A_93 = arith.muli %arg0, %mul3A_92 : i32
    %mul3A_94 = arith.constant 6256 : i32
    %mul3A_95 = arith.muli %arg1, %mul3A_94 : i32
    %add3A_96 = arith.addi %mul3A_93, %mul3A_95 : i32
    "tpu.region"() ({
      %run_scoped3A = tpu.sem_alloc : memref<!tpu.dma_semaphore, #tpu.memory_space<semaphore_mem>>
      %dma_start3A_97 = tpu.memref_slice %arg5[%add3A_96] : memref<200192xf32, #tpu.memory_space<hbm>> -> memref<6256xf32, #tpu.memory_space<hbm>>
      %dma_start3A_98 = tpu.memref_slice %arg5[%add3A_96] : memref<200192xf32, #tpu.memory_space<hbm>> -> memref<6256xf32, #tpu.memory_space<hbm>>
      tpu.enqueue_dma source(%arg9 : memref<6256xf32, #tpu.memory_space<vmem>>) target(%dma_start3A_98 : memref<6256xf32, #tpu.memory_space<hbm>>) target_semaphore(%run_scoped3A : memref<!tpu.dma_semaphore, #tpu.memory_space<semaphore_mem>>)
      %dma_wait3A = tpu.memref_slice %arg5[%add3A_96] : memref<200192xf32, #tpu.memory_space<hbm>> -> memref<6256xf32, #tpu.memory_space<hbm>>
      %dma_wait3A_99 = tpu.memref_slice %arg5[%add3A_96] : memref<200192xf32, #tpu.memory_space<hbm>> -> memref<6256xf32, #tpu.memory_space<hbm>>
      tpu.wait_dma2 semaphore(%run_scoped3A : memref<!tpu.dma_semaphore, #tpu.memory_space<semaphore_mem>>) src(%arg9 : memref<6256xf32, #tpu.memory_space<vmem>>) dst(%dma_wait3A_99 : memref<6256xf32, #tpu.memory_space<hbm>>)
      tpu.yield
    }) : () -> ()
    return
  }
}

module attributes {stable_mosaic.version = 14 : i64} {
  func.func @_tail_body(%arg0: i32, %arg1: memref<2x368x128xf32, #tpu.memory_space<vmem>>, %arg2: memref<368x128xf32, #tpu.memory_space<vmem>>, %arg3: memref<368x128xf32, #tpu.memory_space<vmem>>, %arg4: memref<128x1024xf32, #tpu.memory_space<vmem>>, %arg5: memref<1x1024xf32, #tpu.memory_space<vmem>>, %arg6: memref<512x16xf32, #tpu.memory_space<vmem>>, %arg7: memref<1x16xf32, #tpu.memory_space<vmem>>, %arg8: memref<368x16xf32, #tpu.memory_space<vmem>>) attributes {dimension_semantics = [#tpu.dimension_semantics<arbitrary>], iteration_bounds = array<i64: 17>, scalar_prefetch = 0 : i64, scratch_operands = 0 : i64, tpu.core_type = #tpu.core_type<tc>, window_params = [{transform_indices = @transform_0, window_bounds = array<i64: 2, 368, 128>}, {transform_indices = @transform_1, window_bounds = array<i64: 368, 128>}, {transform_indices = @transform_2, window_bounds = array<i64: 368, 128>}, {pipeline_mode = #tpu.pipeline_mode<synchronous>, transform_indices = @transform_3, window_bounds = array<i64: 128, 1024>}, {pipeline_mode = #tpu.pipeline_mode<synchronous>, transform_indices = @transform_4, window_bounds = array<i64: 1, 1024>}, {pipeline_mode = #tpu.pipeline_mode<synchronous>, transform_indices = @transform_5, window_bounds = array<i64: 512, 16>}, {pipeline_mode = #tpu.pipeline_mode<synchronous>, transform_indices = @transform_6, window_bounds = array<i64: 1, 16>}, {transform_indices = @transform_7, window_bounds = array<i64: 368, 16>}]} {
    %get3A = arith.constant 0 : index
    %get3A_0 = arith.constant 0 : index
    %get3A_1 = vector.load %arg3[%get3A, %get3A_0] : memref<368x128xf32, #tpu.memory_space<vmem>>, vector<368x128xf32>
    %get3A_2 = arith.constant 0 : index
    %get3A_3 = arith.constant 0 : index
    %get3A_4 = arith.constant 0 : index
    %get3A_5 = vector.load %arg1[%get3A_2, %get3A_3, %get3A_4] : memref<2x368x128xf32, #tpu.memory_space<vmem>>, vector<1x368x128xf32>
    %get3A_6 = vector.shape_cast %get3A_5 : vector<1x368x128xf32> to vector<368x128xf32>
    %get3A_7 = arith.constant 1 : index
    %get3A_8 = arith.constant 0 : index
    %get3A_9 = arith.constant 0 : index
    %get3A_10 = vector.load %arg1[%get3A_7, %get3A_8, %get3A_9] : memref<2x368x128xf32, #tpu.memory_space<vmem>>, vector<1x368x128xf32>
    %get3A_11 = vector.shape_cast %get3A_10 : vector<1x368x128xf32> to vector<368x128xf32>
    %add3A = arith.addf %get3A_6, %get3A_11 : vector<368x128xf32>
    %get3A_12 = arith.constant 0 : index
    %get3A_13 = arith.constant 0 : index
    %get3A_14 = vector.load %arg2[%get3A_12, %get3A_13] : memref<368x128xf32, #tpu.memory_space<vmem>>, vector<368x128xf32>
    %add3A_15 = arith.addf %add3A, %get3A_14 : vector<368x128xf32>
    %mul3A = arith.mulf %get3A_1, %add3A_15 : vector<368x128xf32>
    %get3A_16 = arith.constant 0 : index
    %get3A_17 = arith.constant 0 : index
    %get3A_18 = vector.load %arg4[%get3A_16, %get3A_17] : memref<128x1024xf32, #tpu.memory_space<vmem>>, vector<128x1024xf32>
    %dot_general3A = arith.constant dense<0.000000e+00> : vector<368x1024xf32>
    %dot_general3A_19 = tpu.matmul %mul3A, %get3A_18, %dot_general3A {dimension_numbers = #tpu.dot_dimension_numbers<[1], [0], [0], [1], [0, 0, 1, 1], [], []>, precision = #tpu.contract_precision<fp32>, transpose_lhs_hint = false} : vector<368x128xf32>, vector<128x1024xf32>, vector<368x1024xf32> -> vector<368x1024xf32>
    %get3A_20 = arith.constant 0 : index
    %get3A_21 = arith.constant 0 : index
    %get3A_22 = vector.load %arg5[%get3A_20, %get3A_21] : memref<1x1024xf32, #tpu.memory_space<vmem>>, vector<1x1024xf32>
    %add3A_23 = vector.broadcast %get3A_22 : vector<1x1024xf32> to vector<368x1024xf32>
    %add3A_24 = arith.addf %dot_general3A_19, %add3A_23 : vector<368x1024xf32>
    %slice3A = vector.extract_strided_slice %add3A_24 {offsets = [0, 0], sizes = [368, 512], strides = [1, 1]} : vector<368x1024xf32> to vector<368x512xf32>
    %logistic3A = arith.negf %slice3A : vector<368x512xf32>
    %logistic3A_25 = math.exp %logistic3A : vector<368x512xf32>
    %logistic3A_26 = arith.constant 1.000000e+00 : f32
    %logistic3A_27 = vector.broadcast %logistic3A_26 : f32 to vector<368x512xf32>
    %logistic3A_28 = arith.addf %logistic3A_27, %logistic3A_25 : vector<368x512xf32>
    %logistic3A_29 = arith.divf %logistic3A_27, %logistic3A_28 : vector<368x512xf32>
    %sub3A = arith.constant 1.000000e+00 : f32
    %sub3A_30 = vector.broadcast %sub3A : f32 to vector<368x512xf32>
    %sub3A_31 = arith.subf %sub3A_30, %logistic3A_29 : vector<368x512xf32>
    %slice3A_32 = vector.extract_strided_slice %add3A_24 {offsets = [0, 512], sizes = [368, 512], strides = [1, 1]} : vector<368x1024xf32> to vector<368x512xf32>
    %tanh3A = math.tanh %slice3A_32 : vector<368x512xf32>
    %mul3A_33 = arith.mulf %sub3A_31, %tanh3A : vector<368x512xf32>
    %get3A_34 = arith.constant 0 : index
    %get3A_35 = arith.constant 0 : index
    %get3A_36 = vector.load %arg6[%get3A_34, %get3A_35] : memref<512x16xf32, #tpu.memory_space<vmem>>, vector<512x16xf32>
    %dot_general3A_37 = arith.constant dense<0.000000e+00> : vector<368x16xf32>
    %dot_general3A_38 = tpu.matmul %mul3A_33, %get3A_36, %dot_general3A_37 {dimension_numbers = #tpu.dot_dimension_numbers<[1], [0], [0], [1], [0, 0, 1, 1], [], []>, precision = #tpu.contract_precision<fp32>, transpose_lhs_hint = false} : vector<368x512xf32>, vector<512x16xf32>, vector<368x16xf32> -> vector<368x16xf32>
    %get3A_39 = arith.constant 0 : index
    %get3A_40 = arith.constant 0 : index
    %get3A_41 = vector.load %arg7[%get3A_39, %get3A_40] : memref<1x16xf32, #tpu.memory_space<vmem>>, vector<1x16xf32>
    %add3A_42 = vector.broadcast %get3A_41 : vector<1x16xf32> to vector<368x16xf32>
    %add3A_43 = arith.addf %dot_general3A_38, %add3A_42 : vector<368x16xf32>
    %swap3A = arith.constant 0 : index
    %swap3A_44 = arith.constant 0 : index
    %swap3A_45 = vector.load %arg8[%swap3A, %swap3A_44] : memref<368x16xf32, #tpu.memory_space<vmem>>, vector<368x16xf32>
    tpu.vector_store %arg8[%swap3A, %swap3A_44], %add3A_43 {strides = array<i32>} : memref<368x16xf32, #tpu.memory_space<vmem>>, vector<368x16xf32>,
    return
  }
  func.func @transform_0(%arg0: i32) -> (i32, i32, i32) {
    %c0_i32 = arith.constant 0 : i32
    %c0_i32_0 = arith.constant 0 : i32
    %c0_i32_1 = arith.constant 0 : i32
    return %c0_i32, %arg0, %c0_i32_0 : i32, i32, i32
  }
  func.func @transform_1(%arg0: i32) -> (i32, i32) {
    %c0_i32 = arith.constant 0 : i32
    %c0_i32_0 = arith.constant 0 : i32
    return %arg0, %c0_i32 : i32, i32
  }
  func.func @transform_2(%arg0: i32) -> (i32, i32) {
    %c0_i32 = arith.constant 0 : i32
    %c0_i32_0 = arith.constant 0 : i32
    return %arg0, %c0_i32 : i32, i32
  }
  func.func @transform_3(%arg0: i32) -> (i32, i32) {
    %c0_i32 = arith.constant 0 : i32
    %c0_i32_0 = arith.constant 0 : i32
    %c0_i32_1 = arith.constant 0 : i32
    return %c0_i32, %c0_i32_0 : i32, i32
  }
  func.func @transform_4(%arg0: i32) -> (i32, i32) {
    %c0_i32 = arith.constant 0 : i32
    %c0_i32_0 = arith.constant 0 : i32
    %c0_i32_1 = arith.constant 0 : i32
    return %c0_i32, %c0_i32_0 : i32, i32
  }
  func.func @transform_5(%arg0: i32) -> (i32, i32) {
    %c0_i32 = arith.constant 0 : i32
    %c0_i32_0 = arith.constant 0 : i32
    %c0_i32_1 = arith.constant 0 : i32
    return %c0_i32, %c0_i32_0 : i32, i32
  }
  func.func @transform_6(%arg0: i32) -> (i32, i32) {
    %c0_i32 = arith.constant 0 : i32
    %c0_i32_0 = arith.constant 0 : i32
    %c0_i32_1 = arith.constant 0 : i32
    return %c0_i32, %c0_i32_0 : i32, i32
  }
  func.func @transform_7(%arg0: i32) -> (i32, i32) {
    %c0_i32 = arith.constant 0 : i32
    %c0_i32_0 = arith.constant 0 : i32
    return %arg0, %c0_i32 : i32, i32
  }
}

</mosaic_0001>

<sc_bundles>
// kernel: kernel.5.cloned.1.call-start
scs
__scs_entry_jumppad:
0x0: {  	(pc) =	sbr.rel $0x88, $3  }
0x1: {  	(tag) =	ssettag $0x0;
	lr =	simm.s32 $0x1  }
0x2: {  	[smem:$0x3F95] =	sst lr;
	_ =	strace $0xD0000000  }
0x3: {  	_ = 	snop  }
0x4: {  	_ = 	snop  }
0x5: {  	_ = 	snop  }
0x6: {  	_ = 	snop  }
0x7: {  	_ = 	snop  }
__scs_overlays_trampoline_lowered:
0x8: {  	[smem:$0x3FA4] =	sst s0  }
0x9: {  	[smem:$0x3FA5] =	sst s1  }
0xa: {  	[smem:$0x3FA6] =	sst s2  }
0xb: {  	[smem:$0x3FA7] =	sst s3  }
0xc: {  	[smem:$0x3FA8] =	sst s4  }
0xd: {  	[smem:$0x3FA9] =	sst s5  }
0xe: {  	[smem:$0x3FAA] =	sst s6  }
0xf: {  	[smem:$0x3FAB] =	sst s7  }
0x10: {  	[smem:$0x3FAC] =	sst s8  }
0x11: {  	[smem:$0x3FAD] =	sst s9;
	s0 =	simm.s32 @!p0 $0x0  }
0x12: {  	s1 =	sld [smem:$0x3F93];
	s0 =	simm.s32 @p0 $0x1  }
0x13: {  	[smem:$0x3FAE] =	sst s0;
	s0 =	simm.s32 @!p1 $0x0  }
0x14: {  	s2 =	sld [smem:$0x3F92];
	s0 =	simm.s32 @p1 $0x1  }
0x15: {  	[smem:$0x3FAF] =	sst s0;
	s0 =	simm.s32 @!p2 $0x0  }
0x16: {  	s3 =	sld [smem:$0x3FDB];
	s0 =	simm.s32 @p2 $0x1  }
0x17: {  	s4 =	simm.s32 $0x1BF5;
	[smem:$0x3FB1] =	sst s0  }
0x18: {  	s0 =	sld [smem:$0x3F94];
	_ =	swait.ge [sflag:s4], $0x0  }
0x19: {  	s7 =	sld [smem:$0x3F95]  }
0x1a: {  	s8 =	sadd.s32 $0xFFFFE003, lr  }
0x1b: {  	s9 =	sadd.s32 $0xFFFFFEF7, lr;
	s5 =	simm.s32 $0xFFFFFFFF;
	p2 =	slt.u32 s8, $0xFFFFF086  }
0x1c: {  	p1 =	slt.u32 s9, $0xF7A;
	s5 =	simm.s32 @!p2 $0x0  }
0x1d: {  	s5 =	simm.s32 @p1 $0x1;
	p0 =	seq.s32 s7, s2  }
0x1e: {  	s7 =	smul.u32 @!p0 $0xF7A, s2;
	p2 =	seq.s32 @!p0 s5, $0x0  }
0x1f: {  	s9 =	smul.u32 $0xF7A, s1;
	s8 =	simm.s32 @!p0 $0x1BF5;
	p2 =	por !p2, p0  }
0x20: {  	[sflag:s8] =	ssyncset.s32 @!p0 $0xFFFFF086;
	s6 =	sadd.s32 @!p0 s3, s7;
	s7 =	simm.s32 @!p0 $0x108  }
0x21: {  	s3 =	sadd.s32 s3, s9;
	s6 =	sadd.s32 @!p0 $0x88, s6;
	s7 =	simm.s32 @p2 $0x1082  }
0x22: {  	[simem:s7], [sflag:s8] =	dma.local @!p0 [hbm:s6], $0xF7A  }
0x23: {  	s9 =	sor.u32 $0xD0000000, s2;
	s6 =	simm.s32 $0x108;
	_ =	swait.ge @!p0 [sflag:s8], $0x0  }
0x24: {  	s3 =	sadd.s32 $0x88, s3;
	s6 =	simm.s32 @!p1 $0x1082;
	[sflag:s4] =	ssyncset.s32 $0xFFFFF086  }
0x25: {  	[simem:s6], [sflag:s4] =	dma.local [hbm:s3], $0xF7A  }
0x26: {  	[smem:$0x3F95] =	sst s1;
	(tag) =	ssettag s2;
	_ =	strace s9  }
0x27: {  	s1 =	sld [smem:$0x3FA5]  }
0x28: {  	s2 =	sld [smem:$0x3FA6]  }
0x29: {  	s4 =	sld [smem:$0x3FA8]  }
0x2a: {  	p0 =	seq.s32 s5, $0x0;
	s5 =	sld [smem:$0x3FA9]  }
0x2b: {  	s6 =	sld [smem:$0x3FAA]  }
0x2c: {  	s7 =	sld [smem:$0x3FAB]  }
0x2d: {  	s3 =	simm.s32 $0x108;
	s8 =	sld [smem:$0x3FAC]  }
0x2e: {  	s3 =	simm.s32 @!p0 $0x1082;
	s9 =	sld [smem:$0x3FAD]  }
0x2f: {  	lr =	sadd.s32 s0, s3;
	s0 =	sld [smem:$0x3FA4]  }
0x30: {  	s3 =	sld [smem:$0x3FA7]  }
0x31: {  	[smem:$0x3FB0] =	sst s10  }
0x32: {  	s10 =	sld [smem:$0x3FAE];
	_ =	sdelay $0x3  }
0x33: {  	p0 =	seq.s32 s10, $0x1;
	s10 =	sld [smem:$0x3FB0];
	_ =	sdelay $0x3  }
0x34: {  	[smem:$0x3FB0] =	sst s10  }
0x35: {  	s10 =	sld [smem:$0x3FAF];
	_ =	sdelay $0x3  }
0x36: {  	p1 =	seq.s32 s10, $0x1;
	s10 =	sld [smem:$0x3FB0];
	_ =	sdelay $0x3  }
0x37: {  	[smem:$0x3FB0] =	sst s10  }
0x38: {  	s10 =	sld [smem:$0x3FB1]  }
0x39: {  	_ = 	snop;
	(pc) =	sbr.ind lr, $3  }
0x3a: {  	_ = 	snop  }
0x3b: {  	_ = 	snop  }
0x3c: {  	p2 =	seq.s32 s10, $0x1;
	s10 =	sld [smem:$0x3FB0]  }
0x3d: {  	_ =	shalt  }
0x3e: {  	_ =	shalt  }
0x3f: {  	_ =	shalt  }
0x40: {  	_ =	shalt  }
0x41: {  	_ =	shalt  }
0x42: {  	_ =	shalt  }
0x43: {  	_ =	shalt  }
0x44: {  	_ =	shalt  }
0x45: {  	_ =	shalt  }
0x46: {  	_ =	shalt  }
0x47: {  	_ =	shalt  }
0x48: {  	_ =	shalt  }
0x49: {  	_ =	shalt  }
0x4a: {  	_ =	shalt  }
0x4b: {  	_ =	shalt  }
0x4c: {  	_ =	shalt  }
0x4d: {  	_ =	shalt  }
0x4e: {  	_ =	shalt  }
0x4f: {  	_ =	shalt  }
0x50: {  	_ =	shalt  }
0x51: {  	_ =	shalt  }
0x52: {  	_ =	shalt  }
0x53: {  	_ =	shalt  }
0x54: {  	_ =	shalt  }
0x55: {  	_ =	shalt  }
0x56: {  	_ =	shalt  }
0x57: {  	_ =	shalt  }
0x58: {  	_ =	shalt  }
0x59: {  	_ =	shalt  }
0x5a: {  	_ =	shalt  }
0x5b: {  	_ =	shalt  }
0x5c: {  	_ =	shalt  }
0x5d: {  	_ =	shalt  }
0x5e: {  	_ =	shalt  }
0x5f: {  	_ =	shalt  }
0x60: {  	_ =	shalt  }
0x61: {  	_ =	shalt  }
0x62: {  	_ =	shalt  }
0x63: {  	_ =	shalt  }
0x64: {  	_ =	shalt  }
0x65: {  	_ =	shalt  }
0x66: {  	_ =	shalt  }
0x67: {  	_ =	shalt  }
0x68: {  	_ =	shalt  }
0x69: {  	_ =	shalt  }
0x6a: {  	_ =	shalt  }
0x6b: {  	_ =	shalt  }
0x6c: {  	_ =	shalt  }
0x6d: {  	_ =	shalt  }
0x6e: {  	_ =	shalt  }
0x6f: {  	_ =	shalt  }
0x70: {  	_ =	shalt  }
0x71: {  	_ =	shalt  }
0x72: {  	_ =	shalt  }
0x73: {  	_ =	shalt  }
0x74: {  	_ =	shalt  }
0x75: {  	_ =	shalt  }
0x76: {  	_ =	shalt  }
0x77: {  	_ =	shalt  }
0x78: {  	_ =	shalt  }
0x79: {  	_ =	shalt  }
0x7a: {  	_ =	shalt  }
0x7b: {  	_ =	shalt  }
0x7c: {  	_ =	shalt  }
0x7d: {  	_ =	shalt  }
0x7e: {  	_ =	shalt  }
0x7f: {  	_ =	shalt  }
0x80: {  	_ =	shalt  }
0x81: {  	_ =	shalt  }
0x82: {  	_ =	shalt  }
0x83: {  	_ =	shalt  }
0x84: {  	_ =	shalt  }
0x85: {  	_ =	shalt  }
0x86: {  	_ =	shalt  }
0x87: {  	_ =	shalt  }
.Lfunc_end0:
.L_simem_size_0:
called_computation_lowered:
.L_overlay_start_0:
0x88: {  	s2 =	sld [smem:$0x3FD9]  }
0x89: {  	s3 =	sld [smem:$0x3FFE];
	_ =	sdelay $0x1  }
0x8a: {  	s1 =	srdreg.scid  }
0x8b: {  	s0 =	sand.u32 $0x1, s1  }
0x8c: {  	s17 =	sshll.u32 s0, $0xA;
	s2 =	sadd.s32 s3, s2  }
0x8d: {  	s2 =	sadd.s32 s2, s17  }
0x8e: {  	[smem:$0x3FBC] =	sst s2  }
0x8f: {  	_ = 	snop  }
0x90: {  	s2 =	sld [smem:$0x3FD0];
	(tm) =	ssettm $0x1  }
0x91: {  	s18 =	sld [smem:$0x3FFB];
	_ =	sdelay $0x3  }
0x92: {  	_ =	strace s18  }
0x93: {  	s3 =	sld [smem:$0x3FFC];
	_ =	sdelay $0x3  }
0x94: {  	_ =	strace s3  }
0x95: {  	s3 =	sld [smem:$0x3FFD];
	_ =	sdelay $0x3  }
0x96: {  	_ =	strace s3  }
0x97: {  	_ =	strace $0x8FFFFFFF  }
0x98: {  	s19 =	sld [smem:$0x3FDB];
	_ =	sdelay $0x1  }
0x99: {  	s4 =	simm.s32 $_scs_section_size  }
0x9a: {  	s5 =	simm.s32 $_size__tile_overlayer_lowered;
	s6 =	simm.s32 $_tile_overlayer_lowered  }
0x9b: {  	s22 =	simm.s32 $0x1BFF;
	s21 =	sshll.u32 s6, $0x1;
	s3 =	sadd.s32 s4, s19  }
0x9c: {  	s7 =	simm.s32 $0x0;
	s20 =	sshll.u32 s5, $0x1;
	s5 =	sadd.s32 s21, s3  }
0x9d: {  	[timem:s7], [sflag:s22] =	dma.local [hbm:s5], s20  }
0x9e: {  	_ =	swait.ge [sflag:s22], s20  }
0x9f: {  	s4 =	ssub.s32 $0x0, s20;
	[sflag:s22] =	ssyncset.done $0x0  }
0xa0: {  	[sflag:s22] =	ssyncadd.s32 s4;
	_ =	sdelay $0x1  }
0xa1: {  	s23 =	simm.s32 $0x1B8B  }
0xa2: {  	_ =	swait.ge [sflag:s23], $0x1  }
0xa3: {  	[sflag:s23] =	ssyncset.done $0x0  }
0xa4: {  	s25 =	simm.s32 $0x1B8E;
	s24 =	sld [smem:$0x3FFE];
	[sflag:s23] =	ssyncadd.s32 $0xFFFFFFFF  }
0xa5: {  	s26 =	simm.s32 $execute0_lowered;
	[smem:$0x3FD2] =	sst s25  }
0xa6: {  	s5 =	sshll.u32 s26, $0x1;
	_ =	strace $0x80000046;
	[dreg:$0x1] =	wrdreg $0xFFFFFFFF  }
0xa7: {  	s28 =	simm.s32 $_size_execute0_lowered;
	s3 =	sadd.s32 s3, s5;
	[dreg:$0x0] =	wrdreg $0x0  }
0xa8: {  	s5 =	sshll.u32 s28, $0x1;
	[dreg:$0x2] =	wrdreg s3  }
0xa9: {  	[dreg:$0x3] =	wrdreg s5  }
0xaa: {  	[dreg:$0x4] =	wrdreg $0xC0  }
0xab: {  	_ =	task [dreg:s7], $0x5FFFF  }
0xac: {  	[dreg:$0x1] =	wrdreg $0xFFFFFFFF  }
0xad: {  	[dreg:$0x0] =	wrdreg $0x60  }
0xae: {  	[dreg:$0x2] =	wrdreg s24  }
0xaf: {  	[dreg:$0x3] =	wrdreg s2  }
0xb0: {  	[dreg:$0x4] =	wrdreg $0x21700  }
0xb1: {  	[dreg:$0x5] =	wrdreg $0x9  }
0xb2: {  	_ =	task.clear_ibuf [dreg:s7], $0x6FFFF;
	_ =	strace $0x90000046  }
0xb3: {  	s29 =	simm.s32 $0x9;
	_ =	strace $0x80000048  }
0xb4: {  	_ =	swait.ge [sflag:s29], $0x1  }
0xb5: {  	[sflag:s29] =	ssyncadd.s32 $0xFFFFFFFF  }
0xb6: {  	_ =	strace $0x90000048  }
0xb7: {  	_ =	sfence  }
0xb8: {  	s30 =	sld [smem:$0x0];
	_ =	sdelay $0x2  }
0xb9: {  	s31 =	sshll.u32 s1, $0xD;
	s1 =	sshrl.u32 s1, $0x2  }
0xba: {  	s3 =	sand.u32 $0x4000, s31;
	s1 =	sadd.s32 s1, s30  }
0xbb: {  	s0 =	sor.u32 s3, s0;
	s1 =	sshll.u32 s1, $0x11  }
0xbc: {  	s0 =	sor.u32 s1, s0  }
0xbd: {  	s0 =	sadd.s32 $0x8F2B, s0  }
0xbe: {  	[sflag:s0] =	ssyncadd.remote.s32 $0x1  }
0xbf: {  	_ =	sfence.sel $0xFFFF  }
0xc0: {  	[dreg:$0x0] =	wrdreg $0xFFFFFFFF;
	(pc) =	sbr.abs _section_cstart, $3  }
0xc1: {  	[dreg:$0x1] =	wrdreg $0xFFFFFFFF  }
0xc2: {  	_ =	task.clear_ibuf [dreg:s7], $0x2FFFF;
	_ =	strace $0x9FFFFFFF  }
0xc3: {  	(tm) =	ssettm $0x7FFFFFFF  }
tec
execute0_lowered:
.L_overlay_start_1:
0x0: {  	(tag) =	ssettag $0x1  }
0x1: {  	s0 =	rddreg [dreg:$0x0]  }
0x2: {  	s3 =	rddreg [dreg:$0x2]  }
0x3: {  	s1 =	srdreg.scid;
	s13 =	stileid.u32  }
0x4: {  	s4 =	simm.s32 $0x0;
	s15 =	simm.s32 $0x900;
	s16 =	simm.s32 $0x4  }
0x5: {  	s17 =	simm.s32 $0x800;
	s18 =	simm.s32 $0x400;
	s2 =	smul.u32 $0x1870, s13  }
0x6: {  	s19 =	simm.s32 $0x1;
	s28 =	simm.s32 $0x700;
	s12 =	smul.u32 $0xFFFFFCF0, s13  }
0x7: {  	s1 =	sand.u32 $0x1, s1;
	s6 =	sshll.u32 s13, $0x1;
	s13 =	smul.u32 $0x31000, s13  }
0x8: {  	s29 =	simm.s32 $0x0;
	[smem:$0x7FF] =	sst s4;
	s5 =	smul.u32 $0x18700, s1  }
0x9: {  	s14 =	sadd.s32 $0x2400, s0;
	s8 =	sadd.s32 $0xC5A00, s0;
	s11 =	smul.u32 $0xFFFFFE78, s1  }
0xa: {  	s6 =	sor.u32 s1, s6;
	s20 =	ssub.s32 $0x2, s1;
	s1 =	smul.u32 $0x18800, s1  }
0xb: {  	_ =	strace $0x80000047;
	[dreg:$0x4] =	wrdreg s8;
	s7 =	smul.u32 $0x188, s6  }
0xc: {  	s21 =	sshrl.u32 s20, $0x1;
	s22 =	smul.u32 $0x18800, s6;
	s5 =	sadd.s32 s2, s5  }
0xd: {  	s11 =	sadd.s32 s12, s11;
	s1 =	sadd.s32 s1, s13;
	s5 =	sshrl.u32 s5, $0x3  }
0xe: {  	s9 =	ssub.s32 $0x30D4, s7;
	s23 =	sshll.u32 s7, $0x5;
	s7 =	sadd.s32 s2, s3  }
0xf: {  	s25 =	sshrl.u32 s22, $0x3;
	s11 =	sadd.s32 $0x30D4, s11;
	s31 =	sadd.s32 $0x30DC00, s1  }
0x10: {  	s1 =	sadd.s32 $0x30E000, s1;
	s22 =	simm.s32 $0x300;
	s0 =	sadd.s32 s5, s0  }
0x11: {  	s5 =	ssub.s32 s20, s21;
	s10 =	smin.u32 s9, $0x188;
	s24 =	sadd.s32 s14, s23  }
0x12: {  	s2 =	sadd.s32 s14, s25;
	s30 =	smin.u32 s11, $0x188;
	s1 =	sshrl.u32 s1, $0x3  }
0x13: {  	s20 =	simm.s32 $0x100;
	s21 =	simm.s32 $0x200;
	s23 =	simm.s32 $0x3  }
0x14: {  	s25 =	simm.s32 $0x500;
	s6 =	sshrl.u32 s10, $0x2;
	s8 =	sadd.s32 $0x61A80, s24  }
0x15: {  	s9 =	sadd.s32 $0x61B00, s2;
	s26 =	sand.u32 $0x4, s10;
	s10 =	sadd.s32 $0xC5C00, s0  }
0x16: {  	s11 =	smax.u32 s5, $0x1;
	s0 =	sshrl.u32 s30, $0x2;
	s5 =	sshrl.u32 s31, $0x3  }
0x17: {  	s1 =	sadd.s32 s1, s14;
	s24 =	simm.s32 $0x2;
	s12 =	sand.u32 $0x7E, s0  }
0x18: {  	s13 =	sadd.s32 s5, s14;
	p0 =	seq.s32 s26, $0x0;
	s26 =	simm.s32 $0x600  }
.LBB2_1:
0x19: {  	s0 =	rddreg [dreg:$0x1]  }
0x1a: {  	[tilespmem:s15], [sflag:$0x4] =	stream.linear.gather [hbm4b:s0+s4], $0x1870, $0x38;
	[tilespmem:$0x39E0] =	vst v63  }
0x1b: {  	_ =	swait.ge [sflag:s16], $0x1870  }
0x1c: {  	[sflag:s16] =	ssyncset.done $0x0  }
0x1d: {  	[sflag:s16] =	ssyncadd.s32 $0xFFFFE790  }
0x1e: {  	[spmem:s7] =	stream.linear.scatter [tilespmem:s15], [sflag:$0x4], $0x1870, $0x38;
	[tilespmem:$0x39E0] =	vst v63  }
0x1f: {  	_ =	swait.ge [sflag:s16], $0x1870  }
0x20: {  	[sflag:s16] =	ssyncset.done $0x0  }
0x21: {  	s14 =	rddreg [dreg:$0x4];
	[sflag:s16] =	ssyncadd.s32 $0xFFFFE790  }
0x22: {  	[tilespmem:s17], [sflag:$0x4] =	stream.linear.gather [hbm4b:s14+s4], $0x100, $0x38;
	[tilespmem:$0x39E0] =	vst v63  }
0x23: {  	_ =	swait.ge [sflag:s16], $0x100  }
0x24: {  	[sflag:s16] =	ssyncset.done $0x0  }
0x25: {  	[sflag:s16] =	ssyncadd.s32 $0xFFFFFF00  }
0x26: {  	[bflag:$0x0] =	sbarrier.arrive $0xFFFF  }
0x27: {  	[tilespmem:s4], [sflag:$0x1] =	stream.linear.gather [hbm4b:s8+s4], $0x400, $0x38;
	[tilespmem:$0x39E0] =	vst v63  }
0x28: {  	_ = 	snop  }
0x29: {  	[tilespmem:s18], [sflag:$0x2] =	stream.linear.gather [hbm4b:s9+s4], $0x400, $0x38;
	[tilespmem:$0x39E0] =	vst v63  }
0x2a: {  	_ =	swait.ge [sflag:s19], $0x400  }
0x2b: {  	[sflag:s19] =	ssyncset.done $0x0  }
0x2c: {  	[sflag:s19] =	ssyncadd.s32 $0xFFFFFC00  }
0x2d: {  	[spmem:s3] =	stream.indirect.scatter.add.f32 [tilespmem:s17], [sflag:$0x3], $0x1, s4, s20, $0xb8;
	[tilespmem:$0x39E0] =	vst v63  }
0x2e: {  	_ = 	snop  }
0x2f: {  	[spmem:s3] =	stream.indirect.scatter.add.f32 [tilespmem:s17], [sflag:$0x3], $0x1, s20, s20, $0xb8;
	[tilespmem:$0x39E0] =	vst v63  }
0x30: {  	_ = 	snop  }
0x31: {  	[spmem:s3] =	stream.indirect.scatter.add.f32 [tilespmem:s17], [sflag:$0x3], $0x1, s21, s20, $0xb8;
	[tilespmem:$0x39E0] =	vst v63  }
0x32: {  	_ = 	snop  }
0x33: {  	[spmem:s3] =	stream.indirect.scatter.add.f32 [tilespmem:s17], [sflag:$0x3], $0x1, s22, s20, $0xb8;
	[tilespmem:$0x39E0] =	vst v63  }
0x34: {  	_ =	swait.ge [sflag:s23], $0x100  }
0x35: {  	[sflag:s23] =	ssyncset.done $0x0  }
0x36: {  	[sflag:s23] =	ssyncadd.s32 $0xFFFFFF00  }
0x37: {  	_ =	swait.ge [sflag:s23], $0x100  }
0x38: {  	[sflag:s23] =	ssyncset.done $0x0  }
0x39: {  	[sflag:s23] =	ssyncadd.s32 $0xFFFFFF00  }
0x3a: {  	_ =	swait.ge [sflag:s23], $0x100  }
0x3b: {  	[sflag:s23] =	ssyncset.done $0x0  }
0x3c: {  	[sflag:s23] =	ssyncadd.s32 $0xFFFFFF00  }
0x3d: {  	_ =	swait.ge [sflag:s23], $0x100  }
0x3e: {  	p1 =	sle.u32 s6, $0x2;
	[sflag:s23] =	ssyncset.done $0x0  }
0x3f: {  	s0 =	simm.s32 @!p1 $0x0;
	[sflag:s23] =	ssyncadd.s32 $0xFFFFFF00  }
0x40: {  	[tilespmem:s0], [sflag:$0x1] =	stream.linear.gather @!p1 [hbm4b:s13+s0], $0x400, $0x38;
	[tilespmem:$0x39E0] =	vst v63  }
0x41: {  	_ =	swait.ge [sflag:s24], $0x400  }
0x42: {  	[sflag:s24] =	ssyncset.done $0x0  }
0x43: {  	[sflag:s24] =	ssyncadd.s32 $0xFFFFFC00  }
0x44: {  	[spmem:s3] =	stream.indirect.scatter.add.f32 [tilespmem:s17], [sflag:$0x3], $0x1, s18, s20, $0xb8;
	[tilespmem:$0x39E0] =	vst v63  }
0x45: {  	_ = 	snop  }
0x46: {  	[spmem:s3] =	stream.indirect.scatter.add.f32 [tilespmem:s17], [sflag:$0x3], $0x1, s25, s20, $0xb8;
	[tilespmem:$0x39E0] =	vst v63  }
0x47: {  	_ = 	snop  }
0x48: {  	[spmem:s3] =	stream.indirect.scatter.add.f32 [tilespmem:s17], [sflag:$0x3], $0x1, s26, s20, $0xb8;
	[tilespmem:$0x39E0] =	vst v63  }
0x49: {  	_ = 	snop  }
0x4a: {  	[spmem:s3] =	stream.indirect.scatter.add.f32 [tilespmem:s17], [sflag:$0x3], $0x1, s28, s20, $0xb8;
	[tilespmem:$0x39E0] =	vst v63  }
0x4b: {  	_ =	swait.ge [sflag:s23], $0x100  }
0x4c: {  	[sflag:s23] =	ssyncset.done $0x0  }
0x4d: {  	[sflag:s23] =	ssyncadd.s32 $0xFFFFFF00  }
0x4e: {  	_ =	swait.ge [sflag:s23], $0x100  }
0x4f: {  	[sflag:s23] =	ssyncset.done $0x0  }
0x50: {  	[sflag:s23] =	ssyncadd.s32 $0xFFFFFF00  }
0x51: {  	p1 =	sne.s32 s12, $0x2;
	_ =	swait.ge [sflag:s23], $0x100  }
.Ltmp0:
0x52: {  	[sflag:s23] =	ssyncset.done $0x0;
	(pc) =	sbr.rel @!p1 .LBB2_3-.Ltmp0, $4  }
0x53: {  	s30 =	simm.s32 $0x2;
	[sflag:s23] =	ssyncadd.s32 $0xFFFFFF00  }
0x54: {  	s31 =	sadd.s32 $0x100, s1;
	p2 =	sle.u32 s6, $0x3;
	_ =	swait.ge [sflag:s23], $0x100  }
0x55: {  	s2 =	simm.s32 @!p2 $0x0;
	s5 =	simm.s32 @!p2 $0x400;
	[sflag:s23] =	ssyncset.done $0x0  }
0x56: {  	s14 =	smov.u32 s1;
	s0 =	sadd.s32 $0x100, s13;
	[sflag:s23] =	ssyncadd.s32 $0xFFFFFF00  }
.LBB2_2:
0x57: {  	[tilespmem:s5], [sflag:$0x2] =	stream.linear.gather @!p2 [hbm4b:s14+s2], $0x400, $0x38;
	[tilespmem:$0x39E0] =	vst v63  }
0x58: {  	s2 =	smov.u32 s30;
	s30 =	sadd.s32 $0x2, s30;
	_ =	swait.ge [sflag:s19], $0x400  }
0x59: {  	s14 =	smov.u32 s31;
	p1 =	sne.s32 s12, s30;
	[sflag:s19] =	ssyncset.done $0x0  }
0x5a: {  	[sflag:s19] =	ssyncadd.s32 $0xFFFFFC00  }
0x5b: {  	[spmem:s3] =	stream.indirect.scatter.add.f32 [tilespmem:s17], [sflag:$0x3], $0x1, s4, s20, $0xb8;
	[tilespmem:$0x39E0] =	vst v63  }
0x5c: {  	_ = 	snop  }
0x5d: {  	[spmem:s3] =	stream.indirect.scatter.add.f32 [tilespmem:s17], [sflag:$0x3], $0x1, s20, s20, $0xb8;
	[tilespmem:$0x39E0] =	vst v63  }
0x5e: {  	_ = 	snop  }
0x5f: {  	[spmem:s3] =	stream.indirect.scatter.add.f32 [tilespmem:s17], [sflag:$0x3], $0x1, s21, s20, $0xb8;
	[tilespmem:$0x39E0] =	vst v63  }
0x60: {  	_ = 	snop  }
0x61: {  	[spmem:s3] =	stream.indirect.scatter.add.f32 [tilespmem:s17], [sflag:$0x3], $0x1, s22, s20, $0xb8;
	[tilespmem:$0x39E0] =	vst v63  }
0x62: {  	_ =	swait.ge [sflag:s23], $0x100  }
0x63: {  	[sflag:s23] =	ssyncset.done $0x0  }
0x64: {  	[sflag:s23] =	ssyncadd.s32 $0xFFFFFF00  }
0x65: {  	_ =	swait.ge [sflag:s23], $0x100  }
0x66: {  	[sflag:s23] =	ssyncset.done $0x0  }
0x67: {  	[sflag:s23] =	ssyncadd.s32 $0xFFFFFF00  }
0x68: {  	_ =	swait.ge [sflag:s23], $0x100  }
0x69: {  	[sflag:s23] =	ssyncset.done $0x0  }
0x6a: {  	[sflag:s23] =	ssyncadd.s32 $0xFFFFFF00  }
0x6b: {  	_ =	swait.ge [sflag:s23], $0x100  }
0x6c: {  	p2 =	sge.u32 s30, s6;
	[sflag:s23] =	ssyncset.done $0x0  }
0x6d: {  	s5 =	simm.s32 @!p2 $0x0;
	[sflag:s23] =	ssyncadd.s32 $0xFFFFFF00  }
0x6e: {  	[tilespmem:s5], [sflag:$0x1] =	stream.linear.gather @!p2 [hbm4b:s0+s5], $0x400, $0x38;
	[tilespmem:$0x39E0] =	vst v63  }
0x6f: {  	_ =	swait.ge [sflag:s24], $0x400  }
0x70: {  	[sflag:s24] =	ssyncset.done $0x0  }
0x71: {  	[sflag:s24] =	ssyncadd.s32 $0xFFFFFC00  }
0x72: {  	[spmem:s3] =	stream.indirect.scatter.add.f32 [tilespmem:s17], [sflag:$0x3], $0x1, s18, s20, $0xb8;
	[tilespmem:$0x39E0] =	vst v63  }
0x73: {  	_ = 	snop  }
0x74: {  	[spmem:s3] =	stream.indirect.scatter.add.f32 [tilespmem:s17], [sflag:$0x3], $0x1, s25, s20, $0xb8;
	[tilespmem:$0x39E0] =	vst v63  }
0x75: {  	_ = 	snop  }
0x76: {  	[spmem:s3] =	stream.indirect.scatter.add.f32 [tilespmem:s17], [sflag:$0x3], $0x1, s26, s20, $0xb8;
	[tilespmem:$0x39E0] =	vst v63  }
0x77: {  	_ = 	snop  }
0x78: {  	[spmem:s3] =	stream.indirect.scatter.add.f32 [tilespmem:s17], [sflag:$0x3], $0x1, s28, s20, $0xb8;
	[tilespmem:$0x39E0] =	vst v63  }
0x79: {  	_ =	swait.ge [sflag:s23], $0x100  }
0x7a: {  	[sflag:s23] =	ssyncset.done $0x0  }
0x7b: {  	[sflag:s23] =	ssyncadd.s32 $0xFFFFFF00  }
0x7c: {  	_ =	swait.ge [sflag:s23], $0x100  }
0x7d: {  	[sflag:s23] =	ssyncset.done $0x0  }
0x7e: {  	[sflag:s23] =	ssyncadd.s32 $0xFFFFFF00  }
0x7f: {  	_ =	swait.ge [sflag:s23], $0x100  }
.Ltmp1:
0x80: {  	[sflag:s23] =	ssyncset.done $0x0;
	(pc) =	sbr.rel @p1 .LBB2_2-.Ltmp1, $4  }
0x81: {  	[sflag:s23] =	ssyncadd.s32 $0xFFFFFF00  }
0x82: {  	s31 =	sadd.s32 $0x100, s31;
	s2 =	sadd.s32 $0x3, s2;
	_ =	swait.ge [sflag:s23], $0x100  }
0x83: {  	p2 =	sge.u32 s2, s6;
	s0 =	sadd.s32 $0x100, s0;
	[sflag:s23] =	ssyncset.done $0x0  }
0x84: {  	s2 =	simm.s32 @!p2 $0x0;
	s5 =	simm.s32 @!p2 $0x400;
	[sflag:s23] =	ssyncadd.s32 $0xFFFFFF00  }
.LBB2_3:
0x85: {  	[tilespmem:s5], [sflag:$0x2] =	stream.linear.gather @!p2 [hbm4b:s14+s2], $0x400, $0x38;
	[tilespmem:$0x39E0] =	vst v63  }
0x86: {  	s0 =	simm.s32 @!p0 $0x1  }
0x87: {  	_ =	swait.ge @!p0 [sflag:s0], $0x400  }
0x88: {  	s2 =	simm.s32 @!p0 $0x0;
	[sflag:s0] =	ssyncset.done @!p0 $0x0  }
0x89: {  	s5 =	simm.s32 @!p0 $0x800;
	[sflag:s0] =	ssyncadd.s32 @!p0 $0xFFFFFC00;
	s0 =	simm.s32 @!p0 $0x100  }
0x8a: {  	[spmem:s3] =	stream.indirect.scatter.add.f32 @!p0 [tilespmem:s5], [sflag:$0x3], $0x1, s2, s0, $0xb8;
	[tilespmem:$0x39E0] =	vst v63  }
0x8b: {  	_ = 	snop  }
0x8c: {  	[spmem:s3] =	stream.indirect.scatter.add.f32 @!p0 [tilespmem:s5], [sflag:$0x3], $0x1, s0, s0, $0xb8;
	[tilespmem:$0x39E0] =	vst v63  }
0x8d: {  	s2 =	simm.s32 @!p0 $0x200  }
0x8e: {  	[spmem:s3] =	stream.indirect.scatter.add.f32 @!p0 [tilespmem:s5], [sflag:$0x3], $0x1, s2, s0, $0xb8;
	[tilespmem:$0x39E0] =	vst v63  }
0x8f: {  	s2 =	simm.s32 @!p0 $0x300  }
0x90: {  	[spmem:s3] =	stream.indirect.scatter.add.f32 @!p0 [tilespmem:s5], [sflag:$0x3], $0x1, s2, s0, $0xb8;
	[tilespmem:$0x39E0] =	vst v63  }
0x91: {  	s0 =	simm.s32 @!p0 $0x3  }
0x92: {  	_ =	swait.ge @!p0 [sflag:s0], $0x100  }
0x93: {  	[sflag:s0] =	ssyncset.done @!p0 $0x0  }
0x94: {  	[sflag:s0] =	ssyncadd.s32 @!p0 $0xFFFFFF00  }
0x95: {  	_ =	swait.ge @!p0 [sflag:s0], $0x100  }
0x96: {  	[sflag:s0] =	ssyncset.done @!p0 $0x0  }
0x97: {  	[sflag:s0] =	ssyncadd.s32 @!p0 $0xFFFFFF00  }
0x98: {  	_ =	swait.ge @!p0 [sflag:s0], $0x100  }
0x99: {  	[sflag:s0] =	ssyncset.done @!p0 $0x0  }
0x9a: {  	[sflag:s0] =	ssyncadd.s32 @!p0 $0xFFFFFF00  }
0x9b: {  	_ =	swait.ge @!p0 [sflag:s0], $0x100  }
0x9c: {  	[sflag:s0] =	ssyncset.done @!p0 $0x0  }
0x9d: {  	[sflag:s0] =	ssyncadd.s32 @!p0 $0xFFFFFF00  }
0x9e: {  	[bflag:$0x0] =	sbarrier.arrive $0xFFFF  }
0x9f: {  	[tilespmem:s15], [sflag:$0x4] =	stream.linear.gather [spmem:s7], $0x1870, $0x38;
	[tilespmem:$0x39E0] =	vst v63  }
0xa0: {  	s29 =	sadd.s32 $0x1, s29;
	_ =	swait.ge [sflag:s16], $0x1870  }
0xa1: {  	p1 =	sne.s32 s29, s11;
	[sflag:s16] =	ssyncset.done $0x0  }
.Ltmp2:
0xa2: {  	[sflag:s16] =	ssyncadd.s32 $0xFFFFE790;
	(pc) =	sbr.rel @p1 .LBB2_1-.Ltmp2, $4  }
0xa3: {  	[hbm4b:s10+s4] =	stream.linear.scatter [tilespmem:s15], [sflag:$0x4], $0x1870, $0x38;
	[tilespmem:$0x39E0] =	vst v63  }
0xa4: {  	_ =	swait.ge [sflag:s16], $0x1870  }
0xa5: {  	[sflag:s16] =	ssyncset.done $0x0  }
0xa6: {  	[sflag:s16] =	ssyncadd.s32 $0xFFFFE790  }
0xa7: {  	_ =	sfence.sel $0x180000  }
0xa8: {  	[bflag:$0x0] =	sbarrier.arrive $0xFFFF  }
0xa9: {  	_ =	strace $0x90000047  }
0xaa: {  	s0 =	stileid.u32;
	[bflag:$0x2] =	sbarrier.arrive $0xFFFF  }
0xab: {  	p0 =	sne.s32 s0, $0x0;
	s0 =	rddreg [dreg:$0x3]  }
0xac: {  	s0 =	sadd.s32 @!p0 $0x100000, s0  }
0xad: {  	[sflag:s0] =	ssyncadd.tile.s32 @!p0 $0x1;
	_ =	shalt  }
.Lfunc_end2:
_tile_overlayer_lowered:
.L_overlay_start_2:
0xae: {  	(tag) =	ssettag $0x2  }
0xaf: {  	s0 =	rddreg [dreg:$0x0];
	s2 =	stileid.u32  }
0xb0: {  	s1 =	rddreg [dreg:$0x1];
	p0 =	sne.s32 s2, $0x0  }
0xb1: {  	s3 =	rddreg [dreg:$0x2];
	[bflag:$0x3] =	sbarrier.arrive $0xFFFF;
	s2 =	simm.s32 @!p0 $0x1C04  }
0xb2: {  	[timem:s3], [sflag:s2] =	dma.local @!p0 [hbm:s0], s1  }
0xb3: {  	s0 =	simm.s32 @!p0 $0x4  }
0xb4: {  	_ =	swait.ge @!p0 [sflag:s0], s1  }
0xb5: {  	s1 =	ssub.s32 @!p0 $0x0, s1;
	[sflag:s0] =	ssyncset.done @!p0 $0x0  }
0xb6: {  	[sflag:s0] =	ssyncadd.s32 @!p0 s1  }
0xb7: {  	[bflag:$0x3] =	sbarrier.arrive $0xFFFF  }
0xb8: {  	_ =	shalt  }

// kernel: kernel.8.cloned.1.call-start
scs
__scs_entry_jumppad:
0x0: {  	(pc) =	sbr.rel $0x88, $3  }
0x1: {  	(tag) =	ssettag $0x0;
	lr =	simm.s32 $0x1  }
0x2: {  	[smem:$0x3F95] =	sst lr;
	_ =	strace $0xD0000000  }
0x3: {  	_ = 	snop  }
0x4: {  	_ = 	snop  }
0x5: {  	_ = 	snop  }
0x6: {  	_ = 	snop  }
0x7: {  	_ = 	snop  }
__scs_overlays_trampoline_lowered:
0x8: {  	[smem:$0x3FA4] =	sst s0  }
0x9: {  	[smem:$0x3FA5] =	sst s1  }
0xa: {  	[smem:$0x3FA6] =	sst s2  }
0xb: {  	[smem:$0x3FA7] =	sst s3  }
0xc: {  	[smem:$0x3FA8] =	sst s4  }
0xd: {  	[smem:$0x3FA9] =	sst s5  }
0xe: {  	[smem:$0x3FAA] =	sst s6  }
0xf: {  	[smem:$0x3FAB] =	sst s7  }
0x10: {  	[smem:$0x3FAC] =	sst s8  }
0x11: {  	[smem:$0x3FAD] =	sst s9;
	s0 =	simm.s32 @!p0 $0x0  }
0x12: {  	s1 =	sld [smem:$0x3F93];
	s0 =	simm.s32 @p0 $0x1  }
0x13: {  	[smem:$0x3FAE] =	sst s0;
	s0 =	simm.s32 @!p1 $0x0  }
0x14: {  	s2 =	sld [smem:$0x3F92];
	s0 =	simm.s32 @p1 $0x1  }
0x15: {  	[smem:$0x3FAF] =	sst s0;
	s0 =	simm.s32 @!p2 $0x0  }
0x16: {  	s3 =	sld [smem:$0x3FDB];
	s0 =	simm.s32 @p2 $0x1  }
0x17: {  	s4 =	simm.s32 $0x1BF5;
	[smem:$0x3FB1] =	sst s0  }
0x18: {  	s0 =	sld [smem:$0x3F94];
	_ =	swait.ge [sflag:s4], $0x0  }
0x19: {  	s7 =	sld [smem:$0x3F95]  }
0x1a: {  	s8 =	sadd.s32 $0xFFFFE003, lr  }
0x1b: {  	s9 =	sadd.s32 $0xFFFFFEF7, lr;
	s5 =	simm.s32 $0xFFFFFFFF;
	p2 =	slt.u32 s8, $0xFFFFF086  }
0x1c: {  	p1 =	slt.u32 s9, $0xF7A;
	s5 =	simm.s32 @!p2 $0x0  }
0x1d: {  	s5 =	simm.s32 @p1 $0x1;
	p0 =	seq.s32 s7, s2  }
0x1e: {  	s7 =	smul.u32 @!p0 $0xF7A, s2;
	p2 =	seq.s32 @!p0 s5, $0x0  }
0x1f: {  	s9 =	smul.u32 $0xF7A, s1;
	s8 =	simm.s32 @!p0 $0x1BF5;
	p2 =	por !p2, p0  }
0x20: {  	[sflag:s8] =	ssyncset.s32 @!p0 $0xFFFFF086;
	s6 =	sadd.s32 @!p0 s3, s7;
	s7 =	simm.s32 @!p0 $0x108  }
0x21: {  	s3 =	sadd.s32 s3, s9;
	s6 =	sadd.s32 @!p0 $0x88, s6;
	s7 =	simm.s32 @p2 $0x1082  }
0x22: {  	[simem:s7], [sflag:s8] =	dma.local @!p0 [hbm:s6], $0xF7A  }
0x23: {  	s9 =	sor.u32 $0xD0000000, s2;
	s6 =	simm.s32 $0x108;
	_ =	swait.ge @!p0 [sflag:s8], $0x0  }
0x24: {  	s3 =	sadd.s32 $0x88, s3;
	s6 =	simm.s32 @!p1 $0x1082;
	[sflag:s4] =	ssyncset.s32 $0xFFFFF086  }
0x25: {  	[simem:s6], [sflag:s4] =	dma.local [hbm:s3], $0xF7A  }
0x26: {  	[smem:$0x3F95] =	sst s1;
	(tag) =	ssettag s2;
	_ =	strace s9  }
0x27: {  	s1 =	sld [smem:$0x3FA5]  }
0x28: {  	s2 =	sld [smem:$0x3FA6]  }
0x29: {  	s4 =	sld [smem:$0x3FA8]  }
0x2a: {  	p0 =	seq.s32 s5, $0x0;
	s5 =	sld [smem:$0x3FA9]  }
0x2b: {  	s6 =	sld [smem:$0x3FAA]  }
0x2c: {  	s7 =	sld [smem:$0x3FAB]  }
0x2d: {  	s3 =	simm.s32 $0x108;
	s8 =	sld [smem:$0x3FAC]  }
0x2e: {  	s3 =	simm.s32 @!p0 $0x1082;
	s9 =	sld [smem:$0x3FAD]  }
0x2f: {  	lr =	sadd.s32 s0, s3;
	s0 =	sld [smem:$0x3FA4]  }
0x30: {  	s3 =	sld [smem:$0x3FA7]  }
0x31: {  	[smem:$0x3FB0] =	sst s10  }
0x32: {  	s10 =	sld [smem:$0x3FAE];
	_ =	sdelay $0x3  }
0x33: {  	p0 =	seq.s32 s10, $0x1;
	s10 =	sld [smem:$0x3FB0];
	_ =	sdelay $0x3  }
0x34: {  	[smem:$0x3FB0] =	sst s10  }
0x35: {  	s10 =	sld [smem:$0x3FAF];
	_ =	sdelay $0x3  }
0x36: {  	p1 =	seq.s32 s10, $0x1;
	s10 =	sld [smem:$0x3FB0];
	_ =	sdelay $0x3  }
0x37: {  	[smem:$0x3FB0] =	sst s10  }
0x38: {  	s10 =	sld [smem:$0x3FB1]  }
0x39: {  	_ = 	snop;
	(pc) =	sbr.ind lr, $3  }
0x3a: {  	_ = 	snop  }
0x3b: {  	_ = 	snop  }
0x3c: {  	p2 =	seq.s32 s10, $0x1;
	s10 =	sld [smem:$0x3FB0]  }
0x3d: {  	_ =	shalt  }
0x3e: {  	_ =	shalt  }
0x3f: {  	_ =	shalt  }
0x40: {  	_ =	shalt  }
0x41: {  	_ =	shalt  }
0x42: {  	_ =	shalt  }
0x43: {  	_ =	shalt  }
0x44: {  	_ =	shalt  }
0x45: {  	_ =	shalt  }
0x46: {  	_ =	shalt  }
0x47: {  	_ =	shalt  }
0x48: {  	_ =	shalt  }
0x49: {  	_ =	shalt  }
0x4a: {  	_ =	shalt  }
0x4b: {  	_ =	shalt  }
0x4c: {  	_ =	shalt  }
0x4d: {  	_ =	shalt  }
0x4e: {  	_ =	shalt  }
0x4f: {  	_ =	shalt  }
0x50: {  	_ =	shalt  }
0x51: {  	_ =	shalt  }
0x52: {  	_ =	shalt  }
0x53: {  	_ =	shalt  }
0x54: {  	_ =	shalt  }
0x55: {  	_ =	shalt  }
0x56: {  	_ =	shalt  }
0x57: {  	_ =	shalt  }
0x58: {  	_ =	shalt  }
0x59: {  	_ =	shalt  }
0x5a: {  	_ =	shalt  }
0x5b: {  	_ =	shalt  }
0x5c: {  	_ =	shalt  }
0x5d: {  	_ =	shalt  }
0x5e: {  	_ =	shalt  }
0x5f: {  	_ =	shalt  }
0x60: {  	_ =	shalt  }
0x61: {  	_ =	shalt  }
0x62: {  	_ =	shalt  }
0x63: {  	_ =	shalt  }
0x64: {  	_ =	shalt  }
0x65: {  	_ =	shalt  }
0x66: {  	_ =	shalt  }
0x67: {  	_ =	shalt  }
0x68: {  	_ =	shalt  }
0x69: {  	_ =	shalt  }
0x6a: {  	_ =	shalt  }
0x6b: {  	_ =	shalt  }
0x6c: {  	_ =	shalt  }
0x6d: {  	_ =	shalt  }
0x6e: {  	_ =	shalt  }
0x6f: {  	_ =	shalt  }
0x70: {  	_ =	shalt  }
0x71: {  	_ =	shalt  }
0x72: {  	_ =	shalt  }
0x73: {  	_ =	shalt  }
0x74: {  	_ =	shalt  }
0x75: {  	_ =	shalt  }
0x76: {  	_ =	shalt  }
0x77: {  	_ =	shalt  }
0x78: {  	_ =	shalt  }
0x79: {  	_ =	shalt  }
0x7a: {  	_ =	shalt  }
0x7b: {  	_ =	shalt  }
0x7c: {  	_ =	shalt  }
0x7d: {  	_ =	shalt  }
0x7e: {  	_ =	shalt  }
0x7f: {  	_ =	shalt  }
0x80: {  	_ =	shalt  }
0x81: {  	_ =	shalt  }
0x82: {  	_ =	shalt  }
0x83: {  	_ =	shalt  }
0x84: {  	_ =	shalt  }
0x85: {  	_ =	shalt  }
0x86: {  	_ =	shalt  }
0x87: {  	_ =	shalt  }
.Lfunc_end0:
.L_simem_size_0:
called_computation.1_lowered:
.L_overlay_start_0:
0x88: {  	s2 =	sld [smem:$0x3FD9]  }
0x89: {  	s3 =	sld [smem:$0x3FFE];
	_ =	sdelay $0x1  }
0x8a: {  	s1 =	srdreg.scid  }
0x8b: {  	s0 =	sand.u32 $0x1, s1  }
0x8c: {  	s17 =	sshll.u32 s0, $0xA;
	s2 =	sadd.s32 s3, s2  }
0x8d: {  	s2 =	sadd.s32 s2, s17  }
0x8e: {  	[smem:$0x3FBC] =	sst s2  }
0x8f: {  	_ = 	snop  }
0x90: {  	s2 =	sld [smem:$0x3FD0];
	(tm) =	ssettm $0x1  }
0x91: {  	s18 =	sld [smem:$0x3FFB];
	_ =	sdelay $0x3  }
0x92: {  	_ =	strace s18  }
0x93: {  	s3 =	sld [smem:$0x3FFC];
	_ =	sdelay $0x3  }
0x94: {  	_ =	strace s3  }
0x95: {  	s3 =	sld [smem:$0x3FFD];
	_ =	sdelay $0x3  }
0x96: {  	_ =	strace s3  }
0x97: {  	_ =	strace $0x8FFFFFFF  }
0x98: {  	s19 =	sld [smem:$0x3FDB];
	_ =	sdelay $0x1  }
0x99: {  	s4 =	simm.s32 $_scs_section_size  }
0x9a: {  	s5 =	simm.s32 $_size__tile_overlayer_lowered;
	s6 =	simm.s32 $_tile_overlayer_lowered  }
0x9b: {  	s22 =	simm.s32 $0x1BFF;
	s21 =	sshll.u32 s6, $0x1;
	s3 =	sadd.s32 s4, s19  }
0x9c: {  	s7 =	simm.s32 $0x0;
	s20 =	sshll.u32 s5, $0x1;
	s5 =	sadd.s32 s21, s3  }
0x9d: {  	[timem:s7], [sflag:s22] =	dma.local [hbm:s5], s20  }
0x9e: {  	_ =	swait.ge [sflag:s22], s20  }
0x9f: {  	s4 =	ssub.s32 $0x0, s20;
	[sflag:s22] =	ssyncset.done $0x0  }
0xa0: {  	[sflag:s22] =	ssyncadd.s32 s4;
	_ =	sdelay $0x1  }
0xa1: {  	s23 =	simm.s32 $0x1B8B  }
0xa2: {  	_ =	swait.ge [sflag:s23], $0x1  }
0xa3: {  	[sflag:s23] =	ssyncset.done $0x0  }
0xa4: {  	s25 =	simm.s32 $0x1B8E;
	s24 =	sld [smem:$0x3FFE];
	[sflag:s23] =	ssyncadd.s32 $0xFFFFFFFF  }
0xa5: {  	s26 =	simm.s32 $execute0_lowered;
	[smem:$0x3FD2] =	sst s25  }
0xa6: {  	s5 =	sshll.u32 s26, $0x1;
	_ =	strace $0x80000049;
	[dreg:$0x1] =	wrdreg $0xFFFFFFFF  }
0xa7: {  	s28 =	simm.s32 $_size_execute0_lowered;
	s3 =	sadd.s32 s3, s5;
	[dreg:$0x0] =	wrdreg $0x0  }
0xa8: {  	s5 =	sshll.u32 s28, $0x1;
	[dreg:$0x2] =	wrdreg s3  }
0xa9: {  	[dreg:$0x3] =	wrdreg s5  }
0xaa: {  	[dreg:$0x4] =	wrdreg $0xC0  }
0xab: {  	_ =	task [dreg:s7], $0x5FFFF  }
0xac: {  	[dreg:$0x1] =	wrdreg $0xFFFFFFFF  }
0xad: {  	[dreg:$0x0] =	wrdreg $0x60  }
0xae: {  	[dreg:$0x2] =	wrdreg s24  }
0xaf: {  	[dreg:$0x3] =	wrdreg s2  }
0xb0: {  	[dreg:$0x4] =	wrdreg $0x113800  }
0xb1: {  	[dreg:$0x5] =	wrdreg $0x9  }
0xb2: {  	_ =	task.clear_ibuf [dreg:s7], $0x6FFFF;
	_ =	strace $0x90000049  }
0xb3: {  	s29 =	simm.s32 $0x9;
	_ =	strace $0x8000004B  }
0xb4: {  	_ =	swait.ge [sflag:s29], $0x1  }
0xb5: {  	[sflag:s29] =	ssyncadd.s32 $0xFFFFFFFF  }
0xb6: {  	_ =	strace $0x9000004B  }
0xb7: {  	_ =	sfence  }
0xb8: {  	s30 =	sld [smem:$0x0];
	_ =	sdelay $0x2  }
0xb9: {  	s31 =	sshll.u32 s1, $0xD;
	s1 =	sshrl.u32 s1, $0x2  }
0xba: {  	s3 =	sand.u32 $0x4000, s31;
	s1 =	sadd.s32 s1, s30  }
0xbb: {  	s0 =	sor.u32 s3, s0;
	s1 =	sshll.u32 s1, $0x11  }
0xbc: {  	s0 =	sor.u32 s1, s0  }
0xbd: {  	s0 =	sadd.s32 $0x8F2B, s0  }
0xbe: {  	[sflag:s0] =	ssyncadd.remote.s32 $0x1  }
0xbf: {  	_ =	sfence.sel $0xFFFF  }
0xc0: {  	[dreg:$0x0] =	wrdreg $0xFFFFFFFF;
	(pc) =	sbr.abs _section_cstart, $3  }
0xc1: {  	[dreg:$0x1] =	wrdreg $0xFFFFFFFF  }
0xc2: {  	_ =	task.clear_ibuf [dreg:s7], $0x2FFFF;
	_ =	strace $0x9FFFFFFF  }
0xc3: {  	(tm) =	ssettm $0x7FFFFFFF  }
tec
execute0_lowered:
.L_overlay_start_1:
0x0: {  	(tag) =	ssettag $0x1  }
0x1: {  	s0 =	rddreg [dreg:$0x0]  }
0x2: {  	s1 =	srdreg.scid;
	s14 =	stileid.u32  }
0x3: {  	s3 =	rddreg [dreg:$0x2];
	s4 =	simm.s32 $0x0;
	s2 =	smul.u32 $0xC380, s14  }
0x4: {  	s17 =	simm.s32 $0x500;
	s28 =	simm.s32 $0x1800;
	s21 =	smul.u32 $0xFFFFFCF0, s14  }
0x5: {  	s29 =	simm.s32 $0x2000;
	s1 =	sand.u32 $0x1, s1;
	s26 =	smul.u32 $0x310, s14  }
0x6: {  	s30 =	simm.s32 $0x3;
	s31 =	simm.s32 $0x4;
	s5 =	smul.u32 $0xC3800, s1  }
0x7: {  	[smem:$0x7FF] =	sst s4;
	s6 =	sshll.u32 s14, $0x1;
	s13 =	smul.u32 $0xFFFFFE78, s1  }
0x8: {  	s6 =	sor.u32 s1, s6;
	s18 =	ssub.s32 $0x2, s1;
	s1 =	smul.u32 $0x188, s1  }
0x9: {  	s7 =	sadd.s32 $0x2400, s0;
	s14 =	simm.s32 $0x300;
	s9 =	smul.u32 $0x188, s6  }
0xa: {  	_ =	strace $0x8000004A;
	[dreg:$0x6] =	wrdreg s14;
	s12 =	smul.u32 $0x3100, s6  }
0xb: {  	[dreg:$0x7] =	wrdreg s17;
	s10 =	sshrl.u32 s18, $0x1;
	s20 =	smul.u32 $0x18800, s6  }
0xc: {  	s16 =	sadd.s32 s2, s3;
	s5 =	sadd.s32 s2, s5;
	s25 =	sadd.s32 s21, s13  }
0xd: {  	s1 =	sadd.s32 s1, s26;
	s13 =	simm.s32 $0x200;
	s21 =	simm.s32 $0x2900  }
0xe: {  	s26 =	simm.s32 $0x2F00;
	[dreg:$0x11] =	wrdreg s16;
	s8 =	sshrl.u32 s5, $0x3  }
0xf: {  	s5 =	sadd.s32 $0xC5A00, s0;
	s11 =	ssub.s32 $0x30D4, s9;
	s9 =	sshll.u32 s9, $0x5  }
0x10: {  	s15 =	sadd.s32 s7, s12;
	s24 =	sshrl.u32 s20, $0x3;
	[dreg:$0x5] =	wrdreg s13  }
0x11: {  	s1 =	sshll.u32 s1, $0x5;
	s20 =	simm.s32 $0x700;
	[dreg:$0xa] =	wrdreg s21  }
0x12: {  	s21 =	simm.s32 $0x2800;
	[dreg:$0xf] =	wrdreg s26;
	s26 =	simm.s32 $0x1000  }
0x13: {  	s0 =	sadd.s32 s8, s0;
	s8 =	ssub.s32 s18, s10;
	s19 =	smin.u32 s11, $0x188  }
0x14: {  	s9 =	sadd.s32 s7, s9;
	[dreg:$0x10] =	wrdreg s15;
	s23 =	sadd.s32 $0x80, s15  }
0x15: {  	s2 =	sadd.s32 s7, s24;
	s12 =	sadd.s32 s7, s1;
	[dreg:$0x9] =	wrdreg s20  }
0x16: {  	s20 =	simm.s32 $0x400;
	s24 =	simm.s32 $0x2D00;
	[dreg:$0x13] =	wrdreg s23  }
0x17: {  	s1 =	simm.s32 $0x2;
	s22 =	sadd.s32 $0x61A80, s9;
	[dreg:$0xd] =	wrdreg s24  }
0x18: {  	s11 =	simm.s32 $0x0;
	s2 =	sadd.s32 $0x61B00, s2;
	[dreg:$0x12] =	wrdreg s22  }
0x19: {  	s6 =	sshrl.u32 s19, $0x2;
	s0 =	sadd.s32 $0xDE200, s0;
	[dreg:$0x14] =	wrdreg s2  }
0x1a: {  	s9 =	sadd.s32 $0x30D4, s25;
	s8 =	smax.u32 s8, $0x1;
	[dreg:$0x15] =	wrdreg s0  }
0x1b: {  	s7 =	sadd.s32 $0x100, s12;
	s15 =	sadd.s32 $0x61B80, s12;
	[dreg:$0x16] =	wrdreg s8  }
0x1c: {  	s18 =	sadd.s32 $0x180, s12;
	s23 =	simm.s32 $0x2B00;
	[dreg:$0x17] =	wrdreg s7  }
0x1d: {  	s25 =	simm.s32 $0x2E00;
	s24 =	simm.s32 $0x100;
	[dreg:$0x18] =	wrdreg s15  }
0x1e: {  	s2 =	sand.u32 $0x4, s19;
	s9 =	smin.u32 s9, $0x188;
	[dreg:$0x19] =	wrdreg s18  }
0x1f: {  	s19 =	simm.s32 $0x600;
	s8 =	simm.s32 $0x5000;
	[dreg:$0xc] =	wrdreg s23  }
0x20: {  	s22 =	simm.s32 $0x2A00;
	s23 =	simm.s32 $0x1;
	[dreg:$0xe] =	wrdreg s25  }
0x21: {  	s25 =	simm.s32 $0x800;
	s10 =	sshrl.u32 s9, $0x2;
	[dreg:$0x8] =	wrdreg s19  }
0x22: {  	[dreg:$0xb] =	wrdreg s22;
	s22 =	simm.s32 $0x2C00;
	p0 =	seq.s32 s2, $0x0  }
0x23: {  	s2 =	simm.s32 $0x3800;
	s9 =	simm.s32 $0x4000;
	s0 =	sand.u32 $0x7E, s10  }
0x24: {  	s10 =	simm.s32 $0x4800;
	[dreg:$0x4] =	wrdreg s0;
	s0 =	sadd.s32 $0x61C00, s12  }
0x25: {  	s12 =	simm.s32 $0x5;
	[dreg:$0x1a] =	wrdreg s0;
	s0 =	simm.s32 $0x3000  }
.LBB2_1:
0x26: {  	s7 =	rddreg [dreg:$0x1]  }
0x27: {  	[tilespmem:s8], [sflag:$0x5] =	stream.linear.gather [hbm4b:s7+s4], $0xC380, $0x38;
	[tilespmem:$0x1D700] =	vst v63  }
0x28: {  	_ =	swait.ge [sflag:s12], $0xC380  }
0x29: {  	[sflag:s12] =	ssyncset.done $0x0  }
0x2a: {  	[sflag:s12] =	ssyncadd.s32 $0xFFFF3C80  }
0x2b: {  	[spmem:s16] =	stream.linear.scatter [tilespmem:s8], [sflag:$0x5], $0xC380, $0x38;
	[tilespmem:$0x1D700] =	vst v63  }
0x2c: {  	_ =	swait.ge [sflag:s12], $0xC380  }
0x2d: {  	[sflag:s12] =	ssyncset.done $0x0  }
0x2e: {  	[sflag:s12] =	ssyncadd.s32 $0xFFFF3C80  }
0x2f: {  	[bflag:$0x0] =	sbarrier.arrive $0xFFFF  }
0x30: {  	s8 =	rddreg [dreg:$0x10]  }
0x31: {  	[tilespmem:s4], [sflag:$0x1] =	stream.linear.gather [hbm4b:s8+s4], $0x400, $0x38;
	[tilespmem:$0x1D700] =	vst v63  }
0x32: {  	s12 =	rddreg [dreg:$0x12]  }
0x33: {  	[tilespmem:s20], [sflag:$0x1] =	stream.linear.gather [hbm4b:s12+s4], $0x400, $0x38;
	[tilespmem:$0x1D700] =	vst v63  }
0x34: {  	s13 =	rddreg [dreg:$0x13]  }
0x35: {  	[tilespmem:s21], [sflag:$0x2] =	stream.linear.gather [hbm4b:s13+s4], $0x400, $0x38;
	[tilespmem:$0x1D700] =	vst v63  }
0x36: {  	s14 =	rddreg [dreg:$0x14]  }
0x37: {  	[tilespmem:s22], [sflag:$0x2] =	stream.linear.gather [hbm4b:s14+s4], $0x400, $0x38;
	[tilespmem:$0x1D700] =	vst v63  }
0x38: {  	_ =	swait.ge [sflag:s23], $0x400  }
0x39: {  	[sflag:s23] =	ssyncset.done $0x0  }
0x3a: {  	[sflag:s23] =	ssyncadd.s32 $0xFFFFFC00  }
0x3b: {  	_ =	swait.ge [sflag:s23], $0x400  }
0x3c: {  	[sflag:s23] =	ssyncset.done $0x0  }
0x3d: {  	[sflag:s23] =	ssyncadd.s32 $0xFFFFFC00  }
0x3e: {  	[tilespmem:s25], [sflag:$0x3] =	stream.indirect.gather [hbm4b:s5+s24], $0x8, s4, s24, $0xb8;
	[tilespmem:$0x1D700] =	vst v63  }
0x3f: {  	_ = 	snop  }
0x40: {  	[tilespmem:s26], [sflag:$0x3] =	stream.indirect.gather [hbm4b:s5+s24], $0x8, s24, s24, $0xb8;
	[tilespmem:$0x1D700] =	vst v63  }
0x41: {  	s15 =	rddreg [dreg:$0x5]  }
0x42: {  	[tilespmem:s28], [sflag:$0x3] =	stream.indirect.gather [hbm4b:s5+s24], $0x8, s15, s24, $0xb8;
	[tilespmem:$0x1D700] =	vst v63  }
0x43: {  	s16 =	rddreg [dreg:$0x6]  }
0x44: {  	[tilespmem:s29], [sflag:$0x3] =	stream.indirect.gather [hbm4b:s5+s24], $0x8, s16, s24, $0xb8;
	[tilespmem:$0x1D700] =	vst v63  }
0x45: {  	_ =	swait.ge [sflag:s30], $0x800  }
0x46: {  	[sflag:s30] =	ssyncset.done $0x0  }
0x47: {  	[sflag:s30] =	ssyncadd.s32 $0xFFFFF800  }
0x48: {  	[spmem:s3] =	stream.indirect.scatter.add.f32 [tilespmem:s25], [sflag:$0x4], $0x8, s20, s24, $0xb8;
	[tilespmem:$0x1D700] =	vst v63  }
0x49: {  	_ =	swait.ge [sflag:s30], $0x800  }
0x4a: {  	[sflag:s30] =	ssyncset.done $0x0  }
0x4b: {  	s17 =	rddreg [dreg:$0x7];
	[sflag:s30] =	ssyncadd.s32 $0xFFFFF800  }
0x4c: {  	[spmem:s3] =	stream.indirect.scatter.add.f32 [tilespmem:s26], [sflag:$0x4], $0x8, s17, s24, $0xb8;
	[tilespmem:$0x1D700] =	vst v63  }
0x4d: {  	_ =	swait.ge [sflag:s30], $0x800  }
0x4e: {  	[sflag:s30] =	ssyncset.done $0x0  }
0x4f: {  	s18 =	rddreg [dreg:$0x8];
	[sflag:s30] =	ssyncadd.s32 $0xFFFFF800  }
0x50: {  	[spmem:s3] =	stream.indirect.scatter.add.f32 [tilespmem:s28], [sflag:$0x4], $0x8, s18, s24, $0xb8;
	[tilespmem:$0x1D700] =	vst v63  }
0x51: {  	_ =	swait.ge [sflag:s30], $0x800  }
0x52: {  	[sflag:s30] =	ssyncset.done $0x0  }
0x53: {  	s19 =	rddreg [dreg:$0x9];
	[sflag:s30] =	ssyncadd.s32 $0xFFFFF800  }
0x54: {  	[spmem:s3] =	stream.indirect.scatter.add.f32 [tilespmem:s29], [sflag:$0x4], $0x8, s19, s24, $0xb8;
	[tilespmem:$0x1D700] =	vst v63  }
0x55: {  	_ =	swait.ge [sflag:s31], $0x800  }
0x56: {  	[sflag:s31] =	ssyncset.done $0x0  }
0x57: {  	[sflag:s31] =	ssyncadd.s32 $0xFFFFF800  }
0x58: {  	_ =	swait.ge [sflag:s31], $0x800  }
0x59: {  	[sflag:s31] =	ssyncset.done $0x0  }
0x5a: {  	[sflag:s31] =	ssyncadd.s32 $0xFFFFF800  }
0x5b: {  	_ =	swait.ge [sflag:s31], $0x800  }
0x5c: {  	[sflag:s31] =	ssyncset.done $0x0  }
0x5d: {  	[sflag:s31] =	ssyncadd.s32 $0xFFFFF800  }
0x5e: {  	_ =	swait.ge [sflag:s31], $0x800  }
0x5f: {  	p1 =	sle.u32 s6, $0x2;
	[sflag:s31] =	ssyncset.done $0x0  }
0x60: {  	s7 =	simm.s32 @!p1 $0x0;
	s14 =	rddreg [dreg:$0x17];
	[sflag:s31] =	ssyncadd.s32 $0xFFFFF800  }
0x61: {  	[tilespmem:s7], [sflag:$0x1] =	stream.linear.gather @!p1 [hbm4b:s14+s7], $0x400, $0x38;
	[tilespmem:$0x1D700] =	vst v63  }
0x62: {  	s8 =	simm.s32 @!p1 $0x400;
	s13 =	rddreg [dreg:$0x18]  }
0x63: {  	[tilespmem:s8], [sflag:$0x1] =	stream.linear.gather @!p1 [hbm4b:s13+s7], $0x400, $0x38;
	[tilespmem:$0x1D700] =	vst v63  }
0x64: {  	_ =	swait.ge [sflag:s1], $0x400  }
0x65: {  	[sflag:s1] =	ssyncset.done $0x0  }
0x66: {  	[sflag:s1] =	ssyncadd.s32 $0xFFFFFC00  }
0x67: {  	_ =	swait.ge [sflag:s1], $0x400  }
0x68: {  	[sflag:s1] =	ssyncset.done $0x0  }
0x69: {  	[sflag:s1] =	ssyncadd.s32 $0xFFFFFC00  }
0x6a: {  	[tilespmem:s0], [sflag:$0x3] =	stream.indirect.gather [hbm4b:s5+s24], $0x8, s21, s24, $0xb8;
	[tilespmem:$0x1D700] =	vst v63  }
0x6b: {  	s8 =	rddreg [dreg:$0xa]  }
0x6c: {  	[tilespmem:s2], [sflag:$0x3] =	stream.indirect.gather [hbm4b:s5+s24], $0x8, s8, s24, $0xb8;
	[tilespmem:$0x1D700] =	vst v63  }
0x6d: {  	s12 =	rddreg [dreg:$0xb]  }
0x6e: {  	[tilespmem:s9], [sflag:$0x3] =	stream.indirect.gather [hbm4b:s5+s24], $0x8, s12, s24, $0xb8;
	[tilespmem:$0x1D700] =	vst v63  }
0x6f: {  	s15 =	rddreg [dreg:$0xc]  }
0x70: {  	[tilespmem:s10], [sflag:$0x3] =	stream.indirect.gather [hbm4b:s5+s24], $0x8, s15, s24, $0xb8;
	[tilespmem:$0x1D700] =	vst v63  }
0x71: {  	_ =	swait.ge [sflag:s30], $0x800  }
0x72: {  	[sflag:s30] =	ssyncset.done $0x0  }
0x73: {  	[sflag:s30] =	ssyncadd.s32 $0xFFFFF800  }
0x74: {  	[spmem:s3] =	stream.indirect.scatter.add.f32 [tilespmem:s0], [sflag:$0x4], $0x8, s22, s24, $0xb8;
	[tilespmem:$0x1D700] =	vst v63  }
0x75: {  	_ =	swait.ge [sflag:s30], $0x800  }
0x76: {  	[sflag:s30] =	ssyncset.done $0x0  }
0x77: {  	s16 =	rddreg [dreg:$0xd];
	[sflag:s30] =	ssyncadd.s32 $0xFFFFF800  }
0x78: {  	[spmem:s3] =	stream.indirect.scatter.add.f32 [tilespmem:s2], [sflag:$0x4], $0x8, s16, s24, $0xb8;
	[tilespmem:$0x1D700] =	vst v63  }
0x79: {  	_ =	swait.ge [sflag:s30], $0x800  }
0x7a: {  	[sflag:s30] =	ssyncset.done $0x0  }
0x7b: {  	s17 =	rddreg [dreg:$0xe];
	[sflag:s30] =	ssyncadd.s32 $0xFFFFF800  }
0x7c: {  	[spmem:s3] =	stream.indirect.scatter.add.f32 [tilespmem:s9], [sflag:$0x4], $0x8, s17, s24, $0xb8;
	[tilespmem:$0x1D700] =	vst v63  }
0x7d: {  	_ =	swait.ge [sflag:s30], $0x800  }
0x7e: {  	[sflag:s30] =	ssyncset.done $0x0  }
0x7f: {  	s18 =	rddreg [dreg:$0xf];
	[sflag:s30] =	ssyncadd.s32 $0xFFFFF800  }
0x80: {  	[spmem:s3] =	stream.indirect.scatter.add.f32 [tilespmem:s10], [sflag:$0x4], $0x8, s18, s24, $0xb8;
	[tilespmem:$0x1D700] =	vst v63  }
0x81: {  	_ =	swait.ge [sflag:s31], $0x800  }
0x82: {  	[sflag:s31] =	ssyncset.done $0x0  }
0x83: {  	[sflag:s31] =	ssyncadd.s32 $0xFFFFF800  }
0x84: {  	_ =	swait.ge [sflag:s31], $0x800  }
0x85: {  	[sflag:s31] =	ssyncset.done $0x0  }
0x86: {  	[sflag:s31] =	ssyncadd.s32 $0xFFFFF800  }
0x87: {  	_ =	swait.ge [sflag:s31], $0x800  }
0x88: {  	[sflag:s31] =	ssyncset.done $0x0  }
0x89: {  	[sflag:s31] =	ssyncadd.s32 $0xFFFFF800  }
0x8a: {  	_ =	swait.ge [sflag:s31], $0x800  }
0x8b: {  	s19 =	rddreg [dreg:$0x4]  }
0x8c: {  	s14 =	sadd.s32 $0x100, s14;
	s7 =	simm.s32 $0x2;
	p2 =	sne.s32 s19, $0x2  }
.Ltmp0:
0x8d: {  	p1 =	sle.u32 s6, $0x3;
	s13 =	sadd.s32 $0x100, s13;
	(pc) =	sbr.rel @!p2 .LBB2_3-.Ltmp0, $4  }
0x8e: {  	s12 =	simm.s32 @!p1 $0x2800;
	[sflag:s31] =	ssyncset.done $0x0;
	s15 =	rddreg [dreg:$0x19]  }
0x8f: {  	s18 =	simm.s32 @!p1 $0x0;
	s17 =	rddreg [dreg:$0x1a];
	[sflag:s31] =	ssyncadd.s32 $0xFFFFF800  }
0x90: {  	[tilespmem:s12], [sflag:$0x2] =	stream.linear.gather @!p1 [hbm4b:s15+s18], $0x400, $0x38;
	[tilespmem:$0x1D700] =	vst v63  }
0x91: {  	s16 =	simm.s32 @!p1 $0x2C00;
	s8 =	sadd.s32 $0x100, s15;
	s12 =	sadd.s32 $0x100, s17  }
.LBB2_2:
0x92: {  	[tilespmem:s16], [sflag:$0x2] =	stream.linear.gather @!p1 [hbm4b:s17+s18], $0x400, $0x38;
	[tilespmem:$0x1D700] =	vst v63  }
0x93: {  	_ =	swait.ge [sflag:s23], $0x400  }
0x94: {  	[sflag:s23] =	ssyncset.done $0x0  }
0x95: {  	[sflag:s23] =	ssyncadd.s32 $0xFFFFFC00  }
0x96: {  	_ =	swait.ge [sflag:s23], $0x400  }
0x97: {  	[sflag:s23] =	ssyncset.done $0x0  }
0x98: {  	[sflag:s23] =	ssyncadd.s32 $0xFFFFFC00  }
0x99: {  	[tilespmem:s25], [sflag:$0x3] =	stream.indirect.gather [hbm4b:s5+s24], $0x8, s4, s24, $0xb8;
	[tilespmem:$0x1D700] =	vst v63  }
0x9a: {  	_ = 	snop  }
0x9b: {  	[tilespmem:s26], [sflag:$0x3] =	stream.indirect.gather [hbm4b:s5+s24], $0x8, s24, s24, $0xb8;
	[tilespmem:$0x1D700] =	vst v63  }
0x9c: {  	s15 =	rddreg [dreg:$0x5]  }
0x9d: {  	[tilespmem:s28], [sflag:$0x3] =	stream.indirect.gather [hbm4b:s5+s24], $0x8, s15, s24, $0xb8;
	[tilespmem:$0x1D700] =	vst v63  }
0x9e: {  	s19 =	rddreg [dreg:$0x6]  }
0x9f: {  	[tilespmem:s29], [sflag:$0x3] =	stream.indirect.gather [hbm4b:s5+s24], $0x8, s19, s24, $0xb8;
	[tilespmem:$0x1D700] =	vst v63  }
0xa0: {  	_ =	swait.ge [sflag:s30], $0x800  }
0xa1: {  	[sflag:s30] =	ssyncset.done $0x0  }
0xa2: {  	[sflag:s30] =	ssyncadd.s32 $0xFFFFF800  }
0xa3: {  	[spmem:s3] =	stream.indirect.scatter.add.f32 [tilespmem:s25], [sflag:$0x4], $0x8, s20, s24, $0xb8;
	[tilespmem:$0x1D700] =	vst v63  }
0xa4: {  	_ =	swait.ge [sflag:s30], $0x800  }
0xa5: {  	[sflag:s30] =	ssyncset.done $0x0  }
0xa6: {  	s19 =	rddreg [dreg:$0x7];
	[sflag:s30] =	ssyncadd.s32 $0xFFFFF800  }
0xa7: {  	[spmem:s3] =	stream.indirect.scatter.add.f32 [tilespmem:s26], [sflag:$0x4], $0x8, s19, s24, $0xb8;
	[tilespmem:$0x1D700] =	vst v63  }
0xa8: {  	_ =	swait.ge [sflag:s30], $0x800  }
0xa9: {  	[sflag:s30] =	ssyncset.done $0x0  }
0xaa: {  	s19 =	rddreg [dreg:$0x8];
	[sflag:s30] =	ssyncadd.s32 $0xFFFFF800  }
0xab: {  	[spmem:s3] =	stream.indirect.scatter.add.f32 [tilespmem:s28], [sflag:$0x4], $0x8, s19, s24, $0xb8;
	[tilespmem:$0x1D700] =	vst v63  }
0xac: {  	_ =	swait.ge [sflag:s30], $0x800  }
0xad: {  	[sflag:s30] =	ssyncset.done $0x0  }
0xae: {  	s19 =	rddreg [dreg:$0x9];
	[sflag:s30] =	ssyncadd.s32 $0xFFFFF800  }
0xaf: {  	[spmem:s3] =	stream.indirect.scatter.add.f32 [tilespmem:s29], [sflag:$0x4], $0x8, s19, s24, $0xb8;
	[tilespmem:$0x1D700] =	vst v63  }
0xb0: {  	_ =	swait.ge [sflag:s31], $0x800  }
0xb1: {  	[sflag:s31] =	ssyncset.done $0x0  }
0xb2: {  	[sflag:s31] =	ssyncadd.s32 $0xFFFFF800  }
0xb3: {  	_ =	swait.ge [sflag:s31], $0x800  }
0xb4: {  	[sflag:s31] =	ssyncset.done $0x0  }
0xb5: {  	[sflag:s31] =	ssyncadd.s32 $0xFFFFF800  }
0xb6: {  	_ =	swait.ge [sflag:s31], $0x800  }
0xb7: {  	[sflag:s31] =	ssyncset.done $0x0  }
0xb8: {  	[sflag:s31] =	ssyncadd.s32 $0xFFFFF800  }
0xb9: {  	s18 =	smov.u32 s7;
	s7 =	sadd.s32 $0x2, s7;
	_ =	swait.ge [sflag:s31], $0x800  }
0xba: {  	p1 =	sge.u32 s7, s6;
	[sflag:s31] =	ssyncset.done $0x0  }
0xbb: {  	s15 =	simm.s32 @!p1 $0x0;
	[sflag:s31] =	ssyncadd.s32 $0xFFFFF800  }
0xbc: {  	[tilespmem:s15], [sflag:$0x1] =	stream.linear.gather @!p1 [hbm4b:s14+s15], $0x400, $0x38;
	[tilespmem:$0x1D700] =	vst v63  }
0xbd: {  	s19 =	simm.s32 @!p1 $0x400  }
0xbe: {  	[tilespmem:s19], [sflag:$0x1] =	stream.linear.gather @!p1 [hbm4b:s13+s15], $0x400, $0x38;
	[tilespmem:$0x1D700] =	vst v63  }
0xbf: {  	_ =	swait.ge [sflag:s1], $0x400  }
0xc0: {  	[sflag:s1] =	ssyncset.done $0x0  }
0xc1: {  	[sflag:s1] =	ssyncadd.s32 $0xFFFFFC00  }
0xc2: {  	_ =	swait.ge [sflag:s1], $0x400  }
0xc3: {  	[sflag:s1] =	ssyncset.done $0x0  }
0xc4: {  	[sflag:s1] =	ssyncadd.s32 $0xFFFFFC00  }
0xc5: {  	[tilespmem:s0], [sflag:$0x3] =	stream.indirect.gather [hbm4b:s5+s24], $0x8, s21, s24, $0xb8;
	[tilespmem:$0x1D700] =	vst v63  }
0xc6: {  	s15 =	rddreg [dreg:$0xa]  }
0xc7: {  	[tilespmem:s2], [sflag:$0x3] =	stream.indirect.gather [hbm4b:s5+s24], $0x8, s15, s24, $0xb8;
	[tilespmem:$0x1D700] =	vst v63  }
0xc8: {  	s19 =	rddreg [dreg:$0xb]  }
0xc9: {  	[tilespmem:s9], [sflag:$0x3] =	stream.indirect.gather [hbm4b:s5+s24], $0x8, s19, s24, $0xb8;
	[tilespmem:$0x1D700] =	vst v63  }
0xca: {  	s15 =	rddreg [dreg:$0xc]  }
0xcb: {  	[tilespmem:s10], [sflag:$0x3] =	stream.indirect.gather [hbm4b:s5+s24], $0x8, s15, s24, $0xb8;
	[tilespmem:$0x1D700] =	vst v63  }
0xcc: {  	_ =	swait.ge [sflag:s30], $0x800  }
0xcd: {  	[sflag:s30] =	ssyncset.done $0x0  }
0xce: {  	[sflag:s30] =	ssyncadd.s32 $0xFFFFF800  }
0xcf: {  	[spmem:s3] =	stream.indirect.scatter.add.f32 [tilespmem:s0], [sflag:$0x4], $0x8, s22, s24, $0xb8;
	[tilespmem:$0x1D700] =	vst v63  }
0xd0: {  	_ =	swait.ge [sflag:s30], $0x800  }
0xd1: {  	[sflag:s30] =	ssyncset.done $0x0  }
0xd2: {  	s19 =	rddreg [dreg:$0xd];
	[sflag:s30] =	ssyncadd.s32 $0xFFFFF800  }
0xd3: {  	[spmem:s3] =	stream.indirect.scatter.add.f32 [tilespmem:s2], [sflag:$0x4], $0x8, s19, s24, $0xb8;
	[tilespmem:$0x1D700] =	vst v63  }
0xd4: {  	_ =	swait.ge [sflag:s30], $0x800  }
0xd5: {  	[sflag:s30] =	ssyncset.done $0x0  }
0xd6: {  	s19 =	rddreg [dreg:$0xe];
	[sflag:s30] =	ssyncadd.s32 $0xFFFFF800  }
0xd7: {  	[spmem:s3] =	stream.indirect.scatter.add.f32 [tilespmem:s9], [sflag:$0x4], $0x8, s19, s24, $0xb8;
	[tilespmem:$0x1D700] =	vst v63  }
0xd8: {  	_ =	swait.ge [sflag:s30], $0x800  }
0xd9: {  	[sflag:s30] =	ssyncset.done $0x0  }
0xda: {  	s19 =	rddreg [dreg:$0xf];
	[sflag:s30] =	ssyncadd.s32 $0xFFFFF800  }
0xdb: {  	[spmem:s3] =	stream.indirect.scatter.add.f32 [tilespmem:s10], [sflag:$0x4], $0x8, s19, s24, $0xb8;
	[tilespmem:$0x1D700] =	vst v63  }
0xdc: {  	_ =	swait.ge [sflag:s31], $0x800  }
0xdd: {  	[sflag:s31] =	ssyncset.done $0x0  }
0xde: {  	[sflag:s31] =	ssyncadd.s32 $0xFFFFF800  }
0xdf: {  	_ =	swait.ge [sflag:s31], $0x800  }
0xe0: {  	[sflag:s31] =	ssyncset.done $0x0  }
0xe1: {  	[sflag:s31] =	ssyncadd.s32 $0xFFFFF800  }
0xe2: {  	_ =	swait.ge [sflag:s31], $0x800  }
0xe3: {  	[sflag:s31] =	ssyncset.done $0x0  }
0xe4: {  	[sflag:s31] =	ssyncadd.s32 $0xFFFFF800  }
0xe5: {  	_ =	swait.ge [sflag:s31], $0x800  }
0xe6: {  	s15 =	rddreg [dreg:$0x4]  }
0xe7: {  	s17 =	smov.u32 s12;
	s16 =	smov.u32 s8;
	p2 =	sne.s32 s15, s7  }
.Ltmp1:
0xe8: {  	s12 =	sadd.s32 $0x100, s12;
	s19 =	sadd.s32 $0x3, s18;
	(pc) =	sbr.rel @p2 .LBB2_2-.Ltmp1, $4  }
0xe9: {  	s8 =	sadd.s32 $0x100, s8;
	p1 =	sge.u32 s19, s6;
	[sflag:s31] =	ssyncset.done $0x0  }
0xea: {  	s18 =	simm.s32 @!p1 $0x0;
	s19 =	simm.s32 @!p1 $0x2800;
	[sflag:s31] =	ssyncadd.s32 $0xFFFFF800  }
0xeb: {  	[tilespmem:s19], [sflag:$0x2] =	stream.linear.gather @!p1 [hbm4b:s16+s18], $0x400, $0x38;
	[tilespmem:$0x1D700] =	vst v63  }
0xec: {  	s14 =	sadd.s32 $0x100, s14;
	s13 =	sadd.s32 $0x100, s13;
	s16 =	simm.s32 @!p1 $0x2C00  }
.LBB2_3:
0xed: {  	[tilespmem:s16], [sflag:$0x2] =	stream.linear.gather @!p1 [hbm4b:s17+s18], $0x400, $0x38;
	[tilespmem:$0x1D700] =	vst v63  }
0xee: {  	s7 =	simm.s32 @!p0 $0x1  }
0xef: {  	_ =	swait.ge @!p0 [sflag:s7], $0x400  }
0xf0: {  	[sflag:s7] =	ssyncset.done @!p0 $0x0  }
0xf1: {  	[sflag:s7] =	ssyncadd.s32 @!p0 $0xFFFFFC00  }
0xf2: {  	_ =	swait.ge @!p0 [sflag:s7], $0x400  }
0xf3: {  	s8 =	simm.s32 @!p0 $0x0;
	[sflag:s7] =	ssyncset.done @!p0 $0x0  }
0xf4: {  	s12 =	simm.s32 @!p0 $0x800;
	[sflag:s7] =	ssyncadd.s32 @!p0 $0xFFFFFC00;
	s7 =	simm.s32 @!p0 $0x100  }
0xf5: {  	[tilespmem:s12], [sflag:$0x3] =	stream.indirect.gather @!p0 [hbm4b:s5+s7], $0x8, s8, s7, $0xb8;
	[tilespmem:$0x1D700] =	vst v63  }
0xf6: {  	s8 =	simm.s32 @!p0 $0x1000  }
0xf7: {  	[tilespmem:s8], [sflag:$0x3] =	stream.indirect.gather @!p0 [hbm4b:s5+s7], $0x8, s7, s7, $0xb8;
	[tilespmem:$0x1D700] =	vst v63  }
0xf8: {  	s13 =	simm.s32 @!p0 $0x200;
	s14 =	simm.s32 @!p0 $0x1800  }
0xf9: {  	[tilespmem:s14], [sflag:$0x3] =	stream.indirect.gather @!p0 [hbm4b:s5+s7], $0x8, s13, s7, $0xb8;
	[tilespmem:$0x1D700] =	vst v63  }
0xfa: {  	s15 =	simm.s32 @!p0 $0x2000;
	s13 =	simm.s32 @!p0 $0x300  }
0xfb: {  	[tilespmem:s15], [sflag:$0x3] =	stream.indirect.gather @!p0 [hbm4b:s5+s7], $0x8, s13, s7, $0xb8;
	[tilespmem:$0x1D700] =	vst v63  }
0xfc: {  	s13 =	simm.s32 @!p0 $0x3  }
0xfd: {  	_ =	swait.ge @!p0 [sflag:s13], $0x800  }
0xfe: {  	[sflag:s13] =	ssyncset.done @!p0 $0x0  }
0xff: {  	s16 =	simm.s32 @!p0 $0x400;
	[sflag:s13] =	ssyncadd.s32 @!p0 $0xFFFFF800  }
0x100: {  	[spmem:s3] =	stream.indirect.scatter.add.f32 @!p0 [tilespmem:s12], [sflag:$0x4], $0x8, s16, s7, $0xb8;
	[tilespmem:$0x1D700] =	vst v63  }
0x101: {  	_ =	swait.ge @!p0 [sflag:s13], $0x800  }
0x102: {  	[sflag:s13] =	ssyncset.done @!p0 $0x0  }
0x103: {  	s12 =	simm.s32 @!p0 $0x500;
	[sflag:s13] =	ssyncadd.s32 @!p0 $0xFFFFF800  }
0x104: {  	[spmem:s3] =	stream.indirect.scatter.add.f32 @!p0 [tilespmem:s8], [sflag:$0x4], $0x8, s12, s7, $0xb8;
	[tilespmem:$0x1D700] =	vst v63  }
0x105: {  	_ =	swait.ge @!p0 [sflag:s13], $0x800  }
0x106: {  	[sflag:s13] =	ssyncset.done @!p0 $0x0  }
0x107: {  	s8 =	simm.s32 @!p0 $0x600;
	[sflag:s13] =	ssyncadd.s32 @!p0 $0xFFFFF800  }
0x108: {  	[spmem:s3] =	stream.indirect.scatter.add.f32 @!p0 [tilespmem:s14], [sflag:$0x4], $0x8, s8, s7, $0xb8;
	[tilespmem:$0x1D700] =	vst v63  }
0x109: {  	_ =	swait.ge @!p0 [sflag:s13], $0x800  }
0x10a: {  	[sflag:s13] =	ssyncset.done @!p0 $0x0  }
0x10b: {  	s8 =	simm.s32 @!p0 $0x700;
	[sflag:s13] =	ssyncadd.s32 @!p0 $0xFFFFF800  }
0x10c: {  	[spmem:s3] =	stream.indirect.scatter.add.f32 @!p0 [tilespmem:s15], [sflag:$0x4], $0x8, s8, s7, $0xb8;
	[tilespmem:$0x1D700] =	vst v63  }
0x10d: {  	s7 =	simm.s32 @!p0 $0x4  }
0x10e: {  	_ =	swait.ge @!p0 [sflag:s7], $0x800  }
0x10f: {  	[sflag:s7] =	ssyncset.done @!p0 $0x0  }
0x110: {  	[sflag:s7] =	ssyncadd.s32 @!p0 $0xFFFFF800  }
0x111: {  	_ =	swait.ge @!p0 [sflag:s7], $0x800  }
0x112: {  	[sflag:s7] =	ssyncset.done @!p0 $0x0  }
0x113: {  	[sflag:s7] =	ssyncadd.s32 @!p0 $0xFFFFF800  }
0x114: {  	_ =	swait.ge @!p0 [sflag:s7], $0x800  }
0x115: {  	[sflag:s7] =	ssyncset.done @!p0 $0x0  }
0x116: {  	[sflag:s7] =	ssyncadd.s32 @!p0 $0xFFFFF800  }
0x117: {  	_ =	swait.ge @!p0 [sflag:s7], $0x800  }
0x118: {  	[sflag:s7] =	ssyncset.done @!p0 $0x0  }
0x119: {  	[sflag:s7] =	ssyncadd.s32 @!p0 $0xFFFFF800  }
0x11a: {  	[bflag:$0x0] =	sbarrier.arrive $0xFFFF  }
0x11b: {  	s12 =	simm.s32 $0x5;
	s8 =	simm.s32 $0x5000;
	s16 =	rddreg [dreg:$0x11]  }
0x11c: {  	[tilespmem:s8], [sflag:$0x5] =	stream.linear.gather [spmem:s16], $0xC380, $0x38;
	[tilespmem:$0x1D700] =	vst v63  }
0x11d: {  	_ =	swait.ge [sflag:s12], $0xC380  }
0x11e: {  	[sflag:s12] =	ssyncset.done $0x0  }
0x11f: {  	s18 =	rddreg [dreg:$0x15];
	[sflag:s12] =	ssyncadd.s32 $0xFFFF3C80  }
0x120: {  	[hbm4b:s18+s4] =	stream.linear.scatter [tilespmem:s8], [sflag:$0x5], $0xC380, $0x38;
	[tilespmem:$0x1D700] =	vst v63  }
0x121: {  	_ =	swait.ge [sflag:s12], $0xC380  }
0x122: {  	s11 =	sadd.s32 $0x1, s11;
	s19 =	rddreg [dreg:$0x16]  }
0x123: {  	p1 =	sne.s32 s11, s19  }
.Ltmp2:
0x124: {  	_ = 	snop;
	(pc) =	sbr.rel @p1 .LBB2_1-.Ltmp2, $3  }
0x125: {  	_ =	sdelay $0x1  }
0x126: {  	[sflag:s12] =	ssyncset.done $0x0  }
0x127: {  	[sflag:s12] =	ssyncadd.s32 $0xFFFF3C80  }
0x128: {  	_ =	sfence.sel $0x180000  }
0x129: {  	[bflag:$0x0] =	sbarrier.arrive $0xFFFF  }
0x12a: {  	_ =	strace $0x9000004A  }
0x12b: {  	s0 =	stileid.u32;
	[bflag:$0x2] =	sbarrier.arrive $0xFFFF  }
0x12c: {  	p0 =	sne.s32 s0, $0x0;
	s0 =	rddreg [dreg:$0x3]  }
0x12d: {  	s0 =	sadd.s32 @!p0 $0x100000, s0  }
0x12e: {  	[sflag:s0] =	ssyncadd.tile.s32 @!p0 $0x1;
	_ =	shalt  }
.Lfunc_end2:
_tile_overlayer_lowered:
.L_overlay_start_2:
0x12f: {  	(tag) =	ssettag $0x2  }
0x130: {  	s0 =	rddreg [dreg:$0x0];
	s2 =	stileid.u32  }
0x131: {  	s1 =	rddreg [dreg:$0x1];
	p0 =	sne.s32 s2, $0x0  }
0x132: {  	s3 =	rddreg [dreg:$0x2];
	[bflag:$0x3] =	sbarrier.arrive $0xFFFF;
	s2 =	simm.s32 @!p0 $0x1C05  }
0x133: {  	[timem:s3], [sflag:s2] =	dma.local @!p0 [hbm:s0], s1  }
0x134: {  	s0 =	simm.s32 @!p0 $0x5  }
0x135: {  	_ =	swait.ge @!p0 [sflag:s0], s1  }
0x136: {  	s1 =	ssub.s32 @!p0 $0x0, s1;
	[sflag:s0] =	ssyncset.done @!p0 $0x0  }
0x137: {  	[sflag:s0] =	ssyncadd.s32 @!p0 s1  }
0x138: {  	[bflag:$0x3] =	sbarrier.arrive $0xFFFF  }
0x139: {  	_ =	shalt  }

</sc_bundles>
